<compile_context>
chip_gen: v7x
topology: tpu7x:2x2x1
jax: 0.10.2.dev20260603
libtpu: 0.0.44.dev20260713+nightly
codegen_flags: <defaults>
</compile_context>

<pallas_src>
import functools

import jax
import jax.numpy as jnp
from jax import lax
from jax.experimental import pallas as pl
from jax.experimental.pallas import tpu as pltpu
from jax.experimental.pallas import tpu_sc as plsc

F32 = jnp.float32
NC = 2
NS = 16
NW = NC * NS
CH = 128



def _edge_feats_body(ea, We1, be1, We2, be2, We3, be3, o1, o2, o3):
    a = ea[...]
    o1[...] = jnp.dot(a, We1[...], preferred_element_type=F32) + be1[...]
    o2[...] = jnp.dot(a, We2[...], preferred_element_type=F32) + be2[...]
    o3[...] = jnp.dot(a, We3[...], preferred_element_type=F32) + be3[...]


def _edge_feats(edge_attr, We1, be1, We2, be2, We3, be3):
    E, DE = edge_attr.shape
    D1 = We1.shape[1]
    D2 = We2.shape[1]
    D3 = We3.shape[1]
    EB = 4096
    grid = (E // EB,)
    full = lambda s: pl.BlockSpec(s, lambda i: (0, 0))
    return pl.pallas_call(
        _edge_feats_body,
        grid=grid,
        in_specs=[
            pl.BlockSpec((EB, DE), lambda i: (i, 0)),
            full((DE, D1)), full((1, D1)),
            full((DE, D2)), full((1, D2)),
            full((DE, D3)), full((1, D3)),
        ],
        out_specs=[
            pl.BlockSpec((EB, D1), lambda i: (i, 0)),
            pl.BlockSpec((EB, D2), lambda i: (i, 0)),
            pl.BlockSpec((EB, D3), lambda i: (i, 0)),
        ],
        out_shape=[
            jax.ShapeDtypeStruct((E, D1), F32),
            jax.ShapeDtypeStruct((E, D2), F32),
            jax.ShapeDtypeStruct((E, D3), F32),
        ],
    )(edge_attr, We1, be1.reshape(1, -1), We2, be2.reshape(1, -1),
      We3, be3.reshape(1, -1))


def _mlp_body(t, a0, a1, Wa, ba, g, bt, Wb, bb, P, o):
    Din = Wa.shape[0]
    s = (t[...] + a0[...] + a1[...])[:, :Din]
    h = jnp.dot(s, Wa[...], preferred_element_type=F32) + ba[...]
    n = h.shape[0]
    mu = jnp.sum(h, axis=0, keepdims=True) * (1.0 / n)
    d = h - mu
    var = jnp.sum(d * d, axis=0, keepdims=True) * (1.0 / n)
    h = d * lax.rsqrt(var + 1e-5) * g[...] + bt[...]
    h = jnp.maximum(h, 0.0)
    h = jnp.maximum(jnp.dot(h, Wb[...], preferred_element_type=F32) + bb[...], 0.0)
    o[...] = jnp.dot(h, P[...], preferred_element_type=F32)


def _mlp(t, a0, a1, Wa, ba, g, bt, Wb, bb, P):
    n = t.shape[0]
    return pl.pallas_call(
        _mlp_body,
        out_shape=jax.ShapeDtypeStruct((n, P.shape[1]), F32),
    )(t, a0, a1, Wa, ba.reshape(1, -1), g.reshape(1, -1), bt.reshape(1, -1),
      Wb, bb.reshape(1, -1), P)


def _head_body(h1, h2, h3, W1, W2, W3, bl1, Wl2, bl2, o):
    H = W1.shape[0]
    z = (jnp.dot(h1[...][:, :H], W1[...], preferred_element_type=F32)
         + jnp.dot(h2[...][:, :H], W2[...], preferred_element_type=F32)
         + jnp.dot(h3[...][:, :H], W3[...], preferred_element_type=F32)
         + bl1[...])
    z = jnp.maximum(z, 0.0)
    o[...] = jnp.dot(z, Wl2[...], preferred_element_type=F32) + bl2[...]


def _head(h1, h2, h3, Wl1, bl1, Wl2, bl2):
    n = h1.shape[0]
    H = Wl1.shape[0] // 3
    DO = Wl2.shape[1]
    return pl.pallas_call(
        _head_body,
        out_shape=jax.ShapeDtypeStruct((n, DO), F32),
    )(h1, h2, h3, Wl1[:H], Wl1[H:2 * H], Wl1[2 * H:], bl1.reshape(1, -1),
      Wl2, bl2.reshape(1, -1))



@functools.lru_cache(maxsize=None)
def _make_msg_kernel(n_pad, n_edges, De, ch):
    Df = 128
    n_chunks = n_edges // ch
    KPT = n_chunks // NW
    rows_per_tile = n_pad // NS
    mesh = plsc.VectorSubcoreMesh(core_axis_name="c", subcore_axis_name="s")

    SB = 16
    scratch = [
        pltpu.VMEM((SB, ch), jnp.int32),
        pltpu.VMEM((SB, ch), jnp.int32),
        pltpu.VMEM((2, ch, Df), F32),
        pltpu.VMEM((2, ch, De), F32),
        pltpu.VMEM_SHARED((n_pad, Df), F32),
        pltpu.SemaphoreType.DMA, pltpu.SemaphoreType.DMA,
        pltpu.SemaphoreType.DMA, pltpu.SemaphoreType.DMA,
        pltpu.SemaphoreType.DMA, pltpu.SemaphoreType.DMA,
    ]

    @functools.partial(
        pl.kernel,
        out_type=jax.ShapeDtypeStruct((NC, n_pad, Df), F32),
        mesh=mesh,
        scratch_types=scratch,
    )
    def msg(table, src2d, dst2d, ef, zeros, out, sidx, didx, xbuf, efbuf,
            aggr, sem_g0, sem_g1, sem_e0, sem_e1, sem_s0, sem_s1):
        c = lax.axis_index("c")
        s = lax.axis_index("s")
        wid = s * NC + c
        k0 = wid * KPT
        sem_g = (sem_g0, sem_g1)
        sem_e = (sem_e0, sem_e1)
        sem_s = (sem_s0, sem_s1)

        stripe = pl.ds(s * rows_per_tile, rows_per_tile)
        pltpu.sync_copy(zeros, aggr.at[stripe])
        plsc.subcore_barrier()

        if De == Df:
            def compute(b):
                def row_body(r, carry2):
                    xbuf[b, r] = jnp.maximum(xbuf[b, r] + efbuf[b, r], 0.0)
                    return carry2

                lax.fori_loop(0, ch, row_body, 0)
        else:
            def compute(b):
                sl = pl.ds(0, De)
                xbuf[b, :, sl] = jnp.maximum(xbuf[b, :, sl] + efbuf[b], 0.0)

        @pl.loop(0, KPT, step=2)
        def pair_body(k2):
            @pl.when(lax.rem(k2, SB) == 0)
            def _():
                kb = pl.multiple_of(k0 + k2, SB)
                pltpu.sync_copy(src2d.at[pl.ds(kb, SB)], sidx)
                pltpu.sync_copy(dst2d.at[pl.ds(kb, SB)], didx)

            r = lax.rem(k2, SB)
            g0 = pltpu.async_copy(table.at[sidx.at[r]], xbuf.at[0], sem_g[0])
            f0 = pltpu.async_copy(ef.at[pl.ds((k0 + k2) * ch, ch)],
                                  efbuf.at[0], sem_e[0])
            g1 = pltpu.async_copy(table.at[sidx.at[r + 1]], xbuf.at[1],
                                  sem_g[1])
            f1 = pltpu.async_copy(ef.at[pl.ds((k0 + k2 + 1) * ch, ch)],
                                  efbuf.at[1], sem_e[1])
            g0.wait()
            f0.wait()
            compute(0)
            s0 = pltpu.async_copy(xbuf.at[0], aggr.at[didx.at[r]], sem_s[0],
                                  add=True)
            g1.wait()
            f1.wait()
            compute(1)
            s1 = pltpu.async_copy(xbuf.at[1], aggr.at[didx.at[r + 1]],
                                  sem_s[1], add=True)
            s0.wait()
            s1.wait()

        plsc.subcore_barrier()
        pltpu.sync_copy(aggr.at[stripe], out.at[c, stripe])

    return msg


def _message(table, src2d, dst2d, ef, zeros, n_pad):
    ch = src2d.shape[1]
    k = _make_msg_kernel(n_pad, ef.shape[0], ef.shape[1], ch)
    parts = k(table, src2d, dst2d, ef, zeros)
    n_nodes = table.shape[0]
    return parts[0, :n_nodes], parts[1, :n_nodes]



def kernel(x, edge_index, edge_attr, batch,
           We1, be1, Wa1, ba1, g1, bt1, Wb1, bb1,
           We2, be2, Wa2, ba2, g2, bt2, Wb2, bb2,
           We3, be3, Wa3, ba3, g3, bt3, Wb3, bb3,
           Wl1, bl1, Wl2, bl2):
    src = edge_index[0]
    dst = edge_index[1]
    n = x.shape[0]
    D = x.shape[1]
    H = Wa2.shape[0]
    n_pad = ((n + 8 * NS - 1) // (8 * NS)) * (8 * NS)

    E = src.shape[0]

    def pad_idx(ch):
        group = NW * ch * 16
        e_pad = -(-E // group) * group
        pad_n = e_pad - E
        s2, d2 = src, dst
        if pad_n:
            idx = jnp.arange(pad_n, dtype=jnp.int32)
            s2 = jnp.concatenate([s2, idx % n])
            d2 = jnp.concatenate([d2, n + idx % (n_pad - n)])
        return s2.reshape(-1, ch), d2.reshape(-1, ch), e_pad

    src1, dst1, E1 = pad_idx(CH // 2)
    src23, dst23, E23 = src1, dst1, E1
    edge_attr = jnp.pad(edge_attr, ((0, E1 - E), (0, 0)))

    e1, e2, e3 = _edge_feats(edge_attr, We1, be1, We2, be2, We3, be3)

    z128 = jnp.zeros((n_pad // NS, D), F32)
    P = jnp.concatenate([jnp.eye(H, dtype=F32),
                         jnp.zeros((H, D - H), F32)], axis=1)

    a0, a1 = _message(x, src1, dst1, e1[:E1], z128, n_pad)
    h1 = _mlp(x, a0, a1, Wa1, ba1, g1, bt1, Wb1, bb1, P)

    a0, a1 = _message(h1, src23, dst23, e2[:E23], z128, n_pad)
    h2 = _mlp(h1, a0, a1, Wa2, ba2, g2, bt2, Wb2, bb2, P)

    a0, a1 = _message(h2, src23, dst23, e3[:E23], z128, n_pad)
    h3 = _mlp(h2, a0, a1, Wa3, ba3, g3, bt3, Wb3, bb3, P)

    return _head(h1, h2, h3, Wl1, bl1, Wl2, bl2)

# --- scband reference (transcript-rebuilt; emitter-appended) ---
"""Pipeline reference for scband-gine-2757369004238 (READ-ONLY COPY).

The authoritative reference and input builder live on the scoring server;
editing this copy changes nothing except your own understanding.
"""

import jax, jax.numpy as jnp
import numpy as np

N = 10000
E = 320000
D = 128
DE = 16
H = 16
HL = 64
DO = 128

def _w(k, shape):
    return jax.random.normal(k, shape, dtype=jnp.float32) * 0.05

def setup_inputs(seed: int = 0):
    key = jax.random.key(seed)
    ks = jax.random.split(key, 20)
    inp = {}
    inp["x"] = jax.random.normal(ks[0], (N, D), dtype=jnp.float32)
    inp["edge_index"] = jax.random.randint(ks[1], (2, E), 0, N, dtype=jnp.int32)
    inp["edge_attr"] = jax.random.normal(ks[2], (E, DE), dtype=jnp.float32)
    inp["batch"] = jnp.sort(jax.random.randint(ks[3], (N,), 0, 64, dtype=jnp.int32))
    # conv1 params (edge lin maps DE -> D; mlp D -> H -> H with batchnorm)
    inp["We1"] = _w(ks[4], (DE, D)); inp["be1"] = jnp.zeros((D,), jnp.float32)
    inp["Wa1"] = _w(ks[5], (D, H)); inp["ba1"] = jnp.zeros((H,), jnp.float32)
    inp["g1"] = jnp.ones((H,), jnp.float32); inp["bt1"] = jnp.zeros((H,), jnp.float32)
    inp["Wb1"] = _w(ks[6], (H, H)); inp["bb1"] = jnp.zeros((H,), jnp.float32)
    # conv2 params
    inp["We2"] = _w(ks[7], (DE, H)); inp["be2"] = jnp.zeros((H,), jnp.float32)
    inp["Wa2"] = _w(ks[8], (H, H)); inp["ba2"] = jnp.zeros((H,), jnp.float32)
    inp["g2"] = jnp.ones((H,), jnp.float32); inp["bt2"] = jnp.zeros((H,), jnp.float32)
    inp["Wb2"] = _w(ks[9], (H, H)); inp["bb2"] = jnp.zeros((H,), jnp.float32)
    # conv3 params
    inp["We3"] = _w(ks[10], (DE, H)); inp["be3"] = jnp.zeros((H,), jnp.float32)
    inp["Wa3"] = _w(ks[11], (H, H)); inp["ba3"] = jnp.zeros((H,), jnp.float32)
    inp["g3"] = jnp.ones((H,), jnp.float32); inp["bt3"] = jnp.zeros((H,), jnp.float32)
    inp["Wb3"] = _w(ks[12], (H, H)); inp["bb3"] = jnp.zeros((H,), jnp.float32)
    # linear head
    inp["Wl1"] = _w(ks[13], (3 * H, HL)); inp["bl1"] = jnp.zeros((HL,), jnp.float32)
    inp["Wl2"] = _w(ks[14], (HL, DO)); inp["bl2"] = jnp.zeros((DO,), jnp.float32)
    return inp

def _gine_conv(x, edge_index, edge_attr, We, be, Wa, ba, g, bt, Wb, bb):
    src = edge_index[0]
    dst = edge_index[1]
    e = edge_attr @ We + be
    m = jax.nn.relu(x[src] + e)
    aggr = jax.ops.segment_sum(m, dst, num_segments=x.shape[0])
    h = (x + aggr) @ Wa + ba  # eps=0 default -> (1+0)*x + aggr
    mu = jnp.mean(h, axis=0)
    var = jnp.var(h, axis=0)
    h = (h - mu) * jax.lax.rsqrt(var + 1e-5) * g + bt
    h = jax.nn.relu(h)
    h = jax.nn.relu(h @ Wb + bb)
    return h

def reference(x, edge_index, edge_attr, batch, We1, be1, Wa1, ba1, g1, bt1, Wb1, bb1, We2, be2, Wa2, ba2, g2, bt2, Wb2, bb2, We3, be3, Wa3, ba3, g3, bt3, Wb3, bb3, Wl1, bl1, Wl2, bl2):
    h1 = _gine_conv(x, edge_index, edge_attr, We1, be1, Wa1, ba1, g1, bt1, Wb1, bb1)
    h2 = _gine_conv(h1, edge_index, edge_attr, We2, be2, Wa2, ba2, g2, bt2, Wb2, bb2)
    h3 = _gine_conv(h2, edge_index, edge_attr, We3, be3, Wa3, ba3, g3, bt3, Wb3, bb3)
    h = jnp.concatenate([h1, h2, h3], axis=1)
    h = jax.nn.relu(h @ Wl1 + bl1)
    # dropout is identity in eval mode
    h = h @ Wl2 + bl2
    return h

if __name__ == "__main__":
    import jax
    _d = setup_inputs()
    print(jax.jit(kernel)(*tuple(_d.values())))

</pallas_src>

<mosaic_0001>
#map = affine_map<(d0, d1) -> (0, 0)>
#map1 = affine_map<(d0, d1) -> (0, 0, 0)>
module attributes {stable_mosaic.version = 14 : i64} {
  func.func @msg(%arg0: i32, %arg1: i32, %arg2: memref<10000x128xf32, #tpu.memory_space<hbm>>, %arg3: memref<5120x64xi32, #tpu.memory_space<hbm>>, %arg4: memref<5120x64xi32, #tpu.memory_space<hbm>>, %arg5: memref<327680x128xf32, #tpu.memory_space<hbm>>, %arg6: memref<632x128xf32, #tpu.memory_space<hbm>>, %arg7: memref<2x10112x128xf32, #tpu.memory_space<hbm>>, %arg8: memref<16x64xi32, #tpu.memory_space<vmem>>, %arg9: memref<16x64xi32, #tpu.memory_space<vmem>>, %arg10: memref<2x64x128xf32, #tpu.memory_space<vmem>>, %arg11: memref<2x64x128xf32, #tpu.memory_space<vmem>>, %arg12: memref<10112x128xf32, #tpu.memory_space<vmem_shared>>, %arg13: memref<!tpu.dma_semaphore, #tpu.memory_space<semaphore_mem>>, %arg14: memref<!tpu.dma_semaphore, #tpu.memory_space<semaphore_mem>>, %arg15: memref<!tpu.dma_semaphore, #tpu.memory_space<semaphore_mem>>, %arg16: memref<!tpu.dma_semaphore, #tpu.memory_space<semaphore_mem>>, %arg17: memref<!tpu.dma_semaphore, #tpu.memory_space<semaphore_mem>>, %arg18: memref<!tpu.dma_semaphore, #tpu.memory_space<semaphore_mem>>) attributes {dimension_semantics = [#tpu.dimension_semantics<core_parallel>, #tpu.dimension_semantics<subcore_parallel>], iteration_bounds = array<i64: 2, 16>, scalar_prefetch = 0 : i64, scratch_operands = 11 : i64, tpu.core_type = #tpu.core_type<sc_vector_subcore>, window_params = [{transform_indices = #map}, {transform_indices = #map}, {transform_indices = #map}, {transform_indices = #map}, {transform_indices = #map}, {transform_indices = #map1}]} {
    %mul3A = arith.constant 2 : i32
    %mul3A_0 = arith.muli %arg1, %mul3A : i32
    %add3A = arith.addi %mul3A_0, %arg0 : i32
    %mul3A_1 = arith.constant 160 : i32
    %mul3A_2 = arith.muli %add3A, %mul3A_1 : i32
    %mul3A_3 = arith.constant 632 : i32
    %mul3A_4 = arith.muli %arg1, %mul3A_3 : i32
    "tpu.region"() ({
      %run_scoped3A = tpu.sem_alloc : memref<!tpu.dma_semaphore, #tpu.memory_space<semaphore_mem>>
      %dma_start3A = arith.constant 0 : i32
      %dma_start3A_10 = tpu.memref_slice %arg12[%mul3A_4, %dma_start3A] : memref<10112x128xf32, #tpu.memory_space<vmem_shared>> -> memref<632x128xf32, #tpu.memory_space<vmem_shared>>
      tpu.enqueue_dma source(%arg6 : memref<632x128xf32, #tpu.memory_space<hbm>>) target(%dma_start3A_10 : memref<632x128xf32, #tpu.memory_space<vmem_shared>>) target_semaphore(%run_scoped3A : memref<!tpu.dma_semaphore, #tpu.memory_space<semaphore_mem>>)
      %dma_wait3A = arith.constant 0 : i32
      %dma_wait3A_11 = tpu.memref_slice %arg12[%mul3A_4, %dma_wait3A] : memref<10112x128xf32, #tpu.memory_space<vmem_shared>> -> memref<632x128xf32, #tpu.memory_space<vmem_shared>>
      tpu.wait_dma2 semaphore(%run_scoped3A : memref<!tpu.dma_semaphore, #tpu.memory_space<semaphore_mem>>) src(%arg6 : memref<632x128xf32, #tpu.memory_space<hbm>>) dst(%dma_wait3A_11 : memref<632x128xf32, #tpu.memory_space<vmem_shared>>)
      tpu.yield
    }) : () -> ()
    %barrier3A = arith.constant 0 : index
    tpu.barrier barrier_id(%barrier3A)
    %scan3A = arith.constant 0 : i32
    %scan3A_5 = arith.constant 80 : i32
    %scan3A_6 = arith.addi %scan3A, %scan3A_5 : i32
    %scan3A_7 = arith.constant 1 : i32
    scf.for %scan3A_10 = %scan3A to %scan3A_6 step %scan3A_7  : i32 {
      %mul3A_11 = arith.constant 2 : i32
      %mul3A_12 = arith.muli %scan3A_10, %mul3A_11 : i32
      %add3A_13 = arith.constant 0 : i32
      %add3A_14 = arith.addi %add3A_13, %mul3A_12 : i32
      %rem3A = arith.constant 16 : i32
      %rem3A_15 = arith.remsi %add3A_14, %rem3A : i32
      %eq3A = arith.constant 0 : i32
      %eq3A_16 = arith.cmpi eq, %rem3A_15, %eq3A : i32
      %convert_element_type3A = arith.extui %eq3A_16 : i1 to i32
      %cond3A = arith.constant 0 : i32
      %cond3A_17 = arith.cmpi ne, %convert_element_type3A, %cond3A : i32
      scf.if %cond3A_17 {
        %add3A_182 = arith.addi %mul3A_2, %add3A_14 : i32
        %multiple_of3A = tpu.assume_multiple %add3A_182, 16 : i32
        "tpu.region"() ({
          %run_scoped3A = tpu.sem_alloc : memref<!tpu.dma_semaphore, #tpu.memory_space<semaphore_mem>>
          %dma_start3A_183 = arith.constant 0 : i32
          %dma_start3A_184 = tpu.memref_slice %arg3[%multiple_of3A, %dma_start3A_183] : memref<5120x64xi32, #tpu.memory_space<hbm>> -> memref<16x64xi32, #tpu.memory_space<hbm>>
          %dma_start3A_185 = arith.constant 0 : i32
          %dma_start3A_186 = tpu.memref_slice %arg3[%multiple_of3A, %dma_start3A_185] : memref<5120x64xi32, #tpu.memory_space<hbm>> -> memref<16x64xi32, #tpu.memory_space<hbm>>
          tpu.enqueue_dma source(%dma_start3A_186 : memref<16x64xi32, #tpu.memory_space<hbm>>) target(%arg8 : memref<16x64xi32, #tpu.memory_space<vmem>>) target_semaphore(%run_scoped3A : memref<!tpu.dma_semaphore, #tpu.memory_space<semaphore_mem>>)
          %dma_wait3A_187 = arith.constant 0 : i32
          %dma_wait3A_188 = tpu.memref_slice %arg3[%multiple_of3A, %dma_wait3A_187] : memref<5120x64xi32, #tpu.memory_space<hbm>> -> memref<16x64xi32, #tpu.memory_space<hbm>>
          %dma_wait3A_189 = arith.constant 0 : i32
          %dma_wait3A_190 = tpu.memref_slice %arg3[%multiple_of3A, %dma_wait3A_189] : memref<5120x64xi32, #tpu.memory_space<hbm>> -> memref<16x64xi32, #tpu.memory_space<hbm>>
          tpu.wait_dma2 semaphore(%run_scoped3A : memref<!tpu.dma_semaphore, #tpu.memory_space<semaphore_mem>>) src(%dma_wait3A_190 : memref<16x64xi32, #tpu.memory_space<hbm>>) dst(%arg8 : memref<16x64xi32, #tpu.memory_space<vmem>>)
          tpu.yield
        }) : () -> ()
        "tpu.region"() ({
          %run_scoped3A = tpu.sem_alloc : memref<!tpu.dma_semaphore, #tpu.memory_space<semaphore_mem>>
          %dma_start3A_183 = arith.constant 0 : i32
          %dma_start3A_184 = tpu.memref_slice %arg4[%multiple_of3A, %dma_start3A_183] : memref<5120x64xi32, #tpu.memory_space<hbm>> -> memref<16x64xi32, #tpu.memory_space<hbm>>
          %dma_start3A_185 = arith.constant 0 : i32
          %dma_start3A_186 = tpu.memref_slice %arg4[%multiple_of3A, %dma_start3A_185] : memref<5120x64xi32, #tpu.memory_space<hbm>> -> memref<16x64xi32, #tpu.memory_space<hbm>>
          tpu.enqueue_dma source(%dma_start3A_186 : memref<16x64xi32, #tpu.memory_space<hbm>>) target(%arg9 : memref<16x64xi32, #tpu.memory_space<vmem>>) target_semaphore(%run_scoped3A : memref<!tpu.dma_semaphore, #tpu.memory_space<semaphore_mem>>)
          %dma_wait3A_187 = arith.constant 0 : i32
          %dma_wait3A_188 = tpu.memref_slice %arg4[%multiple_of3A, %dma_wait3A_187] : memref<5120x64xi32, #tpu.memory_space<hbm>> -> memref<16x64xi32, #tpu.memory_space<hbm>>
          %dma_wait3A_189 = arith.constant 0 : i32
          %dma_wait3A_190 = tpu.memref_slice %arg4[%multiple_of3A, %dma_wait3A_189] : memref<5120x64xi32, #tpu.memory_space<hbm>> -> memref<16x64xi32, #tpu.memory_space<hbm>>
          tpu.wait_dma2 semaphore(%run_scoped3A : memref<!tpu.dma_semaphore, #tpu.memory_space<semaphore_mem>>) src(%dma_wait3A_190 : memref<16x64xi32, #tpu.memory_space<hbm>>) dst(%arg9 : memref<16x64xi32, #tpu.memory_space<vmem>>)
          tpu.yield
        }) : () -> ()
      } else {
      }
      %rem3A_18 = arith.constant 16 : i32
      %rem3A_19 = arith.remsi %add3A_14, %rem3A_18 : i32
      %dma_start3A = arith.constant 0 : i32
      %dma_start3A_20 = arith.constant 0 : i32
      %dma_start3A_21 = arith.constant 0 : i32
      %dma_start3A_22 = tpu.memref_slice %arg10[%dma_start3A, %dma_start3A_20, %dma_start3A_21] : memref<2x64x128xf32, #tpu.memory_space<vmem>> -> memref<1x64x128xf32, #tpu.memory_space<vmem>>
      %dma_start3A_23 = tpu.memref_squeeze %dma_start3A_22 : memref<1x64x128xf32, #tpu.memory_space<vmem>> -> memref<64x128xf32, #tpu.memory_space<vmem>>
      %dma_start3A_24 = arith.constant 0 : i32
      %dma_start3A_25 = tpu.memref_slice %arg8[%rem3A_19, %dma_start3A_24] : memref<16x64xi32, #tpu.memory_space<vmem>> -> memref<1x64xi32, #tpu.memory_space<vmem>>
      %dma_start3A_26 = tpu.memref_squeeze %dma_start3A_25 : memref<1x64xi32, #tpu.memory_space<vmem>> -> memref<64xi32, #tpu.memory_space<vmem>>
      %dma_start3A_27 = arith.constant 0 : i32
      %dma_start3A_28 = arith.constant 0 : i32
      %dma_start3A_29 = tpu.memref_slice %arg2[%dma_start3A_27, %dma_start3A_28] : memref<10000x128xf32, #tpu.memory_space<hbm>> -> memref<10000x128xf32, #tpu.memory_space<hbm>>
      tpu.enqueue_indirect_dma source(%dma_start3A_29 : memref<10000x128xf32, #tpu.memory_space<hbm>>) target(%dma_start3A_23 : memref<64x128xf32, #tpu.memory_space<vmem>>) offsets(%dma_start3A_26 : memref<64xi32, #tpu.memory_space<vmem>>) semaphore(%arg13 : memref<!tpu.dma_semaphore, #tpu.memory_space<semaphore_mem>>)
      %add3A_30 = arith.addi %mul3A_2, %add3A_14 : i32
      %mul3A_31 = arith.constant 64 : i32
      %mul3A_32 = arith.muli %add3A_30, %mul3A_31 : i32
      %dma_start3A_33 = arith.constant 0 : i32
      %dma_start3A_34 = arith.constant 0 : i32
      %dma_start3A_35 = arith.constant 0 : i32
      %dma_start3A_36 = tpu.memref_slice %arg11[%dma_start3A_33, %dma_start3A_34, %dma_start3A_35] : memref<2x64x128xf32, #tpu.memory_space<vmem>> -> memref<1x64x128xf32, #tpu.memory_space<vmem>>
      %dma_start3A_37 = tpu.memref_squeeze %dma_start3A_36 : memref<1x64x128xf32, #tpu.memory_space<vmem>> -> memref<64x128xf32, #tpu.memory_space<vmem>>
      %dma_start3A_38 = arith.constant 0 : i32
      %dma_start3A_39 = tpu.memref_slice %arg5[%mul3A_32, %dma_start3A_38] : memref<327680x128xf32, #tpu.memory_space<hbm>> -> memref<64x128xf32, #tpu.memory_space<hbm>>
      %dma_start3A_40 = arith.constant 0 : i32
      %dma_start3A_41 = arith.constant 0 : i32
      %dma_start3A_42 = tpu.memref_slice %arg11[%dma_start3A_33, %dma_start3A_40, %dma_start3A_41] : memref<2x64x128xf32, #tpu.memory_space<vmem>> -> memref<1x64x128xf32, #tpu.memory_space<vmem>>
      %dma_start3A_43 = tpu.memref_squeeze %dma_start3A_42 : memref<1x64x128xf32, #tpu.memory_space<vmem>> -> memref<64x128xf32, #tpu.memory_space<vmem>>
      %dma_start3A_44 = arith.constant 0 : i32
      %dma_start3A_45 = tpu.memref_slice %arg5[%mul3A_32, %dma_start3A_44] : memref<327680x128xf32, #tpu.memory_space<hbm>> -> memref<64x128xf32, #tpu.memory_space<hbm>>
      tpu.enqueue_dma source(%dma_start3A_45 : memref<64x128xf32, #tpu.memory_space<hbm>>) target(%dma_start3A_43 : memref<64x128xf32, #tpu.memory_space<vmem>>) target_semaphore(%arg15 : memref<!tpu.dma_semaphore, #tpu.memory_space<semaphore_mem>>)
      %add3A_46 = arith.constant 1 : i32
      %add3A_47 = arith.addi %rem3A_19, %add3A_46 : i32
      %dma_start3A_48 = arith.constant 1 : i32
      %dma_start3A_49 = arith.constant 0 : i32
      %dma_start3A_50 = arith.constant 0 : i32
      %dma_start3A_51 = tpu.memref_slice %arg10[%dma_start3A_48, %dma_start3A_49, %dma_start3A_50] : memref<2x64x128xf32, #tpu.memory_space<vmem>> -> memref<1x64x128xf32, #tpu.memory_space<vmem>>
      %dma_start3A_52 = tpu.memref_squeeze %dma_start3A_51 : memref<1x64x128xf32, #tpu.memory_space<vmem>> -> memref<64x128xf32, #tpu.memory_space<vmem>>
      %dma_start3A_53 = arith.constant 0 : i32
      %dma_start3A_54 = tpu.memref_slice %arg8[%add3A_47, %dma_start3A_53] : memref<16x64xi32, #tpu.memory_space<vmem>> -> memref<1x64xi32, #tpu.memory_space<vmem>>
      %dma_start3A_55 = tpu.memref_squeeze %dma_start3A_54 : memref<1x64xi32, #tpu.memory_space<vmem>> -> memref<64xi32, #tpu.memory_space<vmem>>
      %dma_start3A_56 = arith.constant 0 : i32
      %dma_start3A_57 = arith.constant 0 : i32
      %dma_start3A_58 = tpu.memref_slice %arg2[%dma_start3A_56, %dma_start3A_57] : memref<10000x128xf32, #tpu.memory_space<hbm>> -> memref<10000x128xf32, #tpu.memory_space<hbm>>
      tpu.enqueue_indirect_dma source(%dma_start3A_58 : memref<10000x128xf32, #tpu.memory_space<hbm>>) target(%dma_start3A_52 : memref<64x128xf32, #tpu.memory_space<vmem>>) offsets(%dma_start3A_55 : memref<64xi32, #tpu.memory_space<vmem>>) semaphore(%arg14 : memref<!tpu.dma_semaphore, #tpu.memory_space<semaphore_mem>>)
      %add3A_59 = arith.addi %mul3A_2, %add3A_14 : i32
      %add3A_60 = arith.constant 1 : i32
      %add3A_61 = arith.addi %add3A_59, %add3A_60 : i32
      %mul3A_62 = arith.constant 64 : i32
      %mul3A_63 = arith.muli %add3A_61, %mul3A_62 : i32
      %dma_start3A_64 = arith.constant 1 : i32
      %dma_start3A_65 = arith.constant 0 : i32
      %dma_start3A_66 = arith.constant 0 : i32
      %dma_start3A_67 = tpu.memref_slice %arg11[%dma_start3A_64, %dma_start3A_65, %dma_start3A_66] : memref<2x64x128xf32, #tpu.memory_space<vmem>> -> memref<1x64x128xf32, #tpu.memory_space<vmem>>
      %dma_start3A_68 = tpu.memref_squeeze %dma_start3A_67 : memref<1x64x128xf32, #tpu.memory_space<vmem>> -> memref<64x128xf32, #tpu.memory_space<vmem>>
      %dma_start3A_69 = arith.constant 0 : i32
      %dma_start3A_70 = tpu.memref_slice %arg5[%mul3A_63, %dma_start3A_69] : memref<327680x128xf32, #tpu.memory_space<hbm>> -> memref<64x128xf32, #tpu.memory_space<hbm>>
      %dma_start3A_71 = arith.constant 0 : i32
      %dma_start3A_72 = arith.constant 0 : i32
      %dma_start3A_73 = tpu.memref_slice %arg11[%dma_start3A_64, %dma_start3A_71, %dma_start3A_72] : memref<2x64x128xf32, #tpu.memory_space<vmem>> -> memref<1x64x128xf32, #tpu.memory_space<vmem>>
      %dma_start3A_74 = tpu.memref_squeeze %dma_start3A_73 : memref<1x64x128xf32, #tpu.memory_space<vmem>> -> memref<64x128xf32, #tpu.memory_space<vmem>>
      %dma_start3A_75 = arith.constant 0 : i32
      %dma_start3A_76 = tpu.memref_slice %arg5[%mul3A_63, %dma_start3A_75] : memref<327680x128xf32, #tpu.memory_space<hbm>> -> memref<64x128xf32, #tpu.memory_space<hbm>>
      tpu.enqueue_dma source(%dma_start3A_76 : memref<64x128xf32, #tpu.memory_space<hbm>>) target(%dma_start3A_74 : memref<64x128xf32, #tpu.memory_space<vmem>>) target_semaphore(%arg16 : memref<!tpu.dma_semaphore, #tpu.memory_space<semaphore_mem>>)
      %dma_wait3A = arith.constant 0 : i32
      %dma_wait3A_77 = arith.constant 0 : i32
      %dma_wait3A_78 = arith.constant 0 : i32
      %dma_wait3A_79 = tpu.memref_slice %arg10[%dma_wait3A, %dma_wait3A_77, %dma_wait3A_78] : memref<2x64x128xf32, #tpu.memory_space<vmem>> -> memref<1x64x128xf32, #tpu.memory_space<vmem>>
      %dma_wait3A_80 = tpu.memref_squeeze %dma_wait3A_79 : memref<1x64x128xf32, #tpu.memory_space<vmem>> -> memref<64x128xf32, #tpu.memory_space<vmem>>
      %dma_wait3A_81 = arith.constant 0 : i32
      %dma_wait3A_82 = tpu.memref_slice %arg8[%rem3A_19, %dma_wait3A_81] : memref<16x64xi32, #tpu.memory_space<vmem>> -> memref<1x64xi32, #tpu.memory_space<vmem>>
      %dma_wait3A_83 = tpu.memref_squeeze %dma_wait3A_82 : memref<1x64xi32, #tpu.memory_space<vmem>> -> memref<64xi32, #tpu.memory_space<vmem>>
      %dma_wait3A_84 = arith.constant 0 : i32
      %dma_wait3A_85 = arith.constant 0 : i32
      %dma_wait3A_86 = tpu.memref_slice %arg2[%dma_wait3A_84, %dma_wait3A_85] : memref<10000x128xf32, #tpu.memory_space<hbm>> -> memref<10000x128xf32, #tpu.memory_space<hbm>>
      tpu.wait_indirect_dma semaphore(%arg13 : memref<!tpu.dma_semaphore, #tpu.memory_space<semaphore_mem>>) src(%dma_wait3A_86 : memref<10000x128xf32, #tpu.memory_space<hbm>>) dst(%dma_wait3A_80 : memref<64x128xf32, #tpu.memory_space<vmem>>)
      %dma_wait3A_87 = arith.constant 0 : i32
      %dma_wait3A_88 = arith.constant 0 : i32
      %dma_wait3A_89 = arith.constant 0 : i32
      %dma_wait3A_90 = tpu.memref_slice %arg11[%dma_wait3A_87, %dma_wait3A_88, %dma_wait3A_89] : memref<2x64x128xf32, #tpu.memory_space<vmem>> -> memref<1x64x128xf32, #tpu.memory_space<vmem>>
      %dma_wait3A_91 = tpu.memref_squeeze %dma_wait3A_90 : memref<1x64x128xf32, #tpu.memory_space<vmem>> -> memref<64x128xf32, #tpu.memory_space<vmem>>
      %dma_wait3A_92 = arith.constant 0 : i32
      %dma_wait3A_93 = tpu.memref_slice %arg5[%mul3A_32, %dma_wait3A_92] : memref<327680x128xf32, #tpu.memory_space<hbm>> -> memref<64x128xf32, #tpu.memory_space<hbm>>
      %dma_wait3A_94 = arith.constant 0 : i32
      %dma_wait3A_95 = arith.constant 0 : i32
      %dma_wait3A_96 = tpu.memref_slice %arg11[%dma_wait3A_87, %dma_wait3A_94, %dma_wait3A_95] : memref<2x64x128xf32, #tpu.memory_space<vmem>> -> memref<1x64x128xf32, #tpu.memory_space<vmem>>
      %dma_wait3A_97 = tpu.memref_squeeze %dma_wait3A_96 : memref<1x64x128xf32, #tpu.memory_space<vmem>> -> memref<64x128xf32, #tpu.memory_space<vmem>>
      %dma_wait3A_98 = arith.constant 0 : i32
      %dma_wait3A_99 = tpu.memref_slice %arg5[%mul3A_32, %dma_wait3A_98] : memref<327680x128xf32, #tpu.memory_space<hbm>> -> memref<64x128xf32, #tpu.memory_space<hbm>>
      tpu.wait_dma2 semaphore(%arg15 : memref<!tpu.dma_semaphore, #tpu.memory_space<semaphore_mem>>) src(%dma_wait3A_99 : memref<64x128xf32, #tpu.memory_space<hbm>>) dst(%dma_wait3A_97 : memref<64x128xf32, #tpu.memory_space<vmem>>)
      %scan3A_100 = arith.constant 0 : i32
      %scan3A_101 = arith.constant 0 : i32
      %scan3A_102 = arith.constant 64 : i32
      %scan3A_103 = arith.addi %scan3A_101, %scan3A_102 : i32
      %scan3A_104 = arith.constant 1 : i32
      scf.for %scan3A_182 = %scan3A_101 to %scan3A_103 step %scan3A_104  : i32 {
        %get3A = arith.constant 0 : i32
        %get3A_183 = arith.index_cast %get3A : i32 to index
        %get3A_184 = arith.index_cast %scan3A_182 : i32 to index
        %get3A_185 = arith.constant 0 : index
        %get3A_186 = tpu.vector_load %arg10[%get3A_183, %get3A_184, %get3A_185] {strides = array<i32>} : memref<2x64x128xf32, #tpu.memory_space<vmem>>, vector<1x1x128xf32>,
        %get3A_187 = vector.shape_cast %get3A_186 : vector<1x1x128xf32> to vector<128xf32>
        %get3A_188 = arith.constant 0 : i32
        %get3A_189 = arith.index_cast %get3A_188 : i32 to index
        %get3A_190 = arith.index_cast %scan3A_182 : i32 to index
        %get3A_191 = arith.constant 0 : index
        %get3A_192 = tpu.vector_load %arg11[%get3A_189, %get3A_190, %get3A_191] {strides = array<i32>} : memref<2x64x128xf32, #tpu.memory_space<vmem>>, vector<1x1x128xf32>,
        %get3A_193 = vector.shape_cast %get3A_192 : vector<1x1x128xf32> to vector<128xf32>
        %add3A_194 = arith.addf %get3A_187, %get3A_193 : vector<128xf32>
        %max3A = arith.constant 0.000000e+00 : f32
        %max3A_195 = vector.broadcast %max3A : f32 to vector<128xf32>
        %max3A_196 = arith.maximumf %add3A_194, %max3A_195 : vector<128xf32>
        %swap3A = arith.constant 0 : i32
        %swap3A_197 = arith.index_cast %swap3A : i32 to index
        %swap3A_198 = arith.index_cast %scan3A_182 : i32 to index
        %swap3A_199 = arith.constant 0 : index
        %swap3A_200 = tpu.vector_load %arg10[%swap3A_197, %swap3A_198, %swap3A_199] {strides = array<i32>} : memref<2x64x128xf32, #tpu.memory_space<vmem>>, vector<1x1x128xf32>,
        %swap3A_201 = vector.shape_cast %swap3A_200 : vector<1x1x128xf32> to vector<128xf32>
        %swap3A_202 = vector.shape_cast %max3A_196 : vector<128xf32> to vector<1x1x128xf32>
        tpu.vector_store %arg10[%swap3A_197, %swap3A_198, %swap3A_199], %swap3A_202 {strides = array<i32>} : memref<2x64x128xf32, #tpu.memory_space<vmem>>, vector<1x1x128xf32>,
      }
      %scan3A_105 = arith.constant 64 : i32
      %dma_start3A_106 = arith.constant 0 : i32
      %dma_start3A_107 = arith.constant 0 : i32
      %dma_start3A_108 = arith.constant 0 : i32
      %dma_start3A_109 = tpu.memref_slice %arg10[%dma_start3A_106, %dma_start3A_107, %dma_start3A_108] : memref<2x64x128xf32, #tpu.memory_space<vmem>> -> memref<1x64x128xf32, #tpu.memory_space<vmem>>
      %dma_start3A_110 = tpu.memref_squeeze %dma_start3A_109 : memref<1x64x128xf32, #tpu.memory_space<vmem>> -> memref<64x128xf32, #tpu.memory_space<vmem>>
      %dma_start3A_111 = arith.constant 0 : i32
      %dma_start3A_112 = tpu.memref_slice %arg9[%rem3A_19, %dma_start3A_111] : memref<16x64xi32, #tpu.memory_space<vmem>> -> memref<1x64xi32, #tpu.memory_space<vmem>>
      %dma_start3A_113 = tpu.memref_squeeze %dma_start3A_112 : memref<1x64xi32, #tpu.memory_space<vmem>> -> memref<64xi32, #tpu.memory_space<vmem>>
      %dma_start3A_114 = arith.constant 0 : i32
      %dma_start3A_115 = arith.constant 0 : i32
      %dma_start3A_116 = tpu.memref_slice %arg12[%dma_start3A_114, %dma_start3A_115] : memref<10112x128xf32, #tpu.memory_space<vmem_shared>> -> memref<10112x128xf32, #tpu.memory_space<vmem_shared>>
      tpu.enqueue_indirect_dma source(%dma_start3A_110 : memref<64x128xf32, #tpu.memory_space<vmem>>) target(%dma_start3A_116 : memref<10112x128xf32, #tpu.memory_space<vmem_shared>>) offsets(%dma_start3A_113 : memref<64xi32, #tpu.memory_space<vmem>>) semaphore(%arg17 : memref<!tpu.dma_semaphore, #tpu.memory_space<semaphore_mem>>) {add = true}
      %dma_wait3A_117 = arith.constant 1 : i32
      %dma_wait3A_118 = arith.constant 0 : i32
      %dma_wait3A_119 = arith.constant 0 : i32
      %dma_wait3A_120 = tpu.memref_slice %arg10[%dma_wait3A_117, %dma_wait3A_118, %dma_wait3A_119] : memref<2x64x128xf32, #tpu.memory_space<vmem>> -> memref<1x64x128xf32, #tpu.memory_space<vmem>>
      %dma_wait3A_121 = tpu.memref_squeeze %dma_wait3A_120 : memref<1x64x128xf32, #tpu.memory_space<vmem>> -> memref<64x128xf32, #tpu.memory_space<vmem>>
      %dma_wait3A_122 = arith.constant 0 : i32
      %dma_wait3A_123 = tpu.memref_slice %arg8[%add3A_47, %dma_wait3A_122] : memref<16x64xi32, #tpu.memory_space<vmem>> -> memref<1x64xi32, #tpu.memory_space<vmem>>
      %dma_wait3A_124 = tpu.memref_squeeze %dma_wait3A_123 : memref<1x64xi32, #tpu.memory_space<vmem>> -> memref<64xi32, #tpu.memory_space<vmem>>
      %dma_wait3A_125 = arith.constant 0 : i32
      %dma_wait3A_126 = arith.constant 0 : i32
      %dma_wait3A_127 = tpu.memref_slice %arg2[%dma_wait3A_125, %dma_wait3A_126] : memref<10000x128xf32, #tpu.memory_space<hbm>> -> memref<10000x128xf32, #tpu.memory_space<hbm>>
      tpu.wait_indirect_dma semaphore(%arg14 : memref<!tpu.dma_semaphore, #tpu.memory_space<semaphore_mem>>) src(%dma_wait3A_127 : memref<10000x128xf32, #tpu.memory_space<hbm>>) dst(%dma_wait3A_121 : memref<64x128xf32, #tpu.memory_space<vmem>>)
      %dma_wait3A_128 = arith.constant 1 : i32
      %dma_wait3A_129 = arith.constant 0 : i32
      %dma_wait3A_130 = arith.constant 0 : i32
      %dma_wait3A_131 = tpu.memref_slice %arg11[%dma_wait3A_128, %dma_wait3A_129, %dma_wait3A_130] : memref<2x64x128xf32, #tpu.memory_space<vmem>> -> memref<1x64x128xf32, #tpu.memory_space<vmem>>
      %dma_wait3A_132 = tpu.memref_squeeze %dma_wait3A_131 : memref<1x64x128xf32, #tpu.memory_space<vmem>> -> memref<64x128xf32, #tpu.memory_space<vmem>>
      %dma_wait3A_133 = arith.constant 0 : i32
      %dma_wait3A_134 = tpu.memref_slice %arg5[%mul3A_63, %dma_wait3A_133] : memref<327680x128xf32, #tpu.memory_space<hbm>> -> memref<64x128xf32, #tpu.memory_space<hbm>>
      %dma_wait3A_135 = arith.constant 0 : i32
      %dma_wait3A_136 = arith.constant 0 : i32
      %dma_wait3A_137 = tpu.memref_slice %arg11[%dma_wait3A_128, %dma_wait3A_135, %dma_wait3A_136] : memref<2x64x128xf32, #tpu.memory_space<vmem>> -> memref<1x64x128xf32, #tpu.memory_space<vmem>>
      %dma_wait3A_138 = tpu.memref_squeeze %dma_wait3A_137 : memref<1x64x128xf32, #tpu.memory_space<vmem>> -> memref<64x128xf32, #tpu.memory_space<vmem>>
      %dma_wait3A_139 = arith.constant 0 : i32
      %dma_wait3A_140 = tpu.memref_slice %arg5[%mul3A_63, %dma_wait3A_139] : memref<327680x128xf32, #tpu.memory_space<hbm>> -> memref<64x128xf32, #tpu.memory_space<hbm>>
      tpu.wait_dma2 semaphore(%arg16 : memref<!tpu.dma_semaphore, #tpu.memory_space<semaphore_mem>>) src(%dma_wait3A_140 : memref<64x128xf32, #tpu.memory_space<hbm>>) dst(%dma_wait3A_138 : memref<64x128xf32, #tpu.memory_space<vmem>>)
      %scan3A_141 = arith.constant 0 : i32
      %scan3A_142 = arith.constant 0 : i32
      %scan3A_143 = arith.constant 64 : i32
      %scan3A_144 = arith.addi %scan3A_142, %scan3A_143 : i32
      %scan3A_145 = arith.constant 1 : i32
      scf.for %scan3A_182 = %scan3A_142 to %scan3A_144 step %scan3A_145  : i32 {
        %get3A = arith.constant 1 : i32
        %get3A_183 = arith.index_cast %get3A : i32 to index
        %get3A_184 = arith.index_cast %scan3A_182 : i32 to index
        %get3A_185 = arith.constant 0 : index
        %get3A_186 = tpu.vector_load %arg10[%get3A_183, %get3A_184, %get3A_185] {strides = array<i32>} : memref<2x64x128xf32, #tpu.memory_space<vmem>>, vector<1x1x128xf32>,
        %get3A_187 = vector.shape_cast %get3A_186 : vector<1x1x128xf32> to vector<128xf32>
        %get3A_188 = arith.constant 1 : i32
        %get3A_189 = arith.index_cast %get3A_188 : i32 to index
        %get3A_190 = arith.index_cast %scan3A_182 : i32 to index
        %get3A_191 = arith.constant 0 : index
        %get3A_192 = tpu.vector_load %arg11[%get3A_189, %get3A_190, %get3A_191] {strides = array<i32>} : memref<2x64x128xf32, #tpu.memory_space<vmem>>, vector<1x1x128xf32>,
        %get3A_193 = vector.shape_cast %get3A_192 : vector<1x1x128xf32> to vector<128xf32>
        %add3A_194 = arith.addf %get3A_187, %get3A_193 : vector<128xf32>
        %max3A = arith.constant 0.000000e+00 : f32
        %max3A_195 = vector.broadcast %max3A : f32 to vector<128xf32>
        %max3A_196 = arith.maximumf %add3A_194, %max3A_195 : vector<128xf32>
        %swap3A = arith.constant 1 : i32
        %swap3A_197 = arith.index_cast %swap3A : i32 to index
        %swap3A_198 = arith.index_cast %scan3A_182 : i32 to index
        %swap3A_199 = arith.constant 0 : index
        %swap3A_200 = tpu.vector_load %arg10[%swap3A_197, %swap3A_198, %swap3A_199] {strides = array<i32>} : memref<2x64x128xf32, #tpu.memory_space<vmem>>, vector<1x1x128xf32>,
        %swap3A_201 = vector.shape_cast %swap3A_200 : vector<1x1x128xf32> to vector<128xf32>
        %swap3A_202 = vector.shape_cast %max3A_196 : vector<128xf32> to vector<1x1x128xf32>
        tpu.vector_store %arg10[%swap3A_197, %swap3A_198, %swap3A_199], %swap3A_202 {strides = array<i32>} : memref<2x64x128xf32, #tpu.memory_space<vmem>>, vector<1x1x128xf32>,
      }
      %scan3A_146 = arith.constant 64 : i32
      %add3A_147 = arith.constant 1 : i32
      %add3A_148 = arith.addi %rem3A_19, %add3A_147 : i32
      %dma_start3A_149 = arith.constant 1 : i32
      %dma_start3A_150 = arith.constant 0 : i32
      %dma_start3A_151 = arith.constant 0 : i32
      %dma_start3A_152 = tpu.memref_slice %arg10[%dma_start3A_149, %dma_start3A_150, %dma_start3A_151] : memref<2x64x128xf32, #tpu.memory_space<vmem>> -> memref<1x64x128xf32, #tpu.memory_space<vmem>>
      %dma_start3A_153 = tpu.memref_squeeze %dma_start3A_152 : memref<1x64x128xf32, #tpu.memory_space<vmem>> -> memref<64x128xf32, #tpu.memory_space<vmem>>
      %dma_start3A_154 = arith.constant 0 : i32
      %dma_start3A_155 = tpu.memref_slice %arg9[%add3A_148, %dma_start3A_154] : memref<16x64xi32, #tpu.memory_space<vmem>> -> memref<1x64xi32, #tpu.memory_space<vmem>>
      %dma_start3A_156 = tpu.memref_squeeze %dma_start3A_155 : memref<1x64xi32, #tpu.memory_space<vmem>> -> memref<64xi32, #tpu.memory_space<vmem>>
      %dma_start3A_157 = arith.constant 0 : i32
      %dma_start3A_158 = arith.constant 0 : i32
      %dma_start3A_159 = tpu.memref_slice %arg12[%dma_start3A_157, %dma_start3A_158] : memref<10112x128xf32, #tpu.memory_space<vmem_shared>> -> memref<10112x128xf32, #tpu.memory_space<vmem_shared>>
      tpu.enqueue_indirect_dma source(%dma_start3A_153 : memref<64x128xf32, #tpu.memory_space<vmem>>) target(%dma_start3A_159 : memref<10112x128xf32, #tpu.memory_space<vmem_shared>>) offsets(%dma_start3A_156 : memref<64xi32, #tpu.memory_space<vmem>>) semaphore(%arg18 : memref<!tpu.dma_semaphore, #tpu.memory_space<semaphore_mem>>) {add = true}
      %dma_wait3A_160 = arith.constant 0 : i32
      %dma_wait3A_161 = arith.constant 0 : i32
      %dma_wait3A_162 = arith.constant 0 : i32
      %dma_wait3A_163 = tpu.memref_slice %arg10[%dma_wait3A_160, %dma_wait3A_161, %dma_wait3A_162] : memref<2x64x128xf32, #tpu.memory_space<vmem>> -> memref<1x64x128xf32, #tpu.memory_space<vmem>>
      %dma_wait3A_164 = tpu.memref_squeeze %dma_wait3A_163 : memref<1x64x128xf32, #tpu.memory_space<vmem>> -> memref<64x128xf32, #tpu.memory_space<vmem>>
      %dma_wait3A_165 = arith.constant 0 : i32
      %dma_wait3A_166 = tpu.memref_slice %arg9[%rem3A_19, %dma_wait3A_165] : memref<16x64xi32, #tpu.memory_space<vmem>> -> memref<1x64xi32, #tpu.memory_space<vmem>>
      %dma_wait3A_167 = tpu.memref_squeeze %dma_wait3A_166 : memref<1x64xi32, #tpu.memory_space<vmem>> -> memref<64xi32, #tpu.memory_space<vmem>>
      %dma_wait3A_168 = arith.constant 0 : i32
      %dma_wait3A_169 = arith.constant 0 : i32
      %dma_wait3A_170 = tpu.memref_slice %arg12[%dma_wait3A_168, %dma_wait3A_169] : memref<10112x128xf32, #tpu.memory_space<vmem_shared>> -> memref<10112x128xf32, #tpu.memory_space<vmem_shared>>
      tpu.wait_indirect_dma semaphore(%arg17 : memref<!tpu.dma_semaphore, #tpu.memory_space<semaphore_mem>>) src(%dma_wait3A_164 : memref<64x128xf32, #tpu.memory_space<vmem>>) dst(%dma_wait3A_170 : memref<10112x128xf32, #tpu.memory_space<vmem_shared>>)
      %dma_wait3A_171 = arith.constant 1 : i32
      %dma_wait3A_172 = arith.constant 0 : i32
      %dma_wait3A_173 = arith.constant 0 : i32
      %dma_wait3A_174 = tpu.memref_slice %arg10[%dma_wait3A_171, %dma_wait3A_172, %dma_wait3A_173] : memref<2x64x128xf32, #tpu.memory_space<vmem>> -> memref<1x64x128xf32, #tpu.memory_space<vmem>>
      %dma_wait3A_175 = tpu.memref_squeeze %dma_wait3A_174 : memref<1x64x128xf32, #tpu.memory_space<vmem>> -> memref<64x128xf32, #tpu.memory_space<vmem>>
      %dma_wait3A_176 = arith.constant 0 : i32
      %dma_wait3A_177 = tpu.memref_slice %arg9[%add3A_148, %dma_wait3A_176] : memref<16x64xi32, #tpu.memory_space<vmem>> -> memref<1x64xi32, #tpu.memory_space<vmem>>
      %dma_wait3A_178 = tpu.memref_squeeze %dma_wait3A_177 : memref<1x64xi32, #tpu.memory_space<vmem>> -> memref<64xi32, #tpu.memory_space<vmem>>
      %dma_wait3A_179 = arith.constant 0 : i32
      %dma_wait3A_180 = arith.constant 0 : i32
      %dma_wait3A_181 = tpu.memref_slice %arg12[%dma_wait3A_179, %dma_wait3A_180] : memref<10112x128xf32, #tpu.memory_space<vmem_shared>> -> memref<10112x128xf32, #tpu.memory_space<vmem_shared>>
      tpu.wait_indirect_dma semaphore(%arg18 : memref<!tpu.dma_semaphore, #tpu.memory_space<semaphore_mem>>) src(%dma_wait3A_175 : memref<64x128xf32, #tpu.memory_space<vmem>>) dst(%dma_wait3A_181 : memref<10112x128xf32, #tpu.memory_space<vmem_shared>>)
    }
    %scan3A_8 = arith.constant 80 : i32
    %barrier3A_9 = arith.constant 0 : index
    tpu.barrier barrier_id(%barrier3A_9)
    "tpu.region"() ({
      %run_scoped3A = tpu.sem_alloc : memref<!tpu.dma_semaphore, #tpu.memory_space<semaphore_mem>>
      %dma_start3A = arith.constant 0 : i32
      %dma_start3A_10 = tpu.memref_slice %arg7[%arg0, %mul3A_4, %dma_start3A] : memref<2x10112x128xf32, #tpu.memory_space<hbm>> -> memref<1x632x128xf32, #tpu.memory_space<hbm>>
      %dma_start3A_11 = tpu.memref_squeeze %dma_start3A_10 : memref<1x632x128xf32, #tpu.memory_space<hbm>> -> memref<632x128xf32, #tpu.memory_space<hbm>>
      %dma_start3A_12 = arith.constant 0 : i32
      %dma_start3A_13 = tpu.memref_slice %arg12[%mul3A_4, %dma_start3A_12] : memref<10112x128xf32, #tpu.memory_space<vmem_shared>> -> memref<632x128xf32, #tpu.memory_space<vmem_shared>>
      tpu.enqueue_dma source(%dma_start3A_13 : memref<632x128xf32, #tpu.memory_space<vmem_shared>>) target(%dma_start3A_11 : memref<632x128xf32, #tpu.memory_space<hbm>>) target_semaphore(%run_scoped3A : memref<!tpu.dma_semaphore, #tpu.memory_space<semaphore_mem>>)
      %dma_wait3A = arith.constant 0 : i32
      %dma_wait3A_14 = tpu.memref_slice %arg7[%arg0, %mul3A_4, %dma_wait3A] : memref<2x10112x128xf32, #tpu.memory_space<hbm>> -> memref<1x632x128xf32, #tpu.memory_space<hbm>>
      %dma_wait3A_15 = tpu.memref_squeeze %dma_wait3A_14 : memref<1x632x128xf32, #tpu.memory_space<hbm>> -> memref<632x128xf32, #tpu.memory_space<hbm>>
      %dma_wait3A_16 = arith.constant 0 : i32
      %dma_wait3A_17 = tpu.memref_slice %arg12[%mul3A_4, %dma_wait3A_16] : memref<10112x128xf32, #tpu.memory_space<vmem_shared>> -> memref<632x128xf32, #tpu.memory_space<vmem_shared>>
      tpu.wait_dma2 semaphore(%run_scoped3A : memref<!tpu.dma_semaphore, #tpu.memory_space<semaphore_mem>>) src(%dma_wait3A_17 : memref<632x128xf32, #tpu.memory_space<vmem_shared>>) dst(%dma_wait3A_15 : memref<632x128xf32, #tpu.memory_space<hbm>>)
      tpu.yield
    }) : () -> ()
    return
  }
}

#map = affine_map<(d0, d1) -> (0, 0)>
#map1 = affine_map<(d0, d1) -> (0, 0, 0)>
module attributes {stable_mosaic.version = 14 : i64} {
  func.func @msg(%arg0: i32, %arg1: i32, %arg2: memref<10000x128xf32, #tpu.memory_space<hbm>>, %arg3: memref<5120x64xi32, #tpu.memory_space<hbm>>, %arg4: memref<5120x64xi32, #tpu.memory_space<hbm>>, %arg5: memref<327680x16xf32, #tpu.memory_space<hbm>>, %arg6: memref<632x128xf32, #tpu.memory_space<hbm>>, %arg7: memref<2x10112x128xf32, #tpu.memory_space<hbm>>, %arg8: memref<16x64xi32, #tpu.memory_space<vmem>>, %arg9: memref<16x64xi32, #tpu.memory_space<vmem>>, %arg10: memref<2x64x128xf32, #tpu.memory_space<vmem>>, %arg11: memref<2x64x16xf32, #tpu.memory_space<vmem>>, %arg12: memref<10112x128xf32, #tpu.memory_space<vmem_shared>>, %arg13: memref<!tpu.dma_semaphore, #tpu.memory_space<semaphore_mem>>, %arg14: memref<!tpu.dma_semaphore, #tpu.memory_space<semaphore_mem>>, %arg15: memref<!tpu.dma_semaphore, #tpu.memory_space<semaphore_mem>>, %arg16: memref<!tpu.dma_semaphore, #tpu.memory_space<semaphore_mem>>, %arg17: memref<!tpu.dma_semaphore, #tpu.memory_space<semaphore_mem>>, %arg18: memref<!tpu.dma_semaphore, #tpu.memory_space<semaphore_mem>>) attributes {dimension_semantics = [#tpu.dimension_semantics<core_parallel>, #tpu.dimension_semantics<subcore_parallel>], iteration_bounds = array<i64: 2, 16>, scalar_prefetch = 0 : i64, scratch_operands = 11 : i64, tpu.core_type = #tpu.core_type<sc_vector_subcore>, window_params = [{transform_indices = #map}, {transform_indices = #map}, {transform_indices = #map}, {transform_indices = #map}, {transform_indices = #map}, {transform_indices = #map1}]} {
    %mul3A = arith.constant 2 : i32
    %mul3A_0 = arith.muli %arg1, %mul3A : i32
    %add3A = arith.addi %mul3A_0, %arg0 : i32
    %mul3A_1 = arith.constant 160 : i32
    %mul3A_2 = arith.muli %add3A, %mul3A_1 : i32
    %mul3A_3 = arith.constant 632 : i32
    %mul3A_4 = arith.muli %arg1, %mul3A_3 : i32
    "tpu.region"() ({
      %run_scoped3A = tpu.sem_alloc : memref<!tpu.dma_semaphore, #tpu.memory_space<semaphore_mem>>
      %dma_start3A = arith.constant 0 : i32
      %dma_start3A_10 = tpu.memref_slice %arg12[%mul3A_4, %dma_start3A] : memref<10112x128xf32, #tpu.memory_space<vmem_shared>> -> memref<632x128xf32, #tpu.memory_space<vmem_shared>>
      tpu.enqueue_dma source(%arg6 : memref<632x128xf32, #tpu.memory_space<hbm>>) target(%dma_start3A_10 : memref<632x128xf32, #tpu.memory_space<vmem_shared>>) target_semaphore(%run_scoped3A : memref<!tpu.dma_semaphore, #tpu.memory_space<semaphore_mem>>)
      %dma_wait3A = arith.constant 0 : i32
      %dma_wait3A_11 = tpu.memref_slice %arg12[%mul3A_4, %dma_wait3A] : memref<10112x128xf32, #tpu.memory_space<vmem_shared>> -> memref<632x128xf32, #tpu.memory_space<vmem_shared>>
      tpu.wait_dma2 semaphore(%run_scoped3A : memref<!tpu.dma_semaphore, #tpu.memory_space<semaphore_mem>>) src(%arg6 : memref<632x128xf32, #tpu.memory_space<hbm>>) dst(%dma_wait3A_11 : memref<632x128xf32, #tpu.memory_space<vmem_shared>>)
      tpu.yield
    }) : () -> ()
    %barrier3A = arith.constant 0 : index
    tpu.barrier barrier_id(%barrier3A)
    %scan3A = arith.constant 0 : i32
    %scan3A_5 = arith.constant 80 : i32
    %scan3A_6 = arith.addi %scan3A, %scan3A_5 : i32
    %scan3A_7 = arith.constant 1 : i32
    scf.for %scan3A_10 = %scan3A to %scan3A_6 step %scan3A_7  : i32 {
      %mul3A_11 = arith.constant 2 : i32
      %mul3A_12 = arith.muli %scan3A_10, %mul3A_11 : i32
      %add3A_13 = arith.constant 0 : i32
      %add3A_14 = arith.addi %add3A_13, %mul3A_12 : i32
      %rem3A = arith.constant 16 : i32
      %rem3A_15 = arith.remsi %add3A_14, %rem3A : i32
      %eq3A = arith.constant 0 : i32
      %eq3A_16 = arith.cmpi eq, %rem3A_15, %eq3A : i32
      %convert_element_type3A = arith.extui %eq3A_16 : i1 to i32
      %cond3A = arith.constant 0 : i32
      %cond3A_17 = arith.cmpi ne, %convert_element_type3A, %cond3A : i32
      scf.if %cond3A_17 {
        %add3A_213 = arith.addi %mul3A_2, %add3A_14 : i32
        %multiple_of3A = tpu.assume_multiple %add3A_213, 16 : i32
        "tpu.region"() ({
          %run_scoped3A = tpu.sem_alloc : memref<!tpu.dma_semaphore, #tpu.memory_space<semaphore_mem>>
          %dma_start3A_214 = arith.constant 0 : i32
          %dma_start3A_215 = tpu.memref_slice %arg3[%multiple_of3A, %dma_start3A_214] : memref<5120x64xi32, #tpu.memory_space<hbm>> -> memref<16x64xi32, #tpu.memory_space<hbm>>
          %dma_start3A_216 = arith.constant 0 : i32
          %dma_start3A_217 = tpu.memref_slice %arg3[%multiple_of3A, %dma_start3A_216] : memref<5120x64xi32, #tpu.memory_space<hbm>> -> memref<16x64xi32, #tpu.memory_space<hbm>>
          tpu.enqueue_dma source(%dma_start3A_217 : memref<16x64xi32, #tpu.memory_space<hbm>>) target(%arg8 : memref<16x64xi32, #tpu.memory_space<vmem>>) target_semaphore(%run_scoped3A : memref<!tpu.dma_semaphore, #tpu.memory_space<semaphore_mem>>)
          %dma_wait3A_218 = arith.constant 0 : i32
          %dma_wait3A_219 = tpu.memref_slice %arg3[%multiple_of3A, %dma_wait3A_218] : memref<5120x64xi32, #tpu.memory_space<hbm>> -> memref<16x64xi32, #tpu.memory_space<hbm>>
          %dma_wait3A_220 = arith.constant 0 : i32
          %dma_wait3A_221 = tpu.memref_slice %arg3[%multiple_of3A, %dma_wait3A_220] : memref<5120x64xi32, #tpu.memory_space<hbm>> -> memref<16x64xi32, #tpu.memory_space<hbm>>
          tpu.wait_dma2 semaphore(%run_scoped3A : memref<!tpu.dma_semaphore, #tpu.memory_space<semaphore_mem>>) src(%dma_wait3A_221 : memref<16x64xi32, #tpu.memory_space<hbm>>) dst(%arg8 : memref<16x64xi32, #tpu.memory_space<vmem>>)
          tpu.yield
        }) : () -> ()
        "tpu.region"() ({
          %run_scoped3A = tpu.sem_alloc : memref<!tpu.dma_semaphore, #tpu.memory_space<semaphore_mem>>
          %dma_start3A_214 = arith.constant 0 : i32
          %dma_start3A_215 = tpu.memref_slice %arg4[%multiple_of3A, %dma_start3A_214] : memref<5120x64xi32, #tpu.memory_space<hbm>> -> memref<16x64xi32, #tpu.memory_space<hbm>>
          %dma_start3A_216 = arith.constant 0 : i32
          %dma_start3A_217 = tpu.memref_slice %arg4[%multiple_of3A, %dma_start3A_216] : memref<5120x64xi32, #tpu.memory_space<hbm>> -> memref<16x64xi32, #tpu.memory_space<hbm>>
          tpu.enqueue_dma source(%dma_start3A_217 : memref<16x64xi32, #tpu.memory_space<hbm>>) target(%arg9 : memref<16x64xi32, #tpu.memory_space<vmem>>) target_semaphore(%run_scoped3A : memref<!tpu.dma_semaphore, #tpu.memory_space<semaphore_mem>>)
          %dma_wait3A_218 = arith.constant 0 : i32
          %dma_wait3A_219 = tpu.memref_slice %arg4[%multiple_of3A, %dma_wait3A_218] : memref<5120x64xi32, #tpu.memory_space<hbm>> -> memref<16x64xi32, #tpu.memory_space<hbm>>
          %dma_wait3A_220 = arith.constant 0 : i32
          %dma_wait3A_221 = tpu.memref_slice %arg4[%multiple_of3A, %dma_wait3A_220] : memref<5120x64xi32, #tpu.memory_space<hbm>> -> memref<16x64xi32, #tpu.memory_space<hbm>>
          tpu.wait_dma2 semaphore(%run_scoped3A : memref<!tpu.dma_semaphore, #tpu.memory_space<semaphore_mem>>) src(%dma_wait3A_221 : memref<16x64xi32, #tpu.memory_space<hbm>>) dst(%arg9 : memref<16x64xi32, #tpu.memory_space<vmem>>)
          tpu.yield
        }) : () -> ()
      } else {
      }
      %rem3A_18 = arith.constant 16 : i32
      %rem3A_19 = arith.remsi %add3A_14, %rem3A_18 : i32
      %dma_start3A = arith.constant 0 : i32
      %dma_start3A_20 = arith.constant 0 : i32
      %dma_start3A_21 = arith.constant 0 : i32
      %dma_start3A_22 = tpu.memref_slice %arg10[%dma_start3A, %dma_start3A_20, %dma_start3A_21] : memref<2x64x128xf32, #tpu.memory_space<vmem>> -> memref<1x64x128xf32, #tpu.memory_space<vmem>>
      %dma_start3A_23 = tpu.memref_squeeze %dma_start3A_22 : memref<1x64x128xf32, #tpu.memory_space<vmem>> -> memref<64x128xf32, #tpu.memory_space<vmem>>
      %dma_start3A_24 = arith.constant 0 : i32
      %dma_start3A_25 = tpu.memref_slice %arg8[%rem3A_19, %dma_start3A_24] : memref<16x64xi32, #tpu.memory_space<vmem>> -> memref<1x64xi32, #tpu.memory_space<vmem>>
      %dma_start3A_26 = tpu.memref_squeeze %dma_start3A_25 : memref<1x64xi32, #tpu.memory_space<vmem>> -> memref<64xi32, #tpu.memory_space<vmem>>
      %dma_start3A_27 = arith.constant 0 : i32
      %dma_start3A_28 = arith.constant 0 : i32
      %dma_start3A_29 = tpu.memref_slice %arg2[%dma_start3A_27, %dma_start3A_28] : memref<10000x128xf32, #tpu.memory_space<hbm>> -> memref<10000x128xf32, #tpu.memory_space<hbm>>
      tpu.enqueue_indirect_dma source(%dma_start3A_29 : memref<10000x128xf32, #tpu.memory_space<hbm>>) target(%dma_start3A_23 : memref<64x128xf32, #tpu.memory_space<vmem>>) offsets(%dma_start3A_26 : memref<64xi32, #tpu.memory_space<vmem>>) semaphore(%arg13 : memref<!tpu.dma_semaphore, #tpu.memory_space<semaphore_mem>>)
      %add3A_30 = arith.addi %mul3A_2, %add3A_14 : i32
      %mul3A_31 = arith.constant 64 : i32
      %mul3A_32 = arith.muli %add3A_30, %mul3A_31 : i32
      %dma_start3A_33 = arith.constant 0 : i32
      %dma_start3A_34 = arith.constant 0 : i32
      %dma_start3A_35 = arith.constant 0 : i32
      %dma_start3A_36 = tpu.memref_slice %arg11[%dma_start3A_33, %dma_start3A_34, %dma_start3A_35] : memref<2x64x16xf32, #tpu.memory_space<vmem>> -> memref<1x64x16xf32, #tpu.memory_space<vmem>>
      %dma_start3A_37 = tpu.memref_squeeze %dma_start3A_36 : memref<1x64x16xf32, #tpu.memory_space<vmem>> -> memref<64x16xf32, #tpu.memory_space<vmem>>
      %dma_start3A_38 = arith.constant 0 : i32
      %dma_start3A_39 = tpu.memref_slice %arg5[%mul3A_32, %dma_start3A_38] : memref<327680x16xf32, #tpu.memory_space<hbm>> -> memref<64x16xf32, #tpu.memory_space<hbm>>
      %dma_start3A_40 = arith.constant 0 : i32
      %dma_start3A_41 = arith.constant 0 : i32
      %dma_start3A_42 = tpu.memref_slice %arg11[%dma_start3A_33, %dma_start3A_40, %dma_start3A_41] : memref<2x64x16xf32, #tpu.memory_space<vmem>> -> memref<1x64x16xf32, #tpu.memory_space<vmem>>
      %dma_start3A_43 = tpu.memref_squeeze %dma_start3A_42 : memref<1x64x16xf32, #tpu.memory_space<vmem>> -> memref<64x16xf32, #tpu.memory_space<vmem>>
      %dma_start3A_44 = arith.constant 0 : i32
      %dma_start3A_45 = tpu.memref_slice %arg5[%mul3A_32, %dma_start3A_44] : memref<327680x16xf32, #tpu.memory_space<hbm>> -> memref<64x16xf32, #tpu.memory_space<hbm>>
      tpu.enqueue_dma source(%dma_start3A_45 : memref<64x16xf32, #tpu.memory_space<hbm>>) target(%dma_start3A_43 : memref<64x16xf32, #tpu.memory_space<vmem>>) target_semaphore(%arg15 : memref<!tpu.dma_semaphore, #tpu.memory_space<semaphore_mem>>)
      %add3A_46 = arith.constant 1 : i32
      %add3A_47 = arith.addi %rem3A_19, %add3A_46 : i32
      %dma_start3A_48 = arith.constant 1 : i32
      %dma_start3A_49 = arith.constant 0 : i32
      %dma_start3A_50 = arith.constant 0 : i32
      %dma_start3A_51 = tpu.memref_slice %arg10[%dma_start3A_48, %dma_start3A_49, %dma_start3A_50] : memref<2x64x128xf32, #tpu.memory_space<vmem>> -> memref<1x64x128xf32, #tpu.memory_space<vmem>>
      %dma_start3A_52 = tpu.memref_squeeze %dma_start3A_51 : memref<1x64x128xf32, #tpu.memory_space<vmem>> -> memref<64x128xf32, #tpu.memory_space<vmem>>
      %dma_start3A_53 = arith.constant 0 : i32
      %dma_start3A_54 = tpu.memref_slice %arg8[%add3A_47, %dma_start3A_53] : memref<16x64xi32, #tpu.memory_space<vmem>> -> memref<1x64xi32, #tpu.memory_space<vmem>>
      %dma_start3A_55 = tpu.memref_squeeze %dma_start3A_54 : memref<1x64xi32, #tpu.memory_space<vmem>> -> memref<64xi32, #tpu.memory_space<vmem>>
      %dma_start3A_56 = arith.constant 0 : i32
      %dma_start3A_57 = arith.constant 0 : i32
      %dma_start3A_58 = tpu.memref_slice %arg2[%dma_start3A_56, %dma_start3A_57] : memref<10000x128xf32, #tpu.memory_space<hbm>> -> memref<10000x128xf32, #tpu.memory_space<hbm>>
      tpu.enqueue_indirect_dma source(%dma_start3A_58 : memref<10000x128xf32, #tpu.memory_space<hbm>>) target(%dma_start3A_52 : memref<64x128xf32, #tpu.memory_space<vmem>>) offsets(%dma_start3A_55 : memref<64xi32, #tpu.memory_space<vmem>>) semaphore(%arg14 : memref<!tpu.dma_semaphore, #tpu.memory_space<semaphore_mem>>)
      %add3A_59 = arith.addi %mul3A_2, %add3A_14 : i32
      %add3A_60 = arith.constant 1 : i32
      %add3A_61 = arith.addi %add3A_59, %add3A_60 : i32
      %mul3A_62 = arith.constant 64 : i32
      %mul3A_63 = arith.muli %add3A_61, %mul3A_62 : i32
      %dma_start3A_64 = arith.constant 1 : i32
      %dma_start3A_65 = arith.constant 0 : i32
      %dma_start3A_66 = arith.constant 0 : i32
      %dma_start3A_67 = tpu.memref_slice %arg11[%dma_start3A_64, %dma_start3A_65, %dma_start3A_66] : memref<2x64x16xf32, #tpu.memory_space<vmem>> -> memref<1x64x16xf32, #tpu.memory_space<vmem>>
      %dma_start3A_68 = tpu.memref_squeeze %dma_start3A_67 : memref<1x64x16xf32, #tpu.memory_space<vmem>> -> memref<64x16xf32, #tpu.memory_space<vmem>>
      %dma_start3A_69 = arith.constant 0 : i32
      %dma_start3A_70 = tpu.memref_slice %arg5[%mul3A_63, %dma_start3A_69] : memref<327680x16xf32, #tpu.memory_space<hbm>> -> memref<64x16xf32, #tpu.memory_space<hbm>>
      %dma_start3A_71 = arith.constant 0 : i32
      %dma_start3A_72 = arith.constant 0 : i32
      %dma_start3A_73 = tpu.memref_slice %arg11[%dma_start3A_64, %dma_start3A_71, %dma_start3A_72] : memref<2x64x16xf32, #tpu.memory_space<vmem>> -> memref<1x64x16xf32, #tpu.memory_space<vmem>>
      %dma_start3A_74 = tpu.memref_squeeze %dma_start3A_73 : memref<1x64x16xf32, #tpu.memory_space<vmem>> -> memref<64x16xf32, #tpu.memory_space<vmem>>
      %dma_start3A_75 = arith.constant 0 : i32
      %dma_start3A_76 = tpu.memref_slice %arg5[%mul3A_63, %dma_start3A_75] : memref<327680x16xf32, #tpu.memory_space<hbm>> -> memref<64x16xf32, #tpu.memory_space<hbm>>
      tpu.enqueue_dma source(%dma_start3A_76 : memref<64x16xf32, #tpu.memory_space<hbm>>) target(%dma_start3A_74 : memref<64x16xf32, #tpu.memory_space<vmem>>) target_semaphore(%arg16 : memref<!tpu.dma_semaphore, #tpu.memory_space<semaphore_mem>>)
      %dma_wait3A = arith.constant 0 : i32
      %dma_wait3A_77 = arith.constant 0 : i32
      %dma_wait3A_78 = arith.constant 0 : i32
      %dma_wait3A_79 = tpu.memref_slice %arg10[%dma_wait3A, %dma_wait3A_77, %dma_wait3A_78] : memref<2x64x128xf32, #tpu.memory_space<vmem>> -> memref<1x64x128xf32, #tpu.memory_space<vmem>>
      %dma_wait3A_80 = tpu.memref_squeeze %dma_wait3A_79 : memref<1x64x128xf32, #tpu.memory_space<vmem>> -> memref<64x128xf32, #tpu.memory_space<vmem>>
      %dma_wait3A_81 = arith.constant 0 : i32
      %dma_wait3A_82 = tpu.memref_slice %arg8[%rem3A_19, %dma_wait3A_81] : memref<16x64xi32, #tpu.memory_space<vmem>> -> memref<1x64xi32, #tpu.memory_space<vmem>>
      %dma_wait3A_83 = tpu.memref_squeeze %dma_wait3A_82 : memref<1x64xi32, #tpu.memory_space<vmem>> -> memref<64xi32, #tpu.memory_space<vmem>>
      %dma_wait3A_84 = arith.constant 0 : i32
      %dma_wait3A_85 = arith.constant 0 : i32
      %dma_wait3A_86 = tpu.memref_slice %arg2[%dma_wait3A_84, %dma_wait3A_85] : memref<10000x128xf32, #tpu.memory_space<hbm>> -> memref<10000x128xf32, #tpu.memory_space<hbm>>
      tpu.wait_indirect_dma semaphore(%arg13 : memref<!tpu.dma_semaphore, #tpu.memory_space<semaphore_mem>>) src(%dma_wait3A_86 : memref<10000x128xf32, #tpu.memory_space<hbm>>) dst(%dma_wait3A_80 : memref<64x128xf32, #tpu.memory_space<vmem>>)
      %dma_wait3A_87 = arith.constant 0 : i32
      %dma_wait3A_88 = arith.constant 0 : i32
      %dma_wait3A_89 = arith.constant 0 : i32
      %dma_wait3A_90 = tpu.memref_slice %arg11[%dma_wait3A_87, %dma_wait3A_88, %dma_wait3A_89] : memref<2x64x16xf32, #tpu.memory_space<vmem>> -> memref<1x64x16xf32, #tpu.memory_space<vmem>>
      %dma_wait3A_91 = tpu.memref_squeeze %dma_wait3A_90 : memref<1x64x16xf32, #tpu.memory_space<vmem>> -> memref<64x16xf32, #tpu.memory_space<vmem>>
      %dma_wait3A_92 = arith.constant 0 : i32
      %dma_wait3A_93 = tpu.memref_slice %arg5[%mul3A_32, %dma_wait3A_92] : memref<327680x16xf32, #tpu.memory_space<hbm>> -> memref<64x16xf32, #tpu.memory_space<hbm>>
      %dma_wait3A_94 = arith.constant 0 : i32
      %dma_wait3A_95 = arith.constant 0 : i32
      %dma_wait3A_96 = tpu.memref_slice %arg11[%dma_wait3A_87, %dma_wait3A_94, %dma_wait3A_95] : memref<2x64x16xf32, #tpu.memory_space<vmem>> -> memref<1x64x16xf32, #tpu.memory_space<vmem>>
      %dma_wait3A_97 = tpu.memref_squeeze %dma_wait3A_96 : memref<1x64x16xf32, #tpu.memory_space<vmem>> -> memref<64x16xf32, #tpu.memory_space<vmem>>
      %dma_wait3A_98 = arith.constant 0 : i32
      %dma_wait3A_99 = tpu.memref_slice %arg5[%mul3A_32, %dma_wait3A_98] : memref<327680x16xf32, #tpu.memory_space<hbm>> -> memref<64x16xf32, #tpu.memory_space<hbm>>
      tpu.wait_dma2 semaphore(%arg15 : memref<!tpu.dma_semaphore, #tpu.memory_space<semaphore_mem>>) src(%dma_wait3A_99 : memref<64x16xf32, #tpu.memory_space<hbm>>) dst(%dma_wait3A_97 : memref<64x16xf32, #tpu.memory_space<vmem>>)
      %get3A = arith.constant 0 : i32
      %get3A_100 = arith.index_cast %get3A : i32 to index
      %get3A_101 = arith.constant 0 : index
      %get3A_102 = arith.constant 0 : index
      %get3A_103 = tpu.vector_load %arg10[%get3A_100, %get3A_101, %get3A_102] {strides = array<i32>} : memref<2x64x128xf32, #tpu.memory_space<vmem>>, vector<1x64x16xf32>,
      %get3A_104 = vector.shape_cast %get3A_103 : vector<1x64x16xf32> to vector<64x16xf32>
      %get3A_105 = arith.constant 0 : i32
      %get3A_106 = arith.index_cast %get3A_105 : i32 to index
      %get3A_107 = arith.constant 0 : index
      %get3A_108 = arith.constant 0 : index
      %get3A_109 = tpu.vector_load %arg11[%get3A_106, %get3A_107, %get3A_108] {strides = array<i32>} : memref<2x64x16xf32, #tpu.memory_space<vmem>>, vector<1x64x16xf32>,
      %get3A_110 = vector.shape_cast %get3A_109 : vector<1x64x16xf32> to vector<64x16xf32>
      %add3A_111 = arith.addf %get3A_104, %get3A_110 : vector<64x16xf32>
      %max3A = arith.constant 0.000000e+00 : f32
      %max3A_112 = vector.broadcast %max3A : f32 to vector<64x16xf32>
      %max3A_113 = arith.maximumf %add3A_111, %max3A_112 : vector<64x16xf32>
      %swap3A = arith.constant 0 : i32
      %swap3A_114 = arith.index_cast %swap3A : i32 to index
      %swap3A_115 = arith.constant 0 : index
      %swap3A_116 = arith.constant 0 : index
      %swap3A_117 = tpu.vector_load %arg10[%swap3A_114, %swap3A_115, %swap3A_116] {strides = array<i32>} : memref<2x64x128xf32, #tpu.memory_space<vmem>>, vector<1x64x16xf32>,
      %swap3A_118 = vector.shape_cast %swap3A_117 : vector<1x64x16xf32> to vector<64x16xf32>
      %swap3A_119 = vector.shape_cast %max3A_113 : vector<64x16xf32> to vector<1x64x16xf32>
      tpu.vector_store %arg10[%swap3A_114, %swap3A_115, %swap3A_116], %swap3A_119 {strides = array<i32>} : memref<2x64x128xf32, #tpu.memory_space<vmem>>, vector<1x64x16xf32>,
      %dma_start3A_120 = arith.constant 0 : i32
      %dma_start3A_121 = arith.constant 0 : i32
      %dma_start3A_122 = arith.constant 0 : i32
      %dma_start3A_123 = tpu.memref_slice %arg10[%dma_start3A_120, %dma_start3A_121, %dma_start3A_122] : memref<2x64x128xf32, #tpu.memory_space<vmem>> -> memref<1x64x128xf32, #tpu.memory_space<vmem>>
      %dma_start3A_124 = tpu.memref_squeeze %dma_start3A_123 : memref<1x64x128xf32, #tpu.memory_space<vmem>> -> memref<64x128xf32, #tpu.memory_space<vmem>>
      %dma_start3A_125 = arith.constant 0 : i32
      %dma_start3A_126 = tpu.memref_slice %arg9[%rem3A_19, %dma_start3A_125] : memref<16x64xi32, #tpu.memory_space<vmem>> -> memref<1x64xi32, #tpu.memory_space<vmem>>
      %dma_start3A_127 = tpu.memref_squeeze %dma_start3A_126 : memref<1x64xi32, #tpu.memory_space<vmem>> -> memref<64xi32, #tpu.memory_space<vmem>>
      %dma_start3A_128 = arith.constant 0 : i32
      %dma_start3A_129 = arith.constant 0 : i32
      %dma_start3A_130 = tpu.memref_slice %arg12[%dma_start3A_128, %dma_start3A_129] : memref<10112x128xf32, #tpu.memory_space<vmem_shared>> -> memref<10112x128xf32, #tpu.memory_space<vmem_shared>>
      tpu.enqueue_indirect_dma source(%dma_start3A_124 : memref<64x128xf32, #tpu.memory_space<vmem>>) target(%dma_start3A_130 : memref<10112x128xf32, #tpu.memory_space<vmem_shared>>) offsets(%dma_start3A_127 : memref<64xi32, #tpu.memory_space<vmem>>) semaphore(%arg17 : memref<!tpu.dma_semaphore, #tpu.memory_space<semaphore_mem>>) {add = true}
      %dma_wait3A_131 = arith.constant 1 : i32
      %dma_wait3A_132 = arith.constant 0 : i32
      %dma_wait3A_133 = arith.constant 0 : i32
      %dma_wait3A_134 = tpu.memref_slice %arg10[%dma_wait3A_131, %dma_wait3A_132, %dma_wait3A_133] : memref<2x64x128xf32, #tpu.memory_space<vmem>> -> memref<1x64x128xf32, #tpu.memory_space<vmem>>
      %dma_wait3A_135 = tpu.memref_squeeze %dma_wait3A_134 : memref<1x64x128xf32, #tpu.memory_space<vmem>> -> memref<64x128xf32, #tpu.memory_space<vmem>>
      %dma_wait3A_136 = arith.constant 0 : i32
      %dma_wait3A_137 = tpu.memref_slice %arg8[%add3A_47, %dma_wait3A_136] : memref<16x64xi32, #tpu.memory_space<vmem>> -> memref<1x64xi32, #tpu.memory_space<vmem>>
      %dma_wait3A_138 = tpu.memref_squeeze %dma_wait3A_137 : memref<1x64xi32, #tpu.memory_space<vmem>> -> memref<64xi32, #tpu.memory_space<vmem>>
      %dma_wait3A_139 = arith.constant 0 : i32
      %dma_wait3A_140 = arith.constant 0 : i32
      %dma_wait3A_141 = tpu.memref_slice %arg2[%dma_wait3A_139, %dma_wait3A_140] : memref<10000x128xf32, #tpu.memory_space<hbm>> -> memref<10000x128xf32, #tpu.memory_space<hbm>>
      tpu.wait_indirect_dma semaphore(%arg14 : memref<!tpu.dma_semaphore, #tpu.memory_space<semaphore_mem>>) src(%dma_wait3A_141 : memref<10000x128xf32, #tpu.memory_space<hbm>>) dst(%dma_wait3A_135 : memref<64x128xf32, #tpu.memory_space<vmem>>)
      %dma_wait3A_142 = arith.constant 1 : i32
      %dma_wait3A_143 = arith.constant 0 : i32
      %dma_wait3A_144 = arith.constant 0 : i32
      %dma_wait3A_145 = tpu.memref_slice %arg11[%dma_wait3A_142, %dma_wait3A_143, %dma_wait3A_144] : memref<2x64x16xf32, #tpu.memory_space<vmem>> -> memref<1x64x16xf32, #tpu.memory_space<vmem>>
      %dma_wait3A_146 = tpu.memref_squeeze %dma_wait3A_145 : memref<1x64x16xf32, #tpu.memory_space<vmem>> -> memref<64x16xf32, #tpu.memory_space<vmem>>
      %dma_wait3A_147 = arith.constant 0 : i32
      %dma_wait3A_148 = tpu.memref_slice %arg5[%mul3A_63, %dma_wait3A_147] : memref<327680x16xf32, #tpu.memory_space<hbm>> -> memref<64x16xf32, #tpu.memory_space<hbm>>
      %dma_wait3A_149 = arith.constant 0 : i32
      %dma_wait3A_150 = arith.constant 0 : i32
      %dma_wait3A_151 = tpu.memref_slice %arg11[%dma_wait3A_142, %dma_wait3A_149, %dma_wait3A_150] : memref<2x64x16xf32, #tpu.memory_space<vmem>> -> memref<1x64x16xf32, #tpu.memory_space<vmem>>
      %dma_wait3A_152 = tpu.memref_squeeze %dma_wait3A_151 : memref<1x64x16xf32, #tpu.memory_space<vmem>> -> memref<64x16xf32, #tpu.memory_space<vmem>>
      %dma_wait3A_153 = arith.constant 0 : i32
      %dma_wait3A_154 = tpu.memref_slice %arg5[%mul3A_63, %dma_wait3A_153] : memref<327680x16xf32, #tpu.memory_space<hbm>> -> memref<64x16xf32, #tpu.memory_space<hbm>>
      tpu.wait_dma2 semaphore(%arg16 : memref<!tpu.dma_semaphore, #tpu.memory_space<semaphore_mem>>) src(%dma_wait3A_154 : memref<64x16xf32, #tpu.memory_space<hbm>>) dst(%dma_wait3A_152 : memref<64x16xf32, #tpu.memory_space<vmem>>)
      %get3A_155 = arith.constant 1 : i32
      %get3A_156 = arith.index_cast %get3A_155 : i32 to index
      %get3A_157 = arith.constant 0 : index
      %get3A_158 = arith.constant 0 : index
      %get3A_159 = tpu.vector_load %arg10[%get3A_156, %get3A_157, %get3A_158] {strides = array<i32>} : memref<2x64x128xf32, #tpu.memory_space<vmem>>, vector<1x64x16xf32>,
      %get3A_160 = vector.shape_cast %get3A_159 : vector<1x64x16xf32> to vector<64x16xf32>
      %get3A_161 = arith.constant 1 : i32
      %get3A_162 = arith.index_cast %get3A_161 : i32 to index
      %get3A_163 = arith.constant 0 : index
      %get3A_164 = arith.constant 0 : index
      %get3A_165 = tpu.vector_load %arg11[%get3A_162, %get3A_163, %get3A_164] {strides = array<i32>} : memref<2x64x16xf32, #tpu.memory_space<vmem>>, vector<1x64x16xf32>,
      %get3A_166 = vector.shape_cast %get3A_165 : vector<1x64x16xf32> to vector<64x16xf32>
      %add3A_167 = arith.addf %get3A_160, %get3A_166 : vector<64x16xf32>
      %max3A_168 = arith.constant 0.000000e+00 : f32
      %max3A_169 = vector.broadcast %max3A_168 : f32 to vector<64x16xf32>
      %max3A_170 = arith.maximumf %add3A_167, %max3A_169 : vector<64x16xf32>
      %swap3A_171 = arith.constant 1 : i32
      %swap3A_172 = arith.index_cast %swap3A_171 : i32 to index
      %swap3A_173 = arith.constant 0 : index
      %swap3A_174 = arith.constant 0 : index
      %swap3A_175 = tpu.vector_load %arg10[%swap3A_172, %swap3A_173, %swap3A_174] {strides = array<i32>} : memref<2x64x128xf32, #tpu.memory_space<vmem>>, vector<1x64x16xf32>,
      %swap3A_176 = vector.shape_cast %swap3A_175 : vector<1x64x16xf32> to vector<64x16xf32>
      %swap3A_177 = vector.shape_cast %max3A_170 : vector<64x16xf32> to vector<1x64x16xf32>
      tpu.vector_store %arg10[%swap3A_172, %swap3A_173, %swap3A_174], %swap3A_177 {strides = array<i32>} : memref<2x64x128xf32, #tpu.memory_space<vmem>>, vector<1x64x16xf32>,
      %add3A_178 = arith.constant 1 : i32
      %add3A_179 = arith.addi %rem3A_19, %add3A_178 : i32
      %dma_start3A_180 = arith.constant 1 : i32
      %dma_start3A_181 = arith.constant 0 : i32
      %dma_start3A_182 = arith.constant 0 : i32
      %dma_start3A_183 = tpu.memref_slice %arg10[%dma_start3A_180, %dma_start3A_181, %dma_start3A_182] : memref<2x64x128xf32, #tpu.memory_space<vmem>> -> memref<1x64x128xf32, #tpu.memory_space<vmem>>
      %dma_start3A_184 = tpu.memref_squeeze %dma_start3A_183 : memref<1x64x128xf32, #tpu.memory_space<vmem>> -> memref<64x128xf32, #tpu.memory_space<vmem>>
      %dma_start3A_185 = arith.constant 0 : i32
      %dma_start3A_186 = tpu.memref_slice %arg9[%add3A_179, %dma_start3A_185] : memref<16x64xi32, #tpu.memory_space<vmem>> -> memref<1x64xi32, #tpu.memory_space<vmem>>
      %dma_start3A_187 = tpu.memref_squeeze %dma_start3A_186 : memref<1x64xi32, #tpu.memory_space<vmem>> -> memref<64xi32, #tpu.memory_space<vmem>>
      %dma_start3A_188 = arith.constant 0 : i32
      %dma_start3A_189 = arith.constant 0 : i32
      %dma_start3A_190 = tpu.memref_slice %arg12[%dma_start3A_188, %dma_start3A_189] : memref<10112x128xf32, #tpu.memory_space<vmem_shared>> -> memref<10112x128xf32, #tpu.memory_space<vmem_shared>>
      tpu.enqueue_indirect_dma source(%dma_start3A_184 : memref<64x128xf32, #tpu.memory_space<vmem>>) target(%dma_start3A_190 : memref<10112x128xf32, #tpu.memory_space<vmem_shared>>) offsets(%dma_start3A_187 : memref<64xi32, #tpu.memory_space<vmem>>) semaphore(%arg18 : memref<!tpu.dma_semaphore, #tpu.memory_space<semaphore_mem>>) {add = true}
      %dma_wait3A_191 = arith.constant 0 : i32
      %dma_wait3A_192 = arith.constant 0 : i32
      %dma_wait3A_193 = arith.constant 0 : i32
      %dma_wait3A_194 = tpu.memref_slice %arg10[%dma_wait3A_191, %dma_wait3A_192, %dma_wait3A_193] : memref<2x64x128xf32, #tpu.memory_space<vmem>> -> memref<1x64x128xf32, #tpu.memory_space<vmem>>
      %dma_wait3A_195 = tpu.memref_squeeze %dma_wait3A_194 : memref<1x64x128xf32, #tpu.memory_space<vmem>> -> memref<64x128xf32, #tpu.memory_space<vmem>>
      %dma_wait3A_196 = arith.constant 0 : i32
      %dma_wait3A_197 = tpu.memref_slice %arg9[%rem3A_19, %dma_wait3A_196] : memref<16x64xi32, #tpu.memory_space<vmem>> -> memref<1x64xi32, #tpu.memory_space<vmem>>
      %dma_wait3A_198 = tpu.memref_squeeze %dma_wait3A_197 : memref<1x64xi32, #tpu.memory_space<vmem>> -> memref<64xi32, #tpu.memory_space<vmem>>
      %dma_wait3A_199 = arith.constant 0 : i32
      %dma_wait3A_200 = arith.constant 0 : i32
      %dma_wait3A_201 = tpu.memref_slice %arg12[%dma_wait3A_199, %dma_wait3A_200] : memref<10112x128xf32, #tpu.memory_space<vmem_shared>> -> memref<10112x128xf32, #tpu.memory_space<vmem_shared>>
      tpu.wait_indirect_dma semaphore(%arg17 : memref<!tpu.dma_semaphore, #tpu.memory_space<semaphore_mem>>) src(%dma_wait3A_195 : memref<64x128xf32, #tpu.memory_space<vmem>>) dst(%dma_wait3A_201 : memref<10112x128xf32, #tpu.memory_space<vmem_shared>>)
      %dma_wait3A_202 = arith.constant 1 : i32
      %dma_wait3A_203 = arith.constant 0 : i32
      %dma_wait3A_204 = arith.constant 0 : i32
      %dma_wait3A_205 = tpu.memref_slice %arg10[%dma_wait3A_202, %dma_wait3A_203, %dma_wait3A_204] : memref<2x64x128xf32, #tpu.memory_space<vmem>> -> memref<1x64x128xf32, #tpu.memory_space<vmem>>
      %dma_wait3A_206 = tpu.memref_squeeze %dma_wait3A_205 : memref<1x64x128xf32, #tpu.memory_space<vmem>> -> memref<64x128xf32, #tpu.memory_space<vmem>>
      %dma_wait3A_207 = arith.constant 0 : i32
      %dma_wait3A_208 = tpu.memref_slice %arg9[%add3A_179, %dma_wait3A_207] : memref<16x64xi32, #tpu.memory_space<vmem>> -> memref<1x64xi32, #tpu.memory_space<vmem>>
      %dma_wait3A_209 = tpu.memref_squeeze %dma_wait3A_208 : memref<1x64xi32, #tpu.memory_space<vmem>> -> memref<64xi32, #tpu.memory_space<vmem>>
      %dma_wait3A_210 = arith.constant 0 : i32
      %dma_wait3A_211 = arith.constant 0 : i32
      %dma_wait3A_212 = tpu.memref_slice %arg12[%dma_wait3A_210, %dma_wait3A_211] : memref<10112x128xf32, #tpu.memory_space<vmem_shared>> -> memref<10112x128xf32, #tpu.memory_space<vmem_shared>>
      tpu.wait_indirect_dma semaphore(%arg18 : memref<!tpu.dma_semaphore, #tpu.memory_space<semaphore_mem>>) src(%dma_wait3A_206 : memref<64x128xf32, #tpu.memory_space<vmem>>) dst(%dma_wait3A_212 : memref<10112x128xf32, #tpu.memory_space<vmem_shared>>)
    }
    %scan3A_8 = arith.constant 80 : i32
    %barrier3A_9 = arith.constant 0 : index
    tpu.barrier barrier_id(%barrier3A_9)
    "tpu.region"() ({
      %run_scoped3A = tpu.sem_alloc : memref<!tpu.dma_semaphore, #tpu.memory_space<semaphore_mem>>
      %dma_start3A = arith.constant 0 : i32
      %dma_start3A_10 = tpu.memref_slice %arg7[%arg0, %mul3A_4, %dma_start3A] : memref<2x10112x128xf32, #tpu.memory_space<hbm>> -> memref<1x632x128xf32, #tpu.memory_space<hbm>>
      %dma_start3A_11 = tpu.memref_squeeze %dma_start3A_10 : memref<1x632x128xf32, #tpu.memory_space<hbm>> -> memref<632x128xf32, #tpu.memory_space<hbm>>
      %dma_start3A_12 = arith.constant 0 : i32
      %dma_start3A_13 = tpu.memref_slice %arg12[%mul3A_4, %dma_start3A_12] : memref<10112x128xf32, #tpu.memory_space<vmem_shared>> -> memref<632x128xf32, #tpu.memory_space<vmem_shared>>
      tpu.enqueue_dma source(%dma_start3A_13 : memref<632x128xf32, #tpu.memory_space<vmem_shared>>) target(%dma_start3A_11 : memref<632x128xf32, #tpu.memory_space<hbm>>) target_semaphore(%run_scoped3A : memref<!tpu.dma_semaphore, #tpu.memory_space<semaphore_mem>>)
      %dma_wait3A = arith.constant 0 : i32
      %dma_wait3A_14 = tpu.memref_slice %arg7[%arg0, %mul3A_4, %dma_wait3A] : memref<2x10112x128xf32, #tpu.memory_space<hbm>> -> memref<1x632x128xf32, #tpu.memory_space<hbm>>
      %dma_wait3A_15 = tpu.memref_squeeze %dma_wait3A_14 : memref<1x632x128xf32, #tpu.memory_space<hbm>> -> memref<632x128xf32, #tpu.memory_space<hbm>>
      %dma_wait3A_16 = arith.constant 0 : i32
      %dma_wait3A_17 = tpu.memref_slice %arg12[%mul3A_4, %dma_wait3A_16] : memref<10112x128xf32, #tpu.memory_space<vmem_shared>> -> memref<632x128xf32, #tpu.memory_space<vmem_shared>>
      tpu.wait_dma2 semaphore(%run_scoped3A : memref<!tpu.dma_semaphore, #tpu.memory_space<semaphore_mem>>) src(%dma_wait3A_17 : memref<632x128xf32, #tpu.memory_space<vmem_shared>>) dst(%dma_wait3A_15 : memref<632x128xf32, #tpu.memory_space<hbm>>)
      tpu.yield
    }) : () -> ()
    return
  }
}

#map = affine_map<(d0, d1) -> (0, 0)>
#map1 = affine_map<(d0, d1) -> (0, 0, 0)>
module attributes {stable_mosaic.version = 14 : i64} {
  func.func @msg(%arg0: i32, %arg1: i32, %arg2: memref<10000x128xf32, #tpu.memory_space<hbm>>, %arg3: memref<5120x64xi32, #tpu.memory_space<hbm>>, %arg4: memref<5120x64xi32, #tpu.memory_space<hbm>>, %arg5: memref<327680x16xf32, #tpu.memory_space<hbm>>, %arg6: memref<632x128xf32, #tpu.memory_space<hbm>>, %arg7: memref<2x10112x128xf32, #tpu.memory_space<hbm>>, %arg8: memref<16x64xi32, #tpu.memory_space<vmem>>, %arg9: memref<16x64xi32, #tpu.memory_space<vmem>>, %arg10: memref<2x64x128xf32, #tpu.memory_space<vmem>>, %arg11: memref<2x64x16xf32, #tpu.memory_space<vmem>>, %arg12: memref<10112x128xf32, #tpu.memory_space<vmem_shared>>, %arg13: memref<!tpu.dma_semaphore, #tpu.memory_space<semaphore_mem>>, %arg14: memref<!tpu.dma_semaphore, #tpu.memory_space<semaphore_mem>>, %arg15: memref<!tpu.dma_semaphore, #tpu.memory_space<semaphore_mem>>, %arg16: memref<!tpu.dma_semaphore, #tpu.memory_space<semaphore_mem>>, %arg17: memref<!tpu.dma_semaphore, #tpu.memory_space<semaphore_mem>>, %arg18: memref<!tpu.dma_semaphore, #tpu.memory_space<semaphore_mem>>) attributes {dimension_semantics = [#tpu.dimension_semantics<core_parallel>, #tpu.dimension_semantics<subcore_parallel>], iteration_bounds = array<i64: 2, 16>, scalar_prefetch = 0 : i64, scratch_operands = 11 : i64, tpu.core_type = #tpu.core_type<sc_vector_subcore>, window_params = [{transform_indices = #map}, {transform_indices = #map}, {transform_indices = #map}, {transform_indices = #map}, {transform_indices = #map}, {transform_indices = #map1}]} {
    %mul3A = arith.constant 2 : i32
    %mul3A_0 = arith.muli %arg1, %mul3A : i32
    %add3A = arith.addi %mul3A_0, %arg0 : i32
    %mul3A_1 = arith.constant 160 : i32
    %mul3A_2 = arith.muli %add3A, %mul3A_1 : i32
    %mul3A_3 = arith.constant 632 : i32
    %mul3A_4 = arith.muli %arg1, %mul3A_3 : i32
    "tpu.region"() ({
      %run_scoped3A = tpu.sem_alloc : memref<!tpu.dma_semaphore, #tpu.memory_space<semaphore_mem>>
      %dma_start3A = arith.constant 0 : i32
      %dma_start3A_10 = tpu.memref_slice %arg12[%mul3A_4, %dma_start3A] : memref<10112x128xf32, #tpu.memory_space<vmem_shared>> -> memref<632x128xf32, #tpu.memory_space<vmem_shared>>
      tpu.enqueue_dma source(%arg6 : memref<632x128xf32, #tpu.memory_space<hbm>>) target(%dma_start3A_10 : memref<632x128xf32, #tpu.memory_space<vmem_shared>>) target_semaphore(%run_scoped3A : memref<!tpu.dma_semaphore, #tpu.memory_space<semaphore_mem>>)
      %dma_wait3A = arith.constant 0 : i32
      %dma_wait3A_11 = tpu.memref_slice %arg12[%mul3A_4, %dma_wait3A] : memref<10112x128xf32, #tpu.memory_space<vmem_shared>> -> memref<632x128xf32, #tpu.memory_space<vmem_shared>>
      tpu.wait_dma2 semaphore(%run_scoped3A : memref<!tpu.dma_semaphore, #tpu.memory_space<semaphore_mem>>) src(%arg6 : memref<632x128xf32, #tpu.memory_space<hbm>>) dst(%dma_wait3A_11 : memref<632x128xf32, #tpu.memory_space<vmem_shared>>)
      tpu.yield
    }) : () -> ()
    %barrier3A = arith.constant 0 : index
    tpu.barrier barrier_id(%barrier3A)
    %scan3A = arith.constant 0 : i32
    %scan3A_5 = arith.constant 80 : i32
    %scan3A_6 = arith.addi %scan3A, %scan3A_5 : i32
    %scan3A_7 = arith.constant 1 : i32
    scf.for %scan3A_10 = %scan3A to %scan3A_6 step %scan3A_7  : i32 {
      %mul3A_11 = arith.constant 2 : i32
      %mul3A_12 = arith.muli %scan3A_10, %mul3A_11 : i32
      %add3A_13 = arith.constant 0 : i32
      %add3A_14 = arith.addi %add3A_13, %mul3A_12 : i32
      %rem3A = arith.constant 16 : i32
      %rem3A_15 = arith.remsi %add3A_14, %rem3A : i32
      %eq3A = arith.constant 0 : i32
      %eq3A_16 = arith.cmpi eq, %rem3A_15, %eq3A : i32
      %convert_element_type3A = arith.extui %eq3A_16 : i1 to i32
      %cond3A = arith.constant 0 : i32
      %cond3A_17 = arith.cmpi ne, %convert_element_type3A, %cond3A : i32
      scf.if %cond3A_17 {
        %add3A_213 = arith.addi %mul3A_2, %add3A_14 : i32
        %multiple_of3A = tpu.assume_multiple %add3A_213, 16 : i32
        "tpu.region"() ({
          %run_scoped3A = tpu.sem_alloc : memref<!tpu.dma_semaphore, #tpu.memory_space<semaphore_mem>>
          %dma_start3A_214 = arith.constant 0 : i32
          %dma_start3A_215 = tpu.memref_slice %arg3[%multiple_of3A, %dma_start3A_214] : memref<5120x64xi32, #tpu.memory_space<hbm>> -> memref<16x64xi32, #tpu.memory_space<hbm>>
          %dma_start3A_216 = arith.constant 0 : i32
          %dma_start3A_217 = tpu.memref_slice %arg3[%multiple_of3A, %dma_start3A_216] : memref<5120x64xi32, #tpu.memory_space<hbm>> -> memref<16x64xi32, #tpu.memory_space<hbm>>
          tpu.enqueue_dma source(%dma_start3A_217 : memref<16x64xi32, #tpu.memory_space<hbm>>) target(%arg8 : memref<16x64xi32, #tpu.memory_space<vmem>>) target_semaphore(%run_scoped3A : memref<!tpu.dma_semaphore, #tpu.memory_space<semaphore_mem>>)
          %dma_wait3A_218 = arith.constant 0 : i32
          %dma_wait3A_219 = tpu.memref_slice %arg3[%multiple_of3A, %dma_wait3A_218] : memref<5120x64xi32, #tpu.memory_space<hbm>> -> memref<16x64xi32, #tpu.memory_space<hbm>>
          %dma_wait3A_220 = arith.constant 0 : i32
          %dma_wait3A_221 = tpu.memref_slice %arg3[%multiple_of3A, %dma_wait3A_220] : memref<5120x64xi32, #tpu.memory_space<hbm>> -> memref<16x64xi32, #tpu.memory_space<hbm>>
          tpu.wait_dma2 semaphore(%run_scoped3A : memref<!tpu.dma_semaphore, #tpu.memory_space<semaphore_mem>>) src(%dma_wait3A_221 : memref<16x64xi32, #tpu.memory_space<hbm>>) dst(%arg8 : memref<16x64xi32, #tpu.memory_space<vmem>>)
          tpu.yield
        }) : () -> ()
        "tpu.region"() ({
          %run_scoped3A = tpu.sem_alloc : memref<!tpu.dma_semaphore, #tpu.memory_space<semaphore_mem>>
          %dma_start3A_214 = arith.constant 0 : i32
          %dma_start3A_215 = tpu.memref_slice %arg4[%multiple_of3A, %dma_start3A_214] : memref<5120x64xi32, #tpu.memory_space<hbm>> -> memref<16x64xi32, #tpu.memory_space<hbm>>
          %dma_start3A_216 = arith.constant 0 : i32
          %dma_start3A_217 = tpu.memref_slice %arg4[%multiple_of3A, %dma_start3A_216] : memref<5120x64xi32, #tpu.memory_space<hbm>> -> memref<16x64xi32, #tpu.memory_space<hbm>>
          tpu.enqueue_dma source(%dma_start3A_217 : memref<16x64xi32, #tpu.memory_space<hbm>>) target(%arg9 : memref<16x64xi32, #tpu.memory_space<vmem>>) target_semaphore(%run_scoped3A : memref<!tpu.dma_semaphore, #tpu.memory_space<semaphore_mem>>)
          %dma_wait3A_218 = arith.constant 0 : i32
          %dma_wait3A_219 = tpu.memref_slice %arg4[%multiple_of3A, %dma_wait3A_218] : memref<5120x64xi32, #tpu.memory_space<hbm>> -> memref<16x64xi32, #tpu.memory_space<hbm>>
          %dma_wait3A_220 = arith.constant 0 : i32
          %dma_wait3A_221 = tpu.memref_slice %arg4[%multiple_of3A, %dma_wait3A_220] : memref<5120x64xi32, #tpu.memory_space<hbm>> -> memref<16x64xi32, #tpu.memory_space<hbm>>
          tpu.wait_dma2 semaphore(%run_scoped3A : memref<!tpu.dma_semaphore, #tpu.memory_space<semaphore_mem>>) src(%dma_wait3A_221 : memref<16x64xi32, #tpu.memory_space<hbm>>) dst(%arg9 : memref<16x64xi32, #tpu.memory_space<vmem>>)
          tpu.yield
        }) : () -> ()
      } else {
      }
      %rem3A_18 = arith.constant 16 : i32
      %rem3A_19 = arith.remsi %add3A_14, %rem3A_18 : i32
      %dma_start3A = arith.constant 0 : i32
      %dma_start3A_20 = arith.constant 0 : i32
      %dma_start3A_21 = arith.constant 0 : i32
      %dma_start3A_22 = tpu.memref_slice %arg10[%dma_start3A, %dma_start3A_20, %dma_start3A_21] : memref<2x64x128xf32, #tpu.memory_space<vmem>> -> memref<1x64x128xf32, #tpu.memory_space<vmem>>
      %dma_start3A_23 = tpu.memref_squeeze %dma_start3A_22 : memref<1x64x128xf32, #tpu.memory_space<vmem>> -> memref<64x128xf32, #tpu.memory_space<vmem>>
      %dma_start3A_24 = arith.constant 0 : i32
      %dma_start3A_25 = tpu.memref_slice %arg8[%rem3A_19, %dma_start3A_24] : memref<16x64xi32, #tpu.memory_space<vmem>> -> memref<1x64xi32, #tpu.memory_space<vmem>>
      %dma_start3A_26 = tpu.memref_squeeze %dma_start3A_25 : memref<1x64xi32, #tpu.memory_space<vmem>> -> memref<64xi32, #tpu.memory_space<vmem>>
      %dma_start3A_27 = arith.constant 0 : i32
      %dma_start3A_28 = arith.constant 0 : i32
      %dma_start3A_29 = tpu.memref_slice %arg2[%dma_start3A_27, %dma_start3A_28] : memref<10000x128xf32, #tpu.memory_space<hbm>> -> memref<10000x128xf32, #tpu.memory_space<hbm>>
      tpu.enqueue_indirect_dma source(%dma_start3A_29 : memref<10000x128xf32, #tpu.memory_space<hbm>>) target(%dma_start3A_23 : memref<64x128xf32, #tpu.memory_space<vmem>>) offsets(%dma_start3A_26 : memref<64xi32, #tpu.memory_space<vmem>>) semaphore(%arg13 : memref<!tpu.dma_semaphore, #tpu.memory_space<semaphore_mem>>)
      %add3A_30 = arith.addi %mul3A_2, %add3A_14 : i32
      %mul3A_31 = arith.constant 64 : i32
      %mul3A_32 = arith.muli %add3A_30, %mul3A_31 : i32
      %dma_start3A_33 = arith.constant 0 : i32
      %dma_start3A_34 = arith.constant 0 : i32
      %dma_start3A_35 = arith.constant 0 : i32
      %dma_start3A_36 = tpu.memref_slice %arg11[%dma_start3A_33, %dma_start3A_34, %dma_start3A_35] : memref<2x64x16xf32, #tpu.memory_space<vmem>> -> memref<1x64x16xf32, #tpu.memory_space<vmem>>
      %dma_start3A_37 = tpu.memref_squeeze %dma_start3A_36 : memref<1x64x16xf32, #tpu.memory_space<vmem>> -> memref<64x16xf32, #tpu.memory_space<vmem>>
      %dma_start3A_38 = arith.constant 0 : i32
      %dma_start3A_39 = tpu.memref_slice %arg5[%mul3A_32, %dma_start3A_38] : memref<327680x16xf32, #tpu.memory_space<hbm>> -> memref<64x16xf32, #tpu.memory_space<hbm>>
      %dma_start3A_40 = arith.constant 0 : i32
      %dma_start3A_41 = arith.constant 0 : i32
      %dma_start3A_42 = tpu.memref_slice %arg11[%dma_start3A_33, %dma_start3A_40, %dma_start3A_41] : memref<2x64x16xf32, #tpu.memory_space<vmem>> -> memref<1x64x16xf32, #tpu.memory_space<vmem>>
      %dma_start3A_43 = tpu.memref_squeeze %dma_start3A_42 : memref<1x64x16xf32, #tpu.memory_space<vmem>> -> memref<64x16xf32, #tpu.memory_space<vmem>>
      %dma_start3A_44 = arith.constant 0 : i32
      %dma_start3A_45 = tpu.memref_slice %arg5[%mul3A_32, %dma_start3A_44] : memref<327680x16xf32, #tpu.memory_space<hbm>> -> memref<64x16xf32, #tpu.memory_space<hbm>>
      tpu.enqueue_dma source(%dma_start3A_45 : memref<64x16xf32, #tpu.memory_space<hbm>>) target(%dma_start3A_43 : memref<64x16xf32, #tpu.memory_space<vmem>>) target_semaphore(%arg15 : memref<!tpu.dma_semaphore, #tpu.memory_space<semaphore_mem>>)
      %add3A_46 = arith.constant 1 : i32
      %add3A_47 = arith.addi %rem3A_19, %add3A_46 : i32
      %dma_start3A_48 = arith.constant 1 : i32
      %dma_start3A_49 = arith.constant 0 : i32
      %dma_start3A_50 = arith.constant 0 : i32
      %dma_start3A_51 = tpu.memref_slice %arg10[%dma_start3A_48, %dma_start3A_49, %dma_start3A_50] : memref<2x64x128xf32, #tpu.memory_space<vmem>> -> memref<1x64x128xf32, #tpu.memory_space<vmem>>
      %dma_start3A_52 = tpu.memref_squeeze %dma_start3A_51 : memref<1x64x128xf32, #tpu.memory_space<vmem>> -> memref<64x128xf32, #tpu.memory_space<vmem>>
      %dma_start3A_53 = arith.constant 0 : i32
      %dma_start3A_54 = tpu.memref_slice %arg8[%add3A_47, %dma_start3A_53] : memref<16x64xi32, #tpu.memory_space<vmem>> -> memref<1x64xi32, #tpu.memory_space<vmem>>
      %dma_start3A_55 = tpu.memref_squeeze %dma_start3A_54 : memref<1x64xi32, #tpu.memory_space<vmem>> -> memref<64xi32, #tpu.memory_space<vmem>>
      %dma_start3A_56 = arith.constant 0 : i32
      %dma_start3A_57 = arith.constant 0 : i32
      %dma_start3A_58 = tpu.memref_slice %arg2[%dma_start3A_56, %dma_start3A_57] : memref<10000x128xf32, #tpu.memory_space<hbm>> -> memref<10000x128xf32, #tpu.memory_space<hbm>>
      tpu.enqueue_indirect_dma source(%dma_start3A_58 : memref<10000x128xf32, #tpu.memory_space<hbm>>) target(%dma_start3A_52 : memref<64x128xf32, #tpu.memory_space<vmem>>) offsets(%dma_start3A_55 : memref<64xi32, #tpu.memory_space<vmem>>) semaphore(%arg14 : memref<!tpu.dma_semaphore, #tpu.memory_space<semaphore_mem>>)
      %add3A_59 = arith.addi %mul3A_2, %add3A_14 : i32
      %add3A_60 = arith.constant 1 : i32
      %add3A_61 = arith.addi %add3A_59, %add3A_60 : i32
      %mul3A_62 = arith.constant 64 : i32
      %mul3A_63 = arith.muli %add3A_61, %mul3A_62 : i32
      %dma_start3A_64 = arith.constant 1 : i32
      %dma_start3A_65 = arith.constant 0 : i32
      %dma_start3A_66 = arith.constant 0 : i32
      %dma_start3A_67 = tpu.memref_slice %arg11[%dma_start3A_64, %dma_start3A_65, %dma_start3A_66] : memref<2x64x16xf32, #tpu.memory_space<vmem>> -> memref<1x64x16xf32, #tpu.memory_space<vmem>>
      %dma_start3A_68 = tpu.memref_squeeze %dma_start3A_67 : memref<1x64x16xf32, #tpu.memory_space<vmem>> -> memref<64x16xf32, #tpu.memory_space<vmem>>
      %dma_start3A_69 = arith.constant 0 : i32
      %dma_start3A_70 = tpu.memref_slice %arg5[%mul3A_63, %dma_start3A_69] : memref<327680x16xf32, #tpu.memory_space<hbm>> -> memref<64x16xf32, #tpu.memory_space<hbm>>
      %dma_start3A_71 = arith.constant 0 : i32
      %dma_start3A_72 = arith.constant 0 : i32
      %dma_start3A_73 = tpu.memref_slice %arg11[%dma_start3A_64, %dma_start3A_71, %dma_start3A_72] : memref<2x64x16xf32, #tpu.memory_space<vmem>> -> memref<1x64x16xf32, #tpu.memory_space<vmem>>
      %dma_start3A_74 = tpu.memref_squeeze %dma_start3A_73 : memref<1x64x16xf32, #tpu.memory_space<vmem>> -> memref<64x16xf32, #tpu.memory_space<vmem>>
      %dma_start3A_75 = arith.constant 0 : i32
      %dma_start3A_76 = tpu.memref_slice %arg5[%mul3A_63, %dma_start3A_75] : memref<327680x16xf32, #tpu.memory_space<hbm>> -> memref<64x16xf32, #tpu.memory_space<hbm>>
      tpu.enqueue_dma source(%dma_start3A_76 : memref<64x16xf32, #tpu.memory_space<hbm>>) target(%dma_start3A_74 : memref<64x16xf32, #tpu.memory_space<vmem>>) target_semaphore(%arg16 : memref<!tpu.dma_semaphore, #tpu.memory_space<semaphore_mem>>)
      %dma_wait3A = arith.constant 0 : i32
      %dma_wait3A_77 = arith.constant 0 : i32
      %dma_wait3A_78 = arith.constant 0 : i32
      %dma_wait3A_79 = tpu.memref_slice %arg10[%dma_wait3A, %dma_wait3A_77, %dma_wait3A_78] : memref<2x64x128xf32, #tpu.memory_space<vmem>> -> memref<1x64x128xf32, #tpu.memory_space<vmem>>
      %dma_wait3A_80 = tpu.memref_squeeze %dma_wait3A_79 : memref<1x64x128xf32, #tpu.memory_space<vmem>> -> memref<64x128xf32, #tpu.memory_space<vmem>>
      %dma_wait3A_81 = arith.constant 0 : i32
      %dma_wait3A_82 = tpu.memref_slice %arg8[%rem3A_19, %dma_wait3A_81] : memref<16x64xi32, #tpu.memory_space<vmem>> -> memref<1x64xi32, #tpu.memory_space<vmem>>
      %dma_wait3A_83 = tpu.memref_squeeze %dma_wait3A_82 : memref<1x64xi32, #tpu.memory_space<vmem>> -> memref<64xi32, #tpu.memory_space<vmem>>
      %dma_wait3A_84 = arith.constant 0 : i32
      %dma_wait3A_85 = arith.constant 0 : i32
      %dma_wait3A_86 = tpu.memref_slice %arg2[%dma_wait3A_84, %dma_wait3A_85] : memref<10000x128xf32, #tpu.memory_space<hbm>> -> memref<10000x128xf32, #tpu.memory_space<hbm>>
      tpu.wait_indirect_dma semaphore(%arg13 : memref<!tpu.dma_semaphore, #tpu.memory_space<semaphore_mem>>) src(%dma_wait3A_86 : memref<10000x128xf32, #tpu.memory_space<hbm>>) dst(%dma_wait3A_80 : memref<64x128xf32, #tpu.memory_space<vmem>>)
      %dma_wait3A_87 = arith.constant 0 : i32
      %dma_wait3A_88 = arith.constant 0 : i32
      %dma_wait3A_89 = arith.constant 0 : i32
      %dma_wait3A_90 = tpu.memref_slice %arg11[%dma_wait3A_87, %dma_wait3A_88, %dma_wait3A_89] : memref<2x64x16xf32, #tpu.memory_space<vmem>> -> memref<1x64x16xf32, #tpu.memory_space<vmem>>
      %dma_wait3A_91 = tpu.memref_squeeze %dma_wait3A_90 : memref<1x64x16xf32, #tpu.memory_space<vmem>> -> memref<64x16xf32, #tpu.memory_space<vmem>>
      %dma_wait3A_92 = arith.constant 0 : i32
      %dma_wait3A_93 = tpu.memref_slice %arg5[%mul3A_32, %dma_wait3A_92] : memref<327680x16xf32, #tpu.memory_space<hbm>> -> memref<64x16xf32, #tpu.memory_space<hbm>>
      %dma_wait3A_94 = arith.constant 0 : i32
      %dma_wait3A_95 = arith.constant 0 : i32
      %dma_wait3A_96 = tpu.memref_slice %arg11[%dma_wait3A_87, %dma_wait3A_94, %dma_wait3A_95] : memref<2x64x16xf32, #tpu.memory_space<vmem>> -> memref<1x64x16xf32, #tpu.memory_space<vmem>>
      %dma_wait3A_97 = tpu.memref_squeeze %dma_wait3A_96 : memref<1x64x16xf32, #tpu.memory_space<vmem>> -> memref<64x16xf32, #tpu.memory_space<vmem>>
      %dma_wait3A_98 = arith.constant 0 : i32
      %dma_wait3A_99 = tpu.memref_slice %arg5[%mul3A_32, %dma_wait3A_98] : memref<327680x16xf32, #tpu.memory_space<hbm>> -> memref<64x16xf32, #tpu.memory_space<hbm>>
      tpu.wait_dma2 semaphore(%arg15 : memref<!tpu.dma_semaphore, #tpu.memory_space<semaphore_mem>>) src(%dma_wait3A_99 : memref<64x16xf32, #tpu.memory_space<hbm>>) dst(%dma_wait3A_97 : memref<64x16xf32, #tpu.memory_space<vmem>>)
      %get3A = arith.constant 0 : i32
      %get3A_100 = arith.index_cast %get3A : i32 to index
      %get3A_101 = arith.constant 0 : index
      %get3A_102 = arith.constant 0 : index
      %get3A_103 = tpu.vector_load %arg10[%get3A_100, %get3A_101, %get3A_102] {strides = array<i32>} : memref<2x64x128xf32, #tpu.memory_space<vmem>>, vector<1x64x16xf32>,
      %get3A_104 = vector.shape_cast %get3A_103 : vector<1x64x16xf32> to vector<64x16xf32>
      %get3A_105 = arith.constant 0 : i32
      %get3A_106 = arith.index_cast %get3A_105 : i32 to index
      %get3A_107 = arith.constant 0 : index
      %get3A_108 = arith.constant 0 : index
      %get3A_109 = tpu.vector_load %arg11[%get3A_106, %get3A_107, %get3A_108] {strides = array<i32>} : memref<2x64x16xf32, #tpu.memory_space<vmem>>, vector<1x64x16xf32>,
      %get3A_110 = vector.shape_cast %get3A_109 : vector<1x64x16xf32> to vector<64x16xf32>
      %add3A_111 = arith.addf %get3A_104, %get3A_110 : vector<64x16xf32>
      %max3A = arith.constant 0.000000e+00 : f32
      %max3A_112 = vector.broadcast %max3A : f32 to vector<64x16xf32>
      %max3A_113 = arith.maximumf %add3A_111, %max3A_112 : vector<64x16xf32>
      %swap3A = arith.constant 0 : i32
      %swap3A_114 = arith.index_cast %swap3A : i32 to index
      %swap3A_115 = arith.constant 0 : index
      %swap3A_116 = arith.constant 0 : index
      %swap3A_117 = tpu.vector_load %arg10[%swap3A_114, %swap3A_115, %swap3A_116] {strides = array<i32>} : memref<2x64x128xf32, #tpu.memory_space<vmem>>, vector<1x64x16xf32>,
      %swap3A_118 = vector.shape_cast %swap3A_117 : vector<1x64x16xf32> to vector<64x16xf32>
      %swap3A_119 = vector.shape_cast %max3A_113 : vector<64x16xf32> to vector<1x64x16xf32>
      tpu.vector_store %arg10[%swap3A_114, %swap3A_115, %swap3A_116], %swap3A_119 {strides = array<i32>} : memref<2x64x128xf32, #tpu.memory_space<vmem>>, vector<1x64x16xf32>,
      %dma_start3A_120 = arith.constant 0 : i32
      %dma_start3A_121 = arith.constant 0 : i32
      %dma_start3A_122 = arith.constant 0 : i32
      %dma_start3A_123 = tpu.memref_slice %arg10[%dma_start3A_120, %dma_start3A_121, %dma_start3A_122] : memref<2x64x128xf32, #tpu.memory_space<vmem>> -> memref<1x64x128xf32, #tpu.memory_space<vmem>>
      %dma_start3A_124 = tpu.memref_squeeze %dma_start3A_123 : memref<1x64x128xf32, #tpu.memory_space<vmem>> -> memref<64x128xf32, #tpu.memory_space<vmem>>
      %dma_start3A_125 = arith.constant 0 : i32
      %dma_start3A_126 = tpu.memref_slice %arg9[%rem3A_19, %dma_start3A_125] : memref<16x64xi32, #tpu.memory_space<vmem>> -> memref<1x64xi32, #tpu.memory_space<vmem>>
      %dma_start3A_127 = tpu.memref_squeeze %dma_start3A_126 : memref<1x64xi32, #tpu.memory_space<vmem>> -> memref<64xi32, #tpu.memory_space<vmem>>
      %dma_start3A_128 = arith.constant 0 : i32
      %dma_start3A_129 = arith.constant 0 : i32
      %dma_start3A_130 = tpu.memref_slice %arg12[%dma_start3A_128, %dma_start3A_129] : memref<10112x128xf32, #tpu.memory_space<vmem_shared>> -> memref<10112x128xf32, #tpu.memory_space<vmem_shared>>
      tpu.enqueue_indirect_dma source(%dma_start3A_124 : memref<64x128xf32, #tpu.memory_space<vmem>>) target(%dma_start3A_130 : memref<10112x128xf32, #tpu.memory_space<vmem_shared>>) offsets(%dma_start3A_127 : memref<64xi32, #tpu.memory_space<vmem>>) semaphore(%arg17 : memref<!tpu.dma_semaphore, #tpu.memory_space<semaphore_mem>>) {add = true}
      %dma_wait3A_131 = arith.constant 1 : i32
      %dma_wait3A_132 = arith.constant 0 : i32
      %dma_wait3A_133 = arith.constant 0 : i32
      %dma_wait3A_134 = tpu.memref_slice %arg10[%dma_wait3A_131, %dma_wait3A_132, %dma_wait3A_133] : memref<2x64x128xf32, #tpu.memory_space<vmem>> -> memref<1x64x128xf32, #tpu.memory_space<vmem>>
      %dma_wait3A_135 = tpu.memref_squeeze %dma_wait3A_134 : memref<1x64x128xf32, #tpu.memory_space<vmem>> -> memref<64x128xf32, #tpu.memory_space<vmem>>
      %dma_wait3A_136 = arith.constant 0 : i32
      %dma_wait3A_137 = tpu.memref_slice %arg8[%add3A_47, %dma_wait3A_136] : memref<16x64xi32, #tpu.memory_space<vmem>> -> memref<1x64xi32, #tpu.memory_space<vmem>>
      %dma_wait3A_138 = tpu.memref_squeeze %dma_wait3A_137 : memref<1x64xi32, #tpu.memory_space<vmem>> -> memref<64xi32, #tpu.memory_space<vmem>>
      %dma_wait3A_139 = arith.constant 0 : i32
      %dma_wait3A_140 = arith.constant 0 : i32
      %dma_wait3A_141 = tpu.memref_slice %arg2[%dma_wait3A_139, %dma_wait3A_140] : memref<10000x128xf32, #tpu.memory_space<hbm>> -> memref<10000x128xf32, #tpu.memory_space<hbm>>
      tpu.wait_indirect_dma semaphore(%arg14 : memref<!tpu.dma_semaphore, #tpu.memory_space<semaphore_mem>>) src(%dma_wait3A_141 : memref<10000x128xf32, #tpu.memory_space<hbm>>) dst(%dma_wait3A_135 : memref<64x128xf32, #tpu.memory_space<vmem>>)
      %dma_wait3A_142 = arith.constant 1 : i32
      %dma_wait3A_143 = arith.constant 0 : i32
      %dma_wait3A_144 = arith.constant 0 : i32
      %dma_wait3A_145 = tpu.memref_slice %arg11[%dma_wait3A_142, %dma_wait3A_143, %dma_wait3A_144] : memref<2x64x16xf32, #tpu.memory_space<vmem>> -> memref<1x64x16xf32, #tpu.memory_space<vmem>>
      %dma_wait3A_146 = tpu.memref_squeeze %dma_wait3A_145 : memref<1x64x16xf32, #tpu.memory_space<vmem>> -> memref<64x16xf32, #tpu.memory_space<vmem>>
      %dma_wait3A_147 = arith.constant 0 : i32
      %dma_wait3A_148 = tpu.memref_slice %arg5[%mul3A_63, %dma_wait3A_147] : memref<327680x16xf32, #tpu.memory_space<hbm>> -> memref<64x16xf32, #tpu.memory_space<hbm>>
      %dma_wait3A_149 = arith.constant 0 : i32
      %dma_wait3A_150 = arith.constant 0 : i32
      %dma_wait3A_151 = tpu.memref_slice %arg11[%dma_wait3A_142, %dma_wait3A_149, %dma_wait3A_150] : memref<2x64x16xf32, #tpu.memory_space<vmem>> -> memref<1x64x16xf32, #tpu.memory_space<vmem>>
      %dma_wait3A_152 = tpu.memref_squeeze %dma_wait3A_151 : memref<1x64x16xf32, #tpu.memory_space<vmem>> -> memref<64x16xf32, #tpu.memory_space<vmem>>
      %dma_wait3A_153 = arith.constant 0 : i32
      %dma_wait3A_154 = tpu.memref_slice %arg5[%mul3A_63, %dma_wait3A_153] : memref<327680x16xf32, #tpu.memory_space<hbm>> -> memref<64x16xf32, #tpu.memory_space<hbm>>
      tpu.wait_dma2 semaphore(%arg16 : memref<!tpu.dma_semaphore, #tpu.memory_space<semaphore_mem>>) src(%dma_wait3A_154 : memref<64x16xf32, #tpu.memory_space<hbm>>) dst(%dma_wait3A_152 : memref<64x16xf32, #tpu.memory_space<vmem>>)
      %get3A_155 = arith.constant 1 : i32
      %get3A_156 = arith.index_cast %get3A_155 : i32 to index
      %get3A_157 = arith.constant 0 : index
      %get3A_158 = arith.constant 0 : index
      %get3A_159 = tpu.vector_load %arg10[%get3A_156, %get3A_157, %get3A_158] {strides = array<i32>} : memref<2x64x128xf32, #tpu.memory_space<vmem>>, vector<1x64x16xf32>,
      %get3A_160 = vector.shape_cast %get3A_159 : vector<1x64x16xf32> to vector<64x16xf32>
      %get3A_161 = arith.constant 1 : i32
      %get3A_162 = arith.index_cast %get3A_161 : i32 to index
      %get3A_163 = arith.constant 0 : index
      %get3A_164 = arith.constant 0 : index
      %get3A_165 = tpu.vector_load %arg11[%get3A_162, %get3A_163, %get3A_164] {strides = array<i32>} : memref<2x64x16xf32, #tpu.memory_space<vmem>>, vector<1x64x16xf32>,
      %get3A_166 = vector.shape_cast %get3A_165 : vector<1x64x16xf32> to vector<64x16xf32>
      %add3A_167 = arith.addf %get3A_160, %get3A_166 : vector<64x16xf32>
      %max3A_168 = arith.constant 0.000000e+00 : f32
      %max3A_169 = vector.broadcast %max3A_168 : f32 to vector<64x16xf32>
      %max3A_170 = arith.maximumf %add3A_167, %max3A_169 : vector<64x16xf32>
      %swap3A_171 = arith.constant 1 : i32
      %swap3A_172 = arith.index_cast %swap3A_171 : i32 to index
      %swap3A_173 = arith.constant 0 : index
      %swap3A_174 = arith.constant 0 : index
      %swap3A_175 = tpu.vector_load %arg10[%swap3A_172, %swap3A_173, %swap3A_174] {strides = array<i32>} : memref<2x64x128xf32, #tpu.memory_space<vmem>>, vector<1x64x16xf32>,
      %swap3A_176 = vector.shape_cast %swap3A_175 : vector<1x64x16xf32> to vector<64x16xf32>
      %swap3A_177 = vector.shape_cast %max3A_170 : vector<64x16xf32> to vector<1x64x16xf32>
      tpu.vector_store %arg10[%swap3A_172, %swap3A_173, %swap3A_174], %swap3A_177 {strides = array<i32>} : memref<2x64x128xf32, #tpu.memory_space<vmem>>, vector<1x64x16xf32>,
      %add3A_178 = arith.constant 1 : i32
      %add3A_179 = arith.addi %rem3A_19, %add3A_178 : i32
      %dma_start3A_180 = arith.constant 1 : i32
      %dma_start3A_181 = arith.constant 0 : i32
      %dma_start3A_182 = arith.constant 0 : i32
      %dma_start3A_183 = tpu.memref_slice %arg10[%dma_start3A_180, %dma_start3A_181, %dma_start3A_182] : memref<2x64x128xf32, #tpu.memory_space<vmem>> -> memref<1x64x128xf32, #tpu.memory_space<vmem>>
      %dma_start3A_184 = tpu.memref_squeeze %dma_start3A_183 : memref<1x64x128xf32, #tpu.memory_space<vmem>> -> memref<64x128xf32, #tpu.memory_space<vmem>>
      %dma_start3A_185 = arith.constant 0 : i32
      %dma_start3A_186 = tpu.memref_slice %arg9[%add3A_179, %dma_start3A_185] : memref<16x64xi32, #tpu.memory_space<vmem>> -> memref<1x64xi32, #tpu.memory_space<vmem>>
      %dma_start3A_187 = tpu.memref_squeeze %dma_start3A_186 : memref<1x64xi32, #tpu.memory_space<vmem>> -> memref<64xi32, #tpu.memory_space<vmem>>
      %dma_start3A_188 = arith.constant 0 : i32
      %dma_start3A_189 = arith.constant 0 : i32
      %dma_start3A_190 = tpu.memref_slice %arg12[%dma_start3A_188, %dma_start3A_189] : memref<10112x128xf32, #tpu.memory_space<vmem_shared>> -> memref<10112x128xf32, #tpu.memory_space<vmem_shared>>
      tpu.enqueue_indirect_dma source(%dma_start3A_184 : memref<64x128xf32, #tpu.memory_space<vmem>>) target(%dma_start3A_190 : memref<10112x128xf32, #tpu.memory_space<vmem_shared>>) offsets(%dma_start3A_187 : memref<64xi32, #tpu.memory_space<vmem>>) semaphore(%arg18 : memref<!tpu.dma_semaphore, #tpu.memory_space<semaphore_mem>>) {add = true}
      %dma_wait3A_191 = arith.constant 0 : i32
      %dma_wait3A_192 = arith.constant 0 : i32
      %dma_wait3A_193 = arith.constant 0 : i32
      %dma_wait3A_194 = tpu.memref_slice %arg10[%dma_wait3A_191, %dma_wait3A_192, %dma_wait3A_193] : memref<2x64x128xf32, #tpu.memory_space<vmem>> -> memref<1x64x128xf32, #tpu.memory_space<vmem>>
      %dma_wait3A_195 = tpu.memref_squeeze %dma_wait3A_194 : memref<1x64x128xf32, #tpu.memory_space<vmem>> -> memref<64x128xf32, #tpu.memory_space<vmem>>
      %dma_wait3A_196 = arith.constant 0 : i32
      %dma_wait3A_197 = tpu.memref_slice %arg9[%rem3A_19, %dma_wait3A_196] : memref<16x64xi32, #tpu.memory_space<vmem>> -> memref<1x64xi32, #tpu.memory_space<vmem>>
      %dma_wait3A_198 = tpu.memref_squeeze %dma_wait3A_197 : memref<1x64xi32, #tpu.memory_space<vmem>> -> memref<64xi32, #tpu.memory_space<vmem>>
      %dma_wait3A_199 = arith.constant 0 : i32
      %dma_wait3A_200 = arith.constant 0 : i32
      %dma_wait3A_201 = tpu.memref_slice %arg12[%dma_wait3A_199, %dma_wait3A_200] : memref<10112x128xf32, #tpu.memory_space<vmem_shared>> -> memref<10112x128xf32, #tpu.memory_space<vmem_shared>>
      tpu.wait_indirect_dma semaphore(%arg17 : memref<!tpu.dma_semaphore, #tpu.memory_space<semaphore_mem>>) src(%dma_wait3A_195 : memref<64x128xf32, #tpu.memory_space<vmem>>) dst(%dma_wait3A_201 : memref<10112x128xf32, #tpu.memory_space<vmem_shared>>)
      %dma_wait3A_202 = arith.constant 1 : i32
      %dma_wait3A_203 = arith.constant 0 : i32
      %dma_wait3A_204 = arith.constant 0 : i32
      %dma_wait3A_205 = tpu.memref_slice %arg10[%dma_wait3A_202, %dma_wait3A_203, %dma_wait3A_204] : memref<2x64x128xf32, #tpu.memory_space<vmem>> -> memref<1x64x128xf32, #tpu.memory_space<vmem>>
      %dma_wait3A_206 = tpu.memref_squeeze %dma_wait3A_205 : memref<1x64x128xf32, #tpu.memory_space<vmem>> -> memref<64x128xf32, #tpu.memory_space<vmem>>
      %dma_wait3A_207 = arith.constant 0 : i32
      %dma_wait3A_208 = tpu.memref_slice %arg9[%add3A_179, %dma_wait3A_207] : memref<16x64xi32, #tpu.memory_space<vmem>> -> memref<1x64xi32, #tpu.memory_space<vmem>>
      %dma_wait3A_209 = tpu.memref_squeeze %dma_wait3A_208 : memref<1x64xi32, #tpu.memory_space<vmem>> -> memref<64xi32, #tpu.memory_space<vmem>>
      %dma_wait3A_210 = arith.constant 0 : i32
      %dma_wait3A_211 = arith.constant 0 : i32
      %dma_wait3A_212 = tpu.memref_slice %arg12[%dma_wait3A_210, %dma_wait3A_211] : memref<10112x128xf32, #tpu.memory_space<vmem_shared>> -> memref<10112x128xf32, #tpu.memory_space<vmem_shared>>
      tpu.wait_indirect_dma semaphore(%arg18 : memref<!tpu.dma_semaphore, #tpu.memory_space<semaphore_mem>>) src(%dma_wait3A_206 : memref<64x128xf32, #tpu.memory_space<vmem>>) dst(%dma_wait3A_212 : memref<10112x128xf32, #tpu.memory_space<vmem_shared>>)
    }
    %scan3A_8 = arith.constant 80 : i32
    %barrier3A_9 = arith.constant 0 : index
    tpu.barrier barrier_id(%barrier3A_9)
    "tpu.region"() ({
      %run_scoped3A = tpu.sem_alloc : memref<!tpu.dma_semaphore, #tpu.memory_space<semaphore_mem>>
      %dma_start3A = arith.constant 0 : i32
      %dma_start3A_10 = tpu.memref_slice %arg7[%arg0, %mul3A_4, %dma_start3A] : memref<2x10112x128xf32, #tpu.memory_space<hbm>> -> memref<1x632x128xf32, #tpu.memory_space<hbm>>
      %dma_start3A_11 = tpu.memref_squeeze %dma_start3A_10 : memref<1x632x128xf32, #tpu.memory_space<hbm>> -> memref<632x128xf32, #tpu.memory_space<hbm>>
      %dma_start3A_12 = arith.constant 0 : i32
      %dma_start3A_13 = tpu.memref_slice %arg12[%mul3A_4, %dma_start3A_12] : memref<10112x128xf32, #tpu.memory_space<vmem_shared>> -> memref<632x128xf32, #tpu.memory_space<vmem_shared>>
      tpu.enqueue_dma source(%dma_start3A_13 : memref<632x128xf32, #tpu.memory_space<vmem_shared>>) target(%dma_start3A_11 : memref<632x128xf32, #tpu.memory_space<hbm>>) target_semaphore(%run_scoped3A : memref<!tpu.dma_semaphore, #tpu.memory_space<semaphore_mem>>)
      %dma_wait3A = arith.constant 0 : i32
      %dma_wait3A_14 = tpu.memref_slice %arg7[%arg0, %mul3A_4, %dma_wait3A] : memref<2x10112x128xf32, #tpu.memory_space<hbm>> -> memref<1x632x128xf32, #tpu.memory_space<hbm>>
      %dma_wait3A_15 = tpu.memref_squeeze %dma_wait3A_14 : memref<1x632x128xf32, #tpu.memory_space<hbm>> -> memref<632x128xf32, #tpu.memory_space<hbm>>
      %dma_wait3A_16 = arith.constant 0 : i32
      %dma_wait3A_17 = tpu.memref_slice %arg12[%mul3A_4, %dma_wait3A_16] : memref<10112x128xf32, #tpu.memory_space<vmem_shared>> -> memref<632x128xf32, #tpu.memory_space<vmem_shared>>
      tpu.wait_dma2 semaphore(%run_scoped3A : memref<!tpu.dma_semaphore, #tpu.memory_space<semaphore_mem>>) src(%dma_wait3A_17 : memref<632x128xf32, #tpu.memory_space<vmem_shared>>) dst(%dma_wait3A_15 : memref<632x128xf32, #tpu.memory_space<hbm>>)
      tpu.yield
    }) : () -> ()
    return
  }
}

module attributes {stable_mosaic.version = 14 : i64} {
  func.func @_edge_feats_body(%arg0: i32, %arg1: memref<4096x16xf32, #tpu.memory_space<vmem>>, %arg2: memref<16x128xf32, #tpu.memory_space<vmem>>, %arg3: memref<1x128xf32, #tpu.memory_space<vmem>>, %arg4: memref<16x16xf32, #tpu.memory_space<vmem>>, %arg5: memref<1x16xf32, #tpu.memory_space<vmem>>, %arg6: memref<16x16xf32, #tpu.memory_space<vmem>>, %arg7: memref<1x16xf32, #tpu.memory_space<vmem>>, %arg8: memref<4096x128xf32, #tpu.memory_space<vmem>>, %arg9: memref<4096x16xf32, #tpu.memory_space<vmem>>, %arg10: memref<4096x16xf32, #tpu.memory_space<vmem>>) attributes {dimension_semantics = [#tpu.dimension_semantics<arbitrary>], iteration_bounds = array<i64: 80>, scalar_prefetch = 0 : i64, scratch_operands = 0 : i64, tpu.core_type = #tpu.core_type<tc>, window_params = [{transform_indices = @transform_0, window_bounds = array<i64: 4096, 16>}, {pipeline_mode = #tpu.pipeline_mode<synchronous>, transform_indices = @transform_1, window_bounds = array<i64: 16, 128>}, {pipeline_mode = #tpu.pipeline_mode<synchronous>, transform_indices = @transform_2, window_bounds = array<i64: 1, 128>}, {pipeline_mode = #tpu.pipeline_mode<synchronous>, transform_indices = @transform_3, window_bounds = array<i64: 16, 16>}, {pipeline_mode = #tpu.pipeline_mode<synchronous>, transform_indices = @transform_4, window_bounds = array<i64: 1, 16>}, {pipeline_mode = #tpu.pipeline_mode<synchronous>, transform_indices = @transform_5, window_bounds = array<i64: 16, 16>}, {pipeline_mode = #tpu.pipeline_mode<synchronous>, transform_indices = @transform_6, window_bounds = array<i64: 1, 16>}, {transform_indices = @transform_7, window_bounds = array<i64: 4096, 128>}, {transform_indices = @transform_8, window_bounds = array<i64: 4096, 16>}, {transform_indices = @transform_9, window_bounds = array<i64: 4096, 16>}]} {
    %get3A = arith.constant 0 : index
    %get3A_0 = arith.constant 0 : index
    %get3A_1 = vector.load %arg1[%get3A, %get3A_0] : memref<4096x16xf32, #tpu.memory_space<vmem>>, vector<4096x16xf32>
    %get3A_2 = arith.constant 0 : index
    %get3A_3 = arith.constant 0 : index
    %get3A_4 = vector.load %arg2[%get3A_2, %get3A_3] : memref<16x128xf32, #tpu.memory_space<vmem>>, vector<16x128xf32>
    %dot_general3A = arith.constant dense<0.000000e+00> : vector<4096x128xf32>
    %dot_general3A_5 = tpu.matmul %get3A_1, %get3A_4, %dot_general3A {dimension_numbers = #tpu.dot_dimension_numbers<[1], [0], [0], [1], [0, 0, 1, 1], [], []>, transpose_lhs_hint = false} : vector<4096x16xf32>, vector<16x128xf32>, vector<4096x128xf32> -> vector<4096x128xf32>
    %get3A_6 = arith.constant 0 : index
    %get3A_7 = arith.constant 0 : index
    %get3A_8 = vector.load %arg3[%get3A_6, %get3A_7] : memref<1x128xf32, #tpu.memory_space<vmem>>, vector<1x128xf32>
    %add3A = vector.broadcast %get3A_8 : vector<1x128xf32> to vector<4096x128xf32>
    %add3A_9 = arith.addf %dot_general3A_5, %add3A : vector<4096x128xf32>
    %swap3A = arith.constant 0 : index
    %swap3A_10 = arith.constant 0 : index
    %swap3A_11 = vector.load %arg8[%swap3A, %swap3A_10] : memref<4096x128xf32, #tpu.memory_space<vmem>>, vector<4096x128xf32>
    tpu.vector_store %arg8[%swap3A, %swap3A_10], %add3A_9 {strides = array<i32>} : memref<4096x128xf32, #tpu.memory_space<vmem>>, vector<4096x128xf32>,
    %get3A_12 = arith.constant 0 : index
    %get3A_13 = arith.constant 0 : index
    %get3A_14 = vector.load %arg4[%get3A_12, %get3A_13] : memref<16x16xf32, #tpu.memory_space<vmem>>, vector<16x16xf32>
    %dot_general3A_15 = arith.constant dense<0.000000e+00> : vector<4096x16xf32>
    %dot_general3A_16 = tpu.matmul %get3A_1, %get3A_14, %dot_general3A_15 {dimension_numbers = #tpu.dot_dimension_numbers<[1], [0], [0], [1], [0, 0, 1, 1], [], []>, transpose_lhs_hint = false} : vector<4096x16xf32>, vector<16x16xf32>, vector<4096x16xf32> -> vector<4096x16xf32>
    %get3A_17 = arith.constant 0 : index
    %get3A_18 = arith.constant 0 : index
    %get3A_19 = vector.load %arg5[%get3A_17, %get3A_18] : memref<1x16xf32, #tpu.memory_space<vmem>>, vector<1x16xf32>
    %add3A_20 = vector.broadcast %get3A_19 : vector<1x16xf32> to vector<4096x16xf32>
    %add3A_21 = arith.addf %dot_general3A_16, %add3A_20 : vector<4096x16xf32>
    %swap3A_22 = arith.constant 0 : index
    %swap3A_23 = arith.constant 0 : index
    %swap3A_24 = vector.load %arg9[%swap3A_22, %swap3A_23] : memref<4096x16xf32, #tpu.memory_space<vmem>>, vector<4096x16xf32>
    tpu.vector_store %arg9[%swap3A_22, %swap3A_23], %add3A_21 {strides = array<i32>} : memref<4096x16xf32, #tpu.memory_space<vmem>>, vector<4096x16xf32>,
    %get3A_25 = arith.constant 0 : index
    %get3A_26 = arith.constant 0 : index
    %get3A_27 = vector.load %arg6[%get3A_25, %get3A_26] : memref<16x16xf32, #tpu.memory_space<vmem>>, vector<16x16xf32>
    %dot_general3A_28 = arith.constant dense<0.000000e+00> : vector<4096x16xf32>
    %dot_general3A_29 = tpu.matmul %get3A_1, %get3A_27, %dot_general3A_28 {dimension_numbers = #tpu.dot_dimension_numbers<[1], [0], [0], [1], [0, 0, 1, 1], [], []>, transpose_lhs_hint = false} : vector<4096x16xf32>, vector<16x16xf32>, vector<4096x16xf32> -> vector<4096x16xf32>
    %get3A_30 = arith.constant 0 : index
    %get3A_31 = arith.constant 0 : index
    %get3A_32 = vector.load %arg7[%get3A_30, %get3A_31] : memref<1x16xf32, #tpu.memory_space<vmem>>, vector<1x16xf32>
    %add3A_33 = vector.broadcast %get3A_32 : vector<1x16xf32> to vector<4096x16xf32>
    %add3A_34 = arith.addf %dot_general3A_29, %add3A_33 : vector<4096x16xf32>
    %swap3A_35 = arith.constant 0 : index
    %swap3A_36 = arith.constant 0 : index
    %swap3A_37 = vector.load %arg10[%swap3A_35, %swap3A_36] : memref<4096x16xf32, #tpu.memory_space<vmem>>, vector<4096x16xf32>
    tpu.vector_store %arg10[%swap3A_35, %swap3A_36], %add3A_34 {strides = array<i32>} : memref<4096x16xf32, #tpu.memory_space<vmem>>, vector<4096x16xf32>,
    return
  }
  func.func @transform_0(%arg0: i32) -> (i32, i32) {
    %c0_i32 = arith.constant 0 : i32
    %c0_i32_0 = arith.constant 0 : i32
    return %arg0, %c0_i32 : i32, i32
  }
  func.func @transform_1(%arg0: i32) -> (i32, i32) {
    %c0_i32 = arith.constant 0 : i32
    %c0_i32_0 = arith.constant 0 : i32
    %c0_i32_1 = arith.constant 0 : i32
    return %c0_i32, %c0_i32_0 : i32, i32
  }
  func.func @transform_2(%arg0: i32) -> (i32, i32) {
    %c0_i32 = arith.constant 0 : i32
    %c0_i32_0 = arith.constant 0 : i32
    %c0_i32_1 = arith.constant 0 : i32
    return %c0_i32, %c0_i32_0 : i32, i32
  }
  func.func @transform_3(%arg0: i32) -> (i32, i32) {
    %c0_i32 = arith.constant 0 : i32
    %c0_i32_0 = arith.constant 0 : i32
    %c0_i32_1 = arith.constant 0 : i32
    return %c0_i32, %c0_i32_0 : i32, i32
  }
  func.func @transform_4(%arg0: i32) -> (i32, i32) {
    %c0_i32 = arith.constant 0 : i32
    %c0_i32_0 = arith.constant 0 : i32
    %c0_i32_1 = arith.constant 0 : i32
    return %c0_i32, %c0_i32_0 : i32, i32
  }
  func.func @transform_5(%arg0: i32) -> (i32, i32) {
    %c0_i32 = arith.constant 0 : i32
    %c0_i32_0 = arith.constant 0 : i32
    %c0_i32_1 = arith.constant 0 : i32
    return %c0_i32, %c0_i32_0 : i32, i32
  }
  func.func @transform_6(%arg0: i32) -> (i32, i32) {
    %c0_i32 = arith.constant 0 : i32
    %c0_i32_0 = arith.constant 0 : i32
    %c0_i32_1 = arith.constant 0 : i32
    return %c0_i32, %c0_i32_0 : i32, i32
  }
  func.func @transform_7(%arg0: i32) -> (i32, i32) {
    %c0_i32 = arith.constant 0 : i32
    %c0_i32_0 = arith.constant 0 : i32
    return %arg0, %c0_i32 : i32, i32
  }
  func.func @transform_8(%arg0: i32) -> (i32, i32) {
    %c0_i32 = arith.constant 0 : i32
    %c0_i32_0 = arith.constant 0 : i32
    return %arg0, %c0_i32 : i32, i32
  }
  func.func @transform_9(%arg0: i32) -> (i32, i32) {
    %c0_i32 = arith.constant 0 : i32
    %c0_i32_0 = arith.constant 0 : i32
    return %arg0, %c0_i32 : i32, i32
  }
}

module attributes {stable_mosaic.version = 14 : i64} {
  func.func @_mlp_body(%arg0: memref<10000x128xf32, #tpu.memory_space<vmem>>, %arg1: memref<10000x128xf32, #tpu.memory_space<vmem>>, %arg2: memref<10000x128xf32, #tpu.memory_space<vmem>>, %arg3: memref<128x16xf32, #tpu.memory_space<vmem>>, %arg4: memref<1x16xf32, #tpu.memory_space<vmem>>, %arg5: memref<1x16xf32, #tpu.memory_space<vmem>>, %arg6: memref<1x16xf32, #tpu.memory_space<vmem>>, %arg7: memref<16x16xf32, #tpu.memory_space<vmem>>, %arg8: memref<1x16xf32, #tpu.memory_space<vmem>>, %arg9: memref<16x128xf32, #tpu.memory_space<vmem>>, %arg10: memref<10000x128xf32, #tpu.memory_space<vmem>>) attributes {dimension_semantics = [], scalar_prefetch = 0 : i64, scratch_operands = 0 : i64, tpu.core_type = #tpu.core_type<tc>} {
    %get3A = arith.constant 0 : index
    %get3A_0 = arith.constant 0 : index
    %get3A_1 = vector.load %arg0[%get3A, %get3A_0] : memref<10000x128xf32, #tpu.memory_space<vmem>>, vector<10000x128xf32>
    %get3A_2 = arith.constant 0 : index
    %get3A_3 = arith.constant 0 : index
    %get3A_4 = vector.load %arg1[%get3A_2, %get3A_3] : memref<10000x128xf32, #tpu.memory_space<vmem>>, vector<10000x128xf32>
    %add3A = arith.addf %get3A_1, %get3A_4 : vector<10000x128xf32>
    %get3A_5 = arith.constant 0 : index
    %get3A_6 = arith.constant 0 : index
    %get3A_7 = vector.load %arg2[%get3A_5, %get3A_6] : memref<10000x128xf32, #tpu.memory_space<vmem>>, vector<10000x128xf32>
    %add3A_8 = arith.addf %add3A, %get3A_7 : vector<10000x128xf32>
    %get3A_9 = arith.constant 0 : index
    %get3A_10 = arith.constant 0 : index
    %get3A_11 = vector.load %arg3[%get3A_9, %get3A_10] : memref<128x16xf32, #tpu.memory_space<vmem>>, vector<128x16xf32>
    %dot_general3A = arith.constant dense<0.000000e+00> : vector<10000x16xf32>
    %dot_general3A_12 = tpu.matmul %add3A_8, %get3A_11, %dot_general3A {dimension_numbers = #tpu.dot_dimension_numbers<[1], [0], [0], [1], [0, 0, 1, 1], [], []>, transpose_lhs_hint = false} : vector<10000x128xf32>, vector<128x16xf32>, vector<10000x16xf32> -> vector<10000x16xf32>
    %get3A_13 = arith.constant 0 : index
    %get3A_14 = arith.constant 0 : index
    %get3A_15 = vector.load %arg4[%get3A_13, %get3A_14] : memref<1x16xf32, #tpu.memory_space<vmem>>, vector<1x16xf32>
    %add3A_16 = vector.broadcast %get3A_15 : vector<1x16xf32> to vector<10000x16xf32>
    %add3A_17 = arith.addf %dot_general3A_12, %add3A_16 : vector<10000x16xf32>
    %reduce_sum3A = arith.constant dense<0.000000e+00> : vector<16xf32>
    %reduce_sum3A_18 = vector.multi_reduction <add>, %add3A_17, %reduce_sum3A [0] : vector<10000x16xf32> to vector<16xf32>
    %broadcast_in_dim3A = vector.shape_cast %reduce_sum3A_18 : vector<16xf32> to vector<1x16xf32>
    %mul3A = arith.constant 9.99999974E-5 : f32
    %mul3A_19 = vector.broadcast %mul3A : f32 to vector<1x16xf32>
    %mul3A_20 = arith.mulf %broadcast_in_dim3A, %mul3A_19 : vector<1x16xf32>
    %sub3A = vector.broadcast %mul3A_20 : vector<1x16xf32> to vector<10000x16xf32>
    %sub3A_21 = arith.subf %add3A_17, %sub3A : vector<10000x16xf32>
    %mul3A_22 = arith.mulf %sub3A_21, %sub3A_21 : vector<10000x16xf32>
    %reduce_sum3A_23 = arith.constant dense<0.000000e+00> : vector<16xf32>
    %reduce_sum3A_24 = vector.multi_reduction <add>, %mul3A_22, %reduce_sum3A_23 [0] : vector<10000x16xf32> to vector<16xf32>
    %broadcast_in_dim3A_25 = vector.shape_cast %reduce_sum3A_24 : vector<16xf32> to vector<1x16xf32>
    %mul3A_26 = arith.constant 9.99999974E-5 : f32
    %mul3A_27 = vector.broadcast %mul3A_26 : f32 to vector<1x16xf32>
    %mul3A_28 = arith.mulf %broadcast_in_dim3A_25, %mul3A_27 : vector<1x16xf32>
    %add3A_29 = arith.constant 9.99999974E-6 : f32
    %add3A_30 = vector.broadcast %add3A_29 : f32 to vector<1x16xf32>
    %add3A_31 = arith.addf %mul3A_28, %add3A_30 : vector<1x16xf32>
    %rsqrt3A = math.rsqrt %add3A_31 : vector<1x16xf32>
    %mul3A_32 = vector.broadcast %rsqrt3A : vector<1x16xf32> to vector<10000x16xf32>
    %mul3A_33 = arith.mulf %sub3A_21, %mul3A_32 : vector<10000x16xf32>
    %get3A_34 = arith.constant 0 : index
    %get3A_35 = arith.constant 0 : index
    %get3A_36 = vector.load %arg5[%get3A_34, %get3A_35] : memref<1x16xf32, #tpu.memory_space<vmem>>, vector<1x16xf32>
    %mul3A_37 = vector.broadcast %get3A_36 : vector<1x16xf32> to vector<10000x16xf32>
    %mul3A_38 = arith.mulf %mul3A_33, %mul3A_37 : vector<10000x16xf32>
    %get3A_39 = arith.constant 0 : index
    %get3A_40 = arith.constant 0 : index
    %get3A_41 = vector.load %arg6[%get3A_39, %get3A_40] : memref<1x16xf32, #tpu.memory_space<vmem>>, vector<1x16xf32>
    %add3A_42 = vector.broadcast %get3A_41 : vector<1x16xf32> to vector<10000x16xf32>
    %add3A_43 = arith.addf %mul3A_38, %add3A_42 : vector<10000x16xf32>
    %max3A = arith.constant 0.000000e+00 : f32
    %max3A_44 = vector.broadcast %max3A : f32 to vector<10000x16xf32>
    %max3A_45 = arith.maximumf %add3A_43, %max3A_44 : vector<10000x16xf32>
    %get3A_46 = arith.constant 0 : index
    %get3A_47 = arith.constant 0 : index
    %get3A_48 = vector.load %arg7[%get3A_46, %get3A_47] : memref<16x16xf32, #tpu.memory_space<vmem>>, vector<16x16xf32>
    %dot_general3A_49 = arith.constant dense<0.000000e+00> : vector<10000x16xf32>
    %dot_general3A_50 = tpu.matmul %max3A_45, %get3A_48, %dot_general3A_49 {dimension_numbers = #tpu.dot_dimension_numbers<[1], [0], [0], [1], [0, 0, 1, 1], [], []>, transpose_lhs_hint = false} : vector<10000x16xf32>, vector<16x16xf32>, vector<10000x16xf32> -> vector<10000x16xf32>
    %get3A_51 = arith.constant 0 : index
    %get3A_52 = arith.constant 0 : index
    %get3A_53 = vector.load %arg8[%get3A_51, %get3A_52] : memref<1x16xf32, #tpu.memory_space<vmem>>, vector<1x16xf32>
    %add3A_54 = vector.broadcast %get3A_53 : vector<1x16xf32> to vector<10000x16xf32>
    %add3A_55 = arith.addf %dot_general3A_50, %add3A_54 : vector<10000x16xf32>
    %max3A_56 = arith.constant 0.000000e+00 : f32
    %max3A_57 = vector.broadcast %max3A_56 : f32 to vector<10000x16xf32>
    %max3A_58 = arith.maximumf %add3A_55, %max3A_57 : vector<10000x16xf32>
    %get3A_59 = arith.constant 0 : index
    %get3A_60 = arith.constant 0 : index
    %get3A_61 = vector.load %arg9[%get3A_59, %get3A_60] : memref<16x128xf32, #tpu.memory_space<vmem>>, vector<16x128xf32>
    %dot_general3A_62 = arith.constant dense<0.000000e+00> : vector<10000x128xf32>
    %dot_general3A_63 = tpu.matmul %max3A_58, %get3A_61, %dot_general3A_62 {dimension_numbers = #tpu.dot_dimension_numbers<[1], [0], [0], [1], [0, 0, 1, 1], [], []>, transpose_lhs_hint = false} : vector<10000x16xf32>, vector<16x128xf32>, vector<10000x128xf32> -> vector<10000x128xf32>
    %swap3A = arith.constant 0 : index
    %swap3A_64 = arith.constant 0 : index
    %swap3A_65 = vector.load %arg10[%swap3A, %swap3A_64] : memref<10000x128xf32, #tpu.memory_space<vmem>>, vector<10000x128xf32>
    tpu.vector_store %arg10[%swap3A, %swap3A_64], %dot_general3A_63 {strides = array<i32>} : memref<10000x128xf32, #tpu.memory_space<vmem>>, vector<10000x128xf32>,
    return
  }
}

module attributes {stable_mosaic.version = 14 : i64} {
  func.func @_mlp_body(%arg0: memref<10000x128xf32, #tpu.memory_space<vmem>>, %arg1: memref<10000x128xf32, #tpu.memory_space<vmem>>, %arg2: memref<10000x128xf32, #tpu.memory_space<vmem>>, %arg3: memref<16x16xf32, #tpu.memory_space<vmem>>, %arg4: memref<1x16xf32, #tpu.memory_space<vmem>>, %arg5: memref<1x16xf32, #tpu.memory_space<vmem>>, %arg6: memref<1x16xf32, #tpu.memory_space<vmem>>, %arg7: memref<16x16xf32, #tpu.memory_space<vmem>>, %arg8: memref<1x16xf32, #tpu.memory_space<vmem>>, %arg9: memref<16x128xf32, #tpu.memory_space<vmem>>, %arg10: memref<10000x128xf32, #tpu.memory_space<vmem>>) attributes {dimension_semantics = [], scalar_prefetch = 0 : i64, scratch_operands = 0 : i64, tpu.core_type = #tpu.core_type<tc>} {
    %get3A = arith.constant 0 : index
    %get3A_0 = arith.constant 0 : index
    %get3A_1 = vector.load %arg0[%get3A, %get3A_0] : memref<10000x128xf32, #tpu.memory_space<vmem>>, vector<10000x128xf32>
    %get3A_2 = arith.constant 0 : index
    %get3A_3 = arith.constant 0 : index
    %get3A_4 = vector.load %arg1[%get3A_2, %get3A_3] : memref<10000x128xf32, #tpu.memory_space<vmem>>, vector<10000x128xf32>
    %add3A = arith.addf %get3A_1, %get3A_4 : vector<10000x128xf32>
    %get3A_5 = arith.constant 0 : index
    %get3A_6 = arith.constant 0 : index
    %get3A_7 = vector.load %arg2[%get3A_5, %get3A_6] : memref<10000x128xf32, #tpu.memory_space<vmem>>, vector<10000x128xf32>
    %add3A_8 = arith.addf %add3A, %get3A_7 : vector<10000x128xf32>
    %slice3A = vector.extract_strided_slice %add3A_8 {offsets = [0, 0], sizes = [10000, 16], strides = [1, 1]} : vector<10000x128xf32> to vector<10000x16xf32>
    %get3A_9 = arith.constant 0 : index
    %get3A_10 = arith.constant 0 : index
    %get3A_11 = vector.load %arg3[%get3A_9, %get3A_10] : memref<16x16xf32, #tpu.memory_space<vmem>>, vector<16x16xf32>
    %dot_general3A = arith.constant dense<0.000000e+00> : vector<10000x16xf32>
    %dot_general3A_12 = tpu.matmul %slice3A, %get3A_11, %dot_general3A {dimension_numbers = #tpu.dot_dimension_numbers<[1], [0], [0], [1], [0, 0, 1, 1], [], []>, transpose_lhs_hint = false} : vector<10000x16xf32>, vector<16x16xf32>, vector<10000x16xf32> -> vector<10000x16xf32>
    %get3A_13 = arith.constant 0 : index
    %get3A_14 = arith.constant 0 : index
    %get3A_15 = vector.load %arg4[%get3A_13, %get3A_14] : memref<1x16xf32, #tpu.memory_space<vmem>>, vector<1x16xf32>
    %add3A_16 = vector.broadcast %get3A_15 : vector<1x16xf32> to vector<10000x16xf32>
    %add3A_17 = arith.addf %dot_general3A_12, %add3A_16 : vector<10000x16xf32>
    %reduce_sum3A = arith.constant dense<0.000000e+00> : vector<16xf32>
    %reduce_sum3A_18 = vector.multi_reduction <add>, %add3A_17, %reduce_sum3A [0] : vector<10000x16xf32> to vector<16xf32>
    %broadcast_in_dim3A = vector.shape_cast %reduce_sum3A_18 : vector<16xf32> to vector<1x16xf32>
    %mul3A = arith.constant 9.99999974E-5 : f32
    %mul3A_19 = vector.broadcast %mul3A : f32 to vector<1x16xf32>
    %mul3A_20 = arith.mulf %broadcast_in_dim3A, %mul3A_19 : vector<1x16xf32>
    %sub3A = vector.broadcast %mul3A_20 : vector<1x16xf32> to vector<10000x16xf32>
    %sub3A_21 = arith.subf %add3A_17, %sub3A : vector<10000x16xf32>
    %mul3A_22 = arith.mulf %sub3A_21, %sub3A_21 : vector<10000x16xf32>
    %reduce_sum3A_23 = arith.constant dense<0.000000e+00> : vector<16xf32>
    %reduce_sum3A_24 = vector.multi_reduction <add>, %mul3A_22, %reduce_sum3A_23 [0] : vector<10000x16xf32> to vector<16xf32>
    %broadcast_in_dim3A_25 = vector.shape_cast %reduce_sum3A_24 : vector<16xf32> to vector<1x16xf32>
    %mul3A_26 = arith.constant 9.99999974E-5 : f32
    %mul3A_27 = vector.broadcast %mul3A_26 : f32 to vector<1x16xf32>
    %mul3A_28 = arith.mulf %broadcast_in_dim3A_25, %mul3A_27 : vector<1x16xf32>
    %add3A_29 = arith.constant 9.99999974E-6 : f32
    %add3A_30 = vector.broadcast %add3A_29 : f32 to vector<1x16xf32>
    %add3A_31 = arith.addf %mul3A_28, %add3A_30 : vector<1x16xf32>
    %rsqrt3A = math.rsqrt %add3A_31 : vector<1x16xf32>
    %mul3A_32 = vector.broadcast %rsqrt3A : vector<1x16xf32> to vector<10000x16xf32>
    %mul3A_33 = arith.mulf %sub3A_21, %mul3A_32 : vector<10000x16xf32>
    %get3A_34 = arith.constant 0 : index
    %get3A_35 = arith.constant 0 : index
    %get3A_36 = vector.load %arg5[%get3A_34, %get3A_35] : memref<1x16xf32, #tpu.memory_space<vmem>>, vector<1x16xf32>
    %mul3A_37 = vector.broadcast %get3A_36 : vector<1x16xf32> to vector<10000x16xf32>
    %mul3A_38 = arith.mulf %mul3A_33, %mul3A_37 : vector<10000x16xf32>
    %get3A_39 = arith.constant 0 : index
    %get3A_40 = arith.constant 0 : index
    %get3A_41 = vector.load %arg6[%get3A_39, %get3A_40] : memref<1x16xf32, #tpu.memory_space<vmem>>, vector<1x16xf32>
    %add3A_42 = vector.broadcast %get3A_41 : vector<1x16xf32> to vector<10000x16xf32>
    %add3A_43 = arith.addf %mul3A_38, %add3A_42 : vector<10000x16xf32>
    %max3A = arith.constant 0.000000e+00 : f32
    %max3A_44 = vector.broadcast %max3A : f32 to vector<10000x16xf32>
    %max3A_45 = arith.maximumf %add3A_43, %max3A_44 : vector<10000x16xf32>
    %get3A_46 = arith.constant 0 : index
    %get3A_47 = arith.constant 0 : index
    %get3A_48 = vector.load %arg7[%get3A_46, %get3A_47] : memref<16x16xf32, #tpu.memory_space<vmem>>, vector<16x16xf32>
    %dot_general3A_49 = arith.constant dense<0.000000e+00> : vector<10000x16xf32>
    %dot_general3A_50 = tpu.matmul %max3A_45, %get3A_48, %dot_general3A_49 {dimension_numbers = #tpu.dot_dimension_numbers<[1], [0], [0], [1], [0, 0, 1, 1], [], []>, transpose_lhs_hint = false} : vector<10000x16xf32>, vector<16x16xf32>, vector<10000x16xf32> -> vector<10000x16xf32>
    %get3A_51 = arith.constant 0 : index
    %get3A_52 = arith.constant 0 : index
    %get3A_53 = vector.load %arg8[%get3A_51, %get3A_52] : memref<1x16xf32, #tpu.memory_space<vmem>>, vector<1x16xf32>
    %add3A_54 = vector.broadcast %get3A_53 : vector<1x16xf32> to vector<10000x16xf32>
    %add3A_55 = arith.addf %dot_general3A_50, %add3A_54 : vector<10000x16xf32>
    %max3A_56 = arith.constant 0.000000e+00 : f32
    %max3A_57 = vector.broadcast %max3A_56 : f32 to vector<10000x16xf32>
    %max3A_58 = arith.maximumf %add3A_55, %max3A_57 : vector<10000x16xf32>
    %get3A_59 = arith.constant 0 : index
    %get3A_60 = arith.constant 0 : index
    %get3A_61 = vector.load %arg9[%get3A_59, %get3A_60] : memref<16x128xf32, #tpu.memory_space<vmem>>, vector<16x128xf32>
    %dot_general3A_62 = arith.constant dense<0.000000e+00> : vector<10000x128xf32>
    %dot_general3A_63 = tpu.matmul %max3A_58, %get3A_61, %dot_general3A_62 {dimension_numbers = #tpu.dot_dimension_numbers<[1], [0], [0], [1], [0, 0, 1, 1], [], []>, transpose_lhs_hint = false} : vector<10000x16xf32>, vector<16x128xf32>, vector<10000x128xf32> -> vector<10000x128xf32>
    %swap3A = arith.constant 0 : index
    %swap3A_64 = arith.constant 0 : index
    %swap3A_65 = vector.load %arg10[%swap3A, %swap3A_64] : memref<10000x128xf32, #tpu.memory_space<vmem>>, vector<10000x128xf32>
    tpu.vector_store %arg10[%swap3A, %swap3A_64], %dot_general3A_63 {strides = array<i32>} : memref<10000x128xf32, #tpu.memory_space<vmem>>, vector<10000x128xf32>,
    return
  }
}

module attributes {stable_mosaic.version = 14 : i64} {
  func.func @_head_body(%arg0: memref<10000x128xf32, #tpu.memory_space<vmem>>, %arg1: memref<10000x128xf32, #tpu.memory_space<vmem>>, %arg2: memref<10000x128xf32, #tpu.memory_space<vmem>>, %arg3: memref<16x64xf32, #tpu.memory_space<vmem>>, %arg4: memref<16x64xf32, #tpu.memory_space<vmem>>, %arg5: memref<16x64xf32, #tpu.memory_space<vmem>>, %arg6: memref<1x64xf32, #tpu.memory_space<vmem>>, %arg7: memref<64x128xf32, #tpu.memory_space<vmem>>, %arg8: memref<1x128xf32, #tpu.memory_space<vmem>>, %arg9: memref<10000x128xf32, #tpu.memory_space<vmem>>) attributes {dimension_semantics = [], scalar_prefetch = 0 : i64, scratch_operands = 0 : i64, tpu.core_type = #tpu.core_type<tc>} {
    %get3A = arith.constant 0 : index
    %get3A_0 = arith.constant 0 : index
    %get3A_1 = vector.load %arg0[%get3A, %get3A_0] : memref<10000x128xf32, #tpu.memory_space<vmem>>, vector<10000x128xf32>
    %slice3A = vector.extract_strided_slice %get3A_1 {offsets = [0, 0], sizes = [10000, 16], strides = [1, 1]} : vector<10000x128xf32> to vector<10000x16xf32>
    %get3A_2 = arith.constant 0 : index
    %get3A_3 = arith.constant 0 : index
    %get3A_4 = vector.load %arg3[%get3A_2, %get3A_3] : memref<16x64xf32, #tpu.memory_space<vmem>>, vector<16x64xf32>
    %dot_general3A = arith.constant dense<0.000000e+00> : vector<10000x64xf32>
    %dot_general3A_5 = tpu.matmul %slice3A, %get3A_4, %dot_general3A {dimension_numbers = #tpu.dot_dimension_numbers<[1], [0], [0], [1], [0, 0, 1, 1], [], []>, transpose_lhs_hint = false} : vector<10000x16xf32>, vector<16x64xf32>, vector<10000x64xf32> -> vector<10000x64xf32>
    %get3A_6 = arith.constant 0 : index
    %get3A_7 = arith.constant 0 : index
    %get3A_8 = vector.load %arg1[%get3A_6, %get3A_7] : memref<10000x128xf32, #tpu.memory_space<vmem>>, vector<10000x128xf32>
    %slice3A_9 = vector.extract_strided_slice %get3A_8 {offsets = [0, 0], sizes = [10000, 16], strides = [1, 1]} : vector<10000x128xf32> to vector<10000x16xf32>
    %get3A_10 = arith.constant 0 : index
    %get3A_11 = arith.constant 0 : index
    %get3A_12 = vector.load %arg4[%get3A_10, %get3A_11] : memref<16x64xf32, #tpu.memory_space<vmem>>, vector<16x64xf32>
    %dot_general3A_13 = arith.constant dense<0.000000e+00> : vector<10000x64xf32>
    %dot_general3A_14 = tpu.matmul %slice3A_9, %get3A_12, %dot_general3A_13 {dimension_numbers = #tpu.dot_dimension_numbers<[1], [0], [0], [1], [0, 0, 1, 1], [], []>, transpose_lhs_hint = false} : vector<10000x16xf32>, vector<16x64xf32>, vector<10000x64xf32> -> vector<10000x64xf32>
    %add3A = arith.addf %dot_general3A_5, %dot_general3A_14 : vector<10000x64xf32>
    %get3A_15 = arith.constant 0 : index
    %get3A_16 = arith.constant 0 : index
    %get3A_17 = vector.load %arg2[%get3A_15, %get3A_16] : memref<10000x128xf32, #tpu.memory_space<vmem>>, vector<10000x128xf32>
    %slice3A_18 = vector.extract_strided_slice %get3A_17 {offsets = [0, 0], sizes = [10000, 16], strides = [1, 1]} : vector<10000x128xf32> to vector<10000x16xf32>
    %get3A_19 = arith.constant 0 : index
    %get3A_20 = arith.constant 0 : index
    %get3A_21 = vector.load %arg5[%get3A_19, %get3A_20] : memref<16x64xf32, #tpu.memory_space<vmem>>, vector<16x64xf32>
    %dot_general3A_22 = arith.constant dense<0.000000e+00> : vector<10000x64xf32>
    %dot_general3A_23 = tpu.matmul %slice3A_18, %get3A_21, %dot_general3A_22 {dimension_numbers = #tpu.dot_dimension_numbers<[1], [0], [0], [1], [0, 0, 1, 1], [], []>, transpose_lhs_hint = false} : vector<10000x16xf32>, vector<16x64xf32>, vector<10000x64xf32> -> vector<10000x64xf32>
    %add3A_24 = arith.addf %add3A, %dot_general3A_23 : vector<10000x64xf32>
    %get3A_25 = arith.constant 0 : index
    %get3A_26 = arith.constant 0 : index
    %get3A_27 = vector.load %arg6[%get3A_25, %get3A_26] : memref<1x64xf32, #tpu.memory_space<vmem>>, vector<1x64xf32>
    %add3A_28 = vector.broadcast %get3A_27 : vector<1x64xf32> to vector<10000x64xf32>
    %add3A_29 = arith.addf %add3A_24, %add3A_28 : vector<10000x64xf32>
    %max3A = arith.constant 0.000000e+00 : f32
    %max3A_30 = vector.broadcast %max3A : f32 to vector<10000x64xf32>
    %max3A_31 = arith.maximumf %add3A_29, %max3A_30 : vector<10000x64xf32>
    %get3A_32 = arith.constant 0 : index
    %get3A_33 = arith.constant 0 : index
    %get3A_34 = vector.load %arg7[%get3A_32, %get3A_33] : memref<64x128xf32, #tpu.memory_space<vmem>>, vector<64x128xf32>
    %dot_general3A_35 = arith.constant dense<0.000000e+00> : vector<10000x128xf32>
    %dot_general3A_36 = tpu.matmul %max3A_31, %get3A_34, %dot_general3A_35 {dimension_numbers = #tpu.dot_dimension_numbers<[1], [0], [0], [1], [0, 0, 1, 1], [], []>, transpose_lhs_hint = false} : vector<10000x64xf32>, vector<64x128xf32>, vector<10000x128xf32> -> vector<10000x128xf32>
    %get3A_37 = arith.constant 0 : index
    %get3A_38 = arith.constant 0 : index
    %get3A_39 = vector.load %arg8[%get3A_37, %get3A_38] : memref<1x128xf32, #tpu.memory_space<vmem>>, vector<1x128xf32>
    %add3A_40 = vector.broadcast %get3A_39 : vector<1x128xf32> to vector<10000x128xf32>
    %add3A_41 = arith.addf %dot_general3A_36, %add3A_40 : vector<10000x128xf32>
    %swap3A = arith.constant 0 : index
    %swap3A_42 = arith.constant 0 : index
    %swap3A_43 = vector.load %arg9[%swap3A, %swap3A_42] : memref<10000x128xf32, #tpu.memory_space<vmem>>, vector<10000x128xf32>
    tpu.vector_store %arg9[%swap3A, %swap3A_42], %add3A_41 {strides = array<i32>} : memref<10000x128xf32, #tpu.memory_space<vmem>>, vector<10000x128xf32>,
    return
  }
}

</mosaic_0001>

<sc_bundles>
// kernel: kernel.10.cloned.1.call-start
scs
__scs_entry_jumppad:
0x0: {  	(pc) =	sbr.rel $0x88, $3  }
0x1: {  	(tag) =	ssettag $0x0;
	lr =	simm.s32 $0x1  }
0x2: {  	[smem:$0x3F82] =	sst lr;
	_ =	strace $0xD0000000  }
0x3: {  	_ = 	snop  }
0x4: {  	_ = 	snop  }
0x5: {  	_ = 	snop  }
0x6: {  	_ = 	snop  }
0x7: {  	_ = 	snop  }
__scs_overlays_trampoline_lowered:
0x8: {  	[smem:$0x3F91] =	sst s0  }
0x9: {  	[smem:$0x3F92] =	sst s1  }
0xa: {  	[smem:$0x3F93] =	sst s2  }
0xb: {  	[smem:$0x3F94] =	sst s3  }
0xc: {  	[smem:$0x3F95] =	sst s4  }
0xd: {  	[smem:$0x3F96] =	sst s5  }
0xe: {  	[smem:$0x3F97] =	sst s6  }
0xf: {  	[smem:$0x3F98] =	sst s7  }
0x10: {  	[smem:$0x3F99] =	sst s8  }
0x11: {  	[smem:$0x3F9A] =	sst s9;
	s0 =	simm.s32 @!p0 $0x0  }
0x12: {  	s1 =	sld [smem:$0x3F80];
	s0 =	simm.s32 @p0 $0x1  }
0x13: {  	[smem:$0x3F9B] =	sst s0;
	s0 =	simm.s32 @!p1 $0x0  }
0x14: {  	s2 =	sld [smem:$0x3F7F];
	s0 =	simm.s32 @p1 $0x1  }
0x15: {  	[smem:$0x3F9C] =	sst s0;
	s0 =	simm.s32 @!p2 $0x0  }
0x16: {  	s3 =	sld [smem:$0x3FDB];
	s0 =	simm.s32 @p2 $0x1  }
0x17: {  	s4 =	simm.s32 $0x1BF5;
	[smem:$0x3F9E] =	sst s0  }
0x18: {  	s0 =	sld [smem:$0x3F81];
	_ =	swait.ge [sflag:s4], $0x0  }
0x19: {  	s7 =	sld [smem:$0x3F82]  }
0x1a: {  	s8 =	sadd.s32 $0xFFFFE003, lr  }
0x1b: {  	s9 =	sadd.s32 $0xFFFFFEF7, lr;
	s5 =	simm.s32 $0xFFFFFFFF;
	p2 =	slt.u32 s8, $0xFFFFF086  }
0x1c: {  	p1 =	slt.u32 s9, $0xF7A;
	s5 =	simm.s32 @!p2 $0x0  }
0x1d: {  	s5 =	simm.s32 @p1 $0x1;
	p0 =	seq.s32 s7, s2  }
0x1e: {  	s7 =	smul.u32 @!p0 $0xF7A, s2;
	p2 =	seq.s32 @!p0 s5, $0x0  }
0x1f: {  	s9 =	smul.u32 $0xF7A, s1;
	s8 =	simm.s32 @!p0 $0x1BF5;
	p2 =	por !p2, p0  }
0x20: {  	[sflag:s8] =	ssyncset.s32 @!p0 $0xFFFFF086;
	s6 =	sadd.s32 @!p0 s3, s7;
	s7 =	simm.s32 @!p0 $0x108  }
0x21: {  	s3 =	sadd.s32 s3, s9;
	s6 =	sadd.s32 @!p0 $0x88, s6;
	s7 =	simm.s32 @p2 $0x1082  }
0x22: {  	[simem:s7], [sflag:s8] =	dma.local @!p0 [hbm:s6], $0xF7A  }
0x23: {  	s9 =	sor.u32 $0xD0000000, s2;
	s6 =	simm.s32 $0x108;
	_ =	swait.ge @!p0 [sflag:s8], $0x0  }
0x24: {  	s3 =	sadd.s32 $0x88, s3;
	s6 =	simm.s32 @!p1 $0x1082;
	[sflag:s4] =	ssyncset.s32 $0xFFFFF086  }
0x25: {  	[simem:s6], [sflag:s4] =	dma.local [hbm:s3], $0xF7A  }
0x26: {  	[smem:$0x3F82] =	sst s1;
	(tag) =	ssettag s2;
	_ =	strace s9  }
0x27: {  	s1 =	sld [smem:$0x3F92]  }
0x28: {  	s2 =	sld [smem:$0x3F93]  }
0x29: {  	s4 =	sld [smem:$0x3F95]  }
0x2a: {  	p0 =	seq.s32 s5, $0x0;
	s5 =	sld [smem:$0x3F96]  }
0x2b: {  	s6 =	sld [smem:$0x3F97]  }
0x2c: {  	s7 =	sld [smem:$0x3F98]  }
0x2d: {  	s3 =	simm.s32 $0x108;
	s8 =	sld [smem:$0x3F99]  }
0x2e: {  	s3 =	simm.s32 @!p0 $0x1082;
	s9 =	sld [smem:$0x3F9A]  }
0x2f: {  	lr =	sadd.s32 s0, s3;
	s0 =	sld [smem:$0x3F91]  }
0x30: {  	s3 =	sld [smem:$0x3F94]  }
0x31: {  	[smem:$0x3F9D] =	sst s10  }
0x32: {  	s10 =	sld [smem:$0x3F9B];
	_ =	sdelay $0x3  }
0x33: {  	p0 =	seq.s32 s10, $0x1;
	s10 =	sld [smem:$0x3F9D];
	_ =	sdelay $0x3  }
0x34: {  	[smem:$0x3F9D] =	sst s10  }
0x35: {  	s10 =	sld [smem:$0x3F9C];
	_ =	sdelay $0x3  }
0x36: {  	p1 =	seq.s32 s10, $0x1;
	s10 =	sld [smem:$0x3F9D];
	_ =	sdelay $0x3  }
0x37: {  	[smem:$0x3F9D] =	sst s10  }
0x38: {  	s10 =	sld [smem:$0x3F9E]  }
0x39: {  	_ = 	snop;
	(pc) =	sbr.ind lr, $3  }
0x3a: {  	_ = 	snop  }
0x3b: {  	_ = 	snop  }
0x3c: {  	p2 =	seq.s32 s10, $0x1;
	s10 =	sld [smem:$0x3F9D]  }
0x3d: {  	_ =	shalt  }
0x3e: {  	_ =	shalt  }
0x3f: {  	_ =	shalt  }
0x40: {  	_ =	shalt  }
0x41: {  	_ =	shalt  }
0x42: {  	_ =	shalt  }
0x43: {  	_ =	shalt  }
0x44: {  	_ =	shalt  }
0x45: {  	_ =	shalt  }
0x46: {  	_ =	shalt  }
0x47: {  	_ =	shalt  }
0x48: {  	_ =	shalt  }
0x49: {  	_ =	shalt  }
0x4a: {  	_ =	shalt  }
0x4b: {  	_ =	shalt  }
0x4c: {  	_ =	shalt  }
0x4d: {  	_ =	shalt  }
0x4e: {  	_ =	shalt  }
0x4f: {  	_ =	shalt  }
0x50: {  	_ =	shalt  }
0x51: {  	_ =	shalt  }
0x52: {  	_ =	shalt  }
0x53: {  	_ =	shalt  }
0x54: {  	_ =	shalt  }
0x55: {  	_ =	shalt  }
0x56: {  	_ =	shalt  }
0x57: {  	_ =	shalt  }
0x58: {  	_ =	shalt  }
0x59: {  	_ =	shalt  }
0x5a: {  	_ =	shalt  }
0x5b: {  	_ =	shalt  }
0x5c: {  	_ =	shalt  }
0x5d: {  	_ =	shalt  }
0x5e: {  	_ =	shalt  }
0x5f: {  	_ =	shalt  }
0x60: {  	_ =	shalt  }
0x61: {  	_ =	shalt  }
0x62: {  	_ =	shalt  }
0x63: {  	_ =	shalt  }
0x64: {  	_ =	shalt  }
0x65: {  	_ =	shalt  }
0x66: {  	_ =	shalt  }
0x67: {  	_ =	shalt  }
0x68: {  	_ =	shalt  }
0x69: {  	_ =	shalt  }
0x6a: {  	_ =	shalt  }
0x6b: {  	_ =	shalt  }
0x6c: {  	_ =	shalt  }
0x6d: {  	_ =	shalt  }
0x6e: {  	_ =	shalt  }
0x6f: {  	_ =	shalt  }
0x70: {  	_ =	shalt  }
0x71: {  	_ =	shalt  }
0x72: {  	_ =	shalt  }
0x73: {  	_ =	shalt  }
0x74: {  	_ =	shalt  }
0x75: {  	_ =	shalt  }
0x76: {  	_ =	shalt  }
0x77: {  	_ =	shalt  }
0x78: {  	_ =	shalt  }
0x79: {  	_ =	shalt  }
0x7a: {  	_ =	shalt  }
0x7b: {  	_ =	shalt  }
0x7c: {  	_ =	shalt  }
0x7d: {  	_ =	shalt  }
0x7e: {  	_ =	shalt  }
0x7f: {  	_ =	shalt  }
0x80: {  	_ =	shalt  }
0x81: {  	_ =	shalt  }
0x82: {  	_ =	shalt  }
0x83: {  	_ =	shalt  }
0x84: {  	_ =	shalt  }
0x85: {  	_ =	shalt  }
0x86: {  	_ =	shalt  }
0x87: {  	_ =	shalt  }
.Lfunc_end0:
.L_simem_size_0:
called_computation_lowered:
.L_overlay_start_0:
0x88: {  	s2 =	sld [smem:$0x3FD9]  }
0x89: {  	s3 =	sld [smem:$0x3FFE];
	_ =	sdelay $0x1  }
0x8a: {  	s1 =	srdreg.scid  }
0x8b: {  	s0 =	sand.u32 $0x1, s1  }
0x8c: {  	s17 =	sshll.u32 s0, $0xA;
	s2 =	sadd.s32 s3, s2  }
0x8d: {  	s2 =	sadd.s32 s2, s17  }
0x8e: {  	[smem:$0x3FA9] =	sst s2  }
0x8f: {  	_ = 	snop  }
0x90: {  	s2 =	sld [smem:$0x3FC9];
	(tm) =	ssettm $0x1  }
0x91: {  	s18 =	sld [smem:$0x3FFB];
	_ =	sdelay $0x3  }
0x92: {  	_ =	strace s18  }
0x93: {  	s3 =	sld [smem:$0x3FFC];
	_ =	sdelay $0x3  }
0x94: {  	_ =	strace s3  }
0x95: {  	s3 =	sld [smem:$0x3FFD];
	_ =	sdelay $0x3  }
0x96: {  	_ =	strace s3  }
0x97: {  	_ =	strace $0x8FFFFFFF  }
0x98: {  	s19 =	sld [smem:$0x3FDB];
	_ =	sdelay $0x1  }
0x99: {  	s4 =	simm.s32 $_scs_section_size  }
0x9a: {  	s5 =	simm.s32 $_size__tile_overlayer_lowered;
	s6 =	simm.s32 $_tile_overlayer_lowered  }
0x9b: {  	s22 =	simm.s32 $0x1BFF;
	s21 =	sshll.u32 s6, $0x1;
	s3 =	sadd.s32 s4, s19  }
0x9c: {  	s7 =	simm.s32 $0x0;
	s20 =	sshll.u32 s5, $0x1;
	s5 =	sadd.s32 s21, s3  }
0x9d: {  	[timem:s7], [sflag:s22] =	dma.local [hbm:s5], s20  }
0x9e: {  	_ =	swait.ge [sflag:s22], s20  }
0x9f: {  	s4 =	ssub.s32 $0x0, s20;
	[sflag:s22] =	ssyncset.done $0x0  }
0xa0: {  	[sflag:s22] =	ssyncadd.s32 s4;
	_ =	sdelay $0x1  }
0xa1: {  	s23 =	simm.s32 $0x1B8B  }
0xa2: {  	_ =	swait.ge [sflag:s23], $0x1  }
0xa3: {  	[sflag:s23] =	ssyncset.done $0x0  }
0xa4: {  	s25 =	simm.s32 $0x1B8E;
	s24 =	sld [smem:$0x3FFE];
	[sflag:s23] =	ssyncadd.s32 $0xFFFFFFFF  }
0xa5: {  	s26 =	simm.s32 $execute0_lowered;
	[smem:$0x3FD2] =	sst s25  }
0xa6: {  	s5 =	sshll.u32 s26, $0x1;
	_ =	strace $0x80000046;
	[dreg:$0x1] =	wrdreg $0xFFFFFFFF  }
0xa7: {  	s28 =	simm.s32 $_size_execute0_lowered;
	s3 =	sadd.s32 s3, s5;
	[dreg:$0x0] =	wrdreg $0x0  }
0xa8: {  	s5 =	sshll.u32 s28, $0x1;
	[dreg:$0x2] =	wrdreg s3  }
0xa9: {  	[dreg:$0x3] =	wrdreg s5  }
0xaa: {  	[dreg:$0x4] =	wrdreg $0xC0  }
0xab: {  	_ =	task [dreg:s7], $0x5FFFF  }
0xac: {  	[dreg:$0x1] =	wrdreg $0xFFFFFFFF  }
0xad: {  	[dreg:$0x0] =	wrdreg $0x60  }
0xae: {  	[dreg:$0x2] =	wrdreg s2  }
0xaf: {  	[dreg:$0x3] =	wrdreg s24  }
0xb0: {  	[dreg:$0x4] =	wrdreg $0x90000  }
0xb1: {  	[dreg:$0x5] =	wrdreg $0x9  }
0xb2: {  	_ =	task.clear_ibuf [dreg:s7], $0x6FFFF;
	_ =	strace $0x90000046  }
0xb3: {  	s29 =	simm.s32 $0x9;
	_ =	strace $0x80000048  }
0xb4: {  	_ =	swait.ge [sflag:s29], $0x1  }
0xb5: {  	[sflag:s29] =	ssyncadd.s32 $0xFFFFFFFF  }
0xb6: {  	_ =	strace $0x90000048  }
0xb7: {  	_ =	sfence  }
0xb8: {  	s30 =	sld [smem:$0x0];
	_ =	sdelay $0x2  }
0xb9: {  	s31 =	sshll.u32 s1, $0xD;
	s1 =	sshrl.u32 s1, $0x2  }
0xba: {  	s3 =	sand.u32 $0x4000, s31;
	s1 =	sadd.s32 s1, s30  }
0xbb: {  	s0 =	sor.u32 s3, s0;
	s1 =	sshll.u32 s1, $0x11  }
0xbc: {  	s0 =	sor.u32 s1, s0  }
0xbd: {  	s0 =	sadd.s32 $0x8F2B, s0  }
0xbe: {  	[sflag:s0] =	ssyncadd.remote.s32 $0x1  }
0xbf: {  	_ =	sfence.sel $0xFFFF  }
0xc0: {  	[dreg:$0x0] =	wrdreg $0xFFFFFFFF;
	(pc) =	sbr.abs _section_cstart, $3  }
0xc1: {  	[dreg:$0x1] =	wrdreg $0xFFFFFFFF  }
0xc2: {  	_ =	task.clear_ibuf [dreg:s7], $0x2FFFF;
	_ =	strace $0x9FFFFFFF  }
0xc3: {  	(tm) =	ssettm $0x7FFFFFFF  }
tec
execute0_lowered:
.L_overlay_start_1:
0x0: {  	(tag) =	ssettag $0x1  }
0x1: {  	s1 =	rddreg [dreg:$0x0]  }
0x2: {  	s0 =	rddreg [dreg:$0x1]  }
0x3: {  	s2 =	rddreg [dreg:$0x2];
	s3 =	srdreg.scid;
	s4 =	simm.s32 $0x0  }
0x4: {  	s26 =	stileid.u32;
	s17 =	simm.s32 $0x1000;
	s18 =	simm.s32 $0x5000  }
0x5: {  	s19 =	simm.s32 $0x3000;
	s20 =	simm.s32 $0x7000;
	s21 =	simm.s32 $0x1  }
0x6: {  	s22 =	simm.s32 $0x3;
	s23 =	simm.s32 $0x2;
	s24 =	simm.s32 $0x4  }
0x7: {  	s25 =	simm.s32 $0x5;
	s9 =	sand.u32 $0x1, s3;
	[smem:$0x7FF] =	sst s4  }
0x8: {  	s10 =	smul.u32 $0x13C00, s26;
	s5 =	sadd.s32 $0x7200, s0;
	s6 =	sadd.s32 $0x1B200, s0  }
0x9: {  	s7 =	sadd.s32 $0xA11200, s0;
	s28 =	sadd.s32 $0x2F200, s0;
	s13 =	sshll.u32 s26, $0x1  }
0xa: {  	s14 =	smul.u32 $0x4F000, s26;
	s30 =	sshll.u32 s26, $0x6;
	s26 =	simm.s32 $0x6  }
0xb: {  	s8 =	smul.u32 $0x13C000, s9;
	_ =	strace $0x80000047;
	s11 =	ssub.s32 $0x2, s9  }
0xc: {  	[dreg:$0x4] =	wrdreg s28;
	s9 =	sor.u32 s9, s13;
	s12 =	sshrl.u32 s11, $0x1  }
0xd: {  	s9 =	smul.u32 $0xA0, s9;
	s29 =	sshrl.u32 s14, $0x2;
	s10 =	sadd.s32 s10, s8  }
0xe: {  	s16 =	ssub.s32 s11, s12;
	s14 =	sadd.s32 s29, s2;
	s10 =	sshrl.u32 s10, $0x3  }
0xf: {  	s11 =	sadd.s32 $0xA11600, s0;
	s13 =	smax.u32 s16, $0x1;
	s15 =	sadd.s32 s10, s0  }
0x10: {  	s14 =	sshrl.u32 s14, $0x3;
	s16 =	simm.s32 $0x40;
	s31 =	sadd.s32 $0x31A00, s15  }
0x11: {  	s10 =	sor.u32 $0x1C07, s30;
	s15 =	simm.s32 $0x7;
	[dreg:$0x5] =	wrdreg s31  }
.LBB2_1:
0x12: {  	s0 =	rddreg [dreg:$0x4]  }
0x13: {  	[spmem:s14], [sflag:s10] =	dma.local [hbm:s0], $0x2780  }
0x14: {  	_ =	swait.ge [sflag:s15], $0x2780  }
0x15: {  	[sflag:s15] =	ssyncset.done $0x0  }
0x16: {  	[sflag:s15] =	ssyncadd.s32 $0xFFFFD880  }
0x17: {  	s28 =	simm.s32 $0x0;
	[bflag:$0x0] =	sbarrier.arrive $0xFFFF  }
.LBB2_2:
0x18: {  	s0 =	sshll.u32 s28, $0x1  }
0x19: {  	s29 =	sand.u32 $0xE, s0  }
0x1a: {  	p0 =	seq.s32 s29, $0x0  }
0x1b: {  	s30 =	sadd.s32 @p0 s9, s0  }
0x1c: {  	s31 =	sshll.u32 @p0 s30, $0x4  }
0x1d: {  	s8 =	simm.s32 @p0 $0x0;
	s3 =	sadd.s32 @p0 s5, s31  }
0x1e: {  	[tilespmem:s8], [sflag:$0x7] =	stream.linear.gather @p0 [hbm4b:s3+s8], $0x800, $0x38;
	[tilespmem:$0x1CC00] =	vst v63  }
0x1f: {  	s3 =	simm.s32 @p0 $0x7  }
0x20: {  	_ =	swait.ge @p0 [sflag:s3], $0x800  }
0x21: {  	[sflag:s3] =	ssyncset.done @p0 $0x0  }
0x22: {  	s12 =	simm.s32 @p0 $0x800;
	s31 =	sadd.s32 @p0 s6, s31;
	[sflag:s3] =	ssyncadd.s32 @p0 $0xFFFFF800  }
0x23: {  	[tilespmem:s12], [sflag:$0x7] =	stream.linear.gather @p0 [hbm4b:s31+s8], $0x800, $0x38;
	[tilespmem:$0x1CC00] =	vst v63  }
0x24: {  	s0 =	sadd.s32 @!p0 s9, s0;
	_ =	swait.ge @p0 [sflag:s3], $0x800  }
0x25: {  	s0 =	smov.u32 @p0 s30;
	[sflag:s3] =	ssyncset.done @p0 $0x0  }
0x26: {  	s30 =	sshll.u32 s29, $0x7;
	s0 =	sshll.u32 s0, $0xA;
	[sflag:s3] =	ssyncadd.s32 @p0 $0xFFFFF800  }
0x27: {  	[tilespmem:s17], [sflag:$0x1] =	stream.indirect.gather [hbm4b:s1+s16], $0x80, s30, s16, $0xb8;
	[tilespmem:$0x1CC00] =	vst v63  }
0x28: {  	s8 =	sadd.s32 s7, s0;
	s12 =	simm.s32 $0x0  }
0x29: {  	[tilespmem:s18], [sflag:$0x3] =	stream.linear.gather [hbm4b:s8+s12], $0x2000, $0x38;
	[tilespmem:$0x1CC00] =	vst v63  }
0x2a: {  	s29 =	sor.u32 $0x80, s30  }
0x2b: {  	[tilespmem:s19], [sflag:$0x2] =	stream.indirect.gather [hbm4b:s1+s16], $0x80, s29, s16, $0xb8;
	[tilespmem:$0x1CC00] =	vst v63  }
0x2c: {  	s0 =	sadd.s32 s0, s11  }
0x2d: {  	[tilespmem:s20], [sflag:$0x4] =	stream.linear.gather [hbm4b:s0+s12], $0x2000, $0x38;
	[tilespmem:$0x1CC00] =	vst v63  }
0x2e: {  	_ =	swait.ge [sflag:s21], $0x2000  }
0x2f: {  	[sflag:s21] =	ssyncset.done $0x0  }
0x30: {  	[sflag:s21] =	ssyncadd.s32 $0xFFFFE000  }
0x31: {  	_ =	swait.ge [sflag:s22], $0x2000  }
0x32: {  	[sflag:s22] =	ssyncset.done $0x0  }
0x33: {  	s31 =	simm.s32 $0x0;
	[sflag:s22] =	ssyncadd.s32 $0xFFFFE000  }
0x34: {  	v6 =	vld [tilespmem:s31+$0x5000]  }
0x35: {  	v11 =	vld [tilespmem:s31+$0x5010]  }
0x36: {  	v4 =	vld [tilespmem:s31+$0x5020]  }
0x37: {  	v5 =	vld [tilespmem:s31+$0x5030]  }
0x38: {  	v3 =	vld [tilespmem:s31+$0x5040]  }
0x39: {  	v2 =	vld [tilespmem:s31+$0x5050]  }
0x3a: {  	v1 =	vld [tilespmem:s31+$0x5060]  }
0x3b: {  	v0 =	vld [tilespmem:s31+$0x5070]  }
0x3c: {  	v12 =	vld [tilespmem:s31+$0x1000]  }
0x3d: {  	v13 =	vld [tilespmem:s31+$0x1010]  }
0x3e: {  	v10 =	vld [tilespmem:s31+$0x1020]  }
0x3f: {  	v9 =	vld [tilespmem:s31+$0x1030]  }
0x40: {  	v8 =	vld [tilespmem:s31+$0x1040]  }
0x41: {  	v7 =	vld [tilespmem:s31+$0x1050];
	v12 =	vadd.f32 v6, v12  }
0x42: {  	s0 =	simm.s32 $0x200;
	v6 =	vld [tilespmem:s31+$0x1060];
	v11 =	vadd.f32 v11, v13  }
.LBB2_3:
0x43: {  	s3 =	sshra.s32 s0, $0x2;
	p0 =	sne.s32 s0, $0x7E00;
	v13 =	vld [tilespmem:s31+$0x1070];
	v4 =	vadd.f32 v4, v10;
	v10 =	vmax.f32 v12, $0.0e+00  }
0x44: {  	v12 =	vld [tilespmem:s3+$0x5000];
	v5 =	vadd.f32 v5, v9;
	v9 =	vmax.f32 v11, $0.0e+00;
	[tilespmem:s31+$0x1000] =	vst v10  }
0x45: {  	v11 =	vld [tilespmem:s3+$0x5010];
	v3 =	vadd.f32 v3, v8;
	v8 =	vmax.f32 v4, $0.0e+00;
	[tilespmem:s31+$0x1010] =	vst v9  }
0x46: {  	v4 =	vld [tilespmem:s3+$0x5020];
	v2 =	vadd.f32 v2, v7;
	v7 =	vmax.f32 v5, $0.0e+00;
	[tilespmem:s31+$0x1020] =	vst v8  }
0x47: {  	v5 =	vld [tilespmem:s3+$0x5030];
	v1 =	vadd.f32 v1, v6;
	v6 =	vmax.f32 v3, $0.0e+00;
	[tilespmem:s31+$0x1030] =	vst v7  }
0x48: {  	v3 =	vld [tilespmem:s3+$0x5040];
	v0 =	vadd.f32 v0, v13;
	v7 =	vmax.f32 v2, $0.0e+00;
	[tilespmem:s31+$0x1040] =	vst v6  }
0x49: {  	v2 =	vld [tilespmem:s3+$0x5050];
	v6 =	vmax.f32 v1, $0.0e+00;
	[tilespmem:s31+$0x1050] =	vst v7  }
0x4a: {  	v1 =	vld [tilespmem:s3+$0x5060];
	v7 =	vmax.f32 v0, $0.0e+00;
	[tilespmem:s31+$0x1060] =	vst v6  }
0x4b: {  	v0 =	vld [tilespmem:s3+$0x5070];
	[tilespmem:s31+$0x1070] =	vst v7;
	s31 =	smov.u32 s3  }
0x4c: {  	v6 =	vld [tilespmem:s31+$0x1000]  }
0x4d: {  	v13 =	vld [tilespmem:s31+$0x1010]  }
.Ltmp0:
0x4e: {  	v10 =	vld [tilespmem:s31+$0x1020];
	(pc) =	sbr.rel @p0 .LBB2_3-.Ltmp0, $4  }
0x4f: {  	v9 =	vld [tilespmem:s31+$0x1030]  }
0x50: {  	v8 =	vld [tilespmem:s31+$0x1040]  }
0x51: {  	v7 =	vld [tilespmem:s31+$0x1050];
	v12 =	vadd.f32 v12, v6  }
0x52: {  	s0 =	sadd.s32 $0x200, s0;
	v6 =	vld [tilespmem:s31+$0x1060];
	v11 =	vadd.f32 v11, v13  }
0x53: {  	v13 =	vld [tilespmem:s31+$0x1070];
	v4 =	vadd.f32 v4, v10;
	v10 =	vmax.f32 v12, $0.0e+00  }
0x54: {  	v5 =	vadd.f32 v5, v9;
	v9 =	vmax.f32 v11, $0.0e+00;
	[tilespmem:s31+$0x1000] =	vst v10  }
0x55: {  	v3 =	vadd.f32 v3, v8;
	v4 =	vmax.f32 v4, $0.0e+00;
	[tilespmem:s31+$0x1010] =	vst v9  }
0x56: {  	v2 =	vadd.f32 v2, v7;
	v5 =	vmax.f32 v5, $0.0e+00;
	[tilespmem:s31+$0x1020] =	vst v4  }
0x57: {  	v1 =	vadd.f32 v1, v6;
	v3 =	vmax.f32 v3, $0.0e+00;
	[tilespmem:s31+$0x1030] =	vst v5  }
0x58: {  	v0 =	vadd.f32 v0, v13;
	v2 =	vmax.f32 v2, $0.0e+00;
	[tilespmem:s31+$0x1040] =	vst v3  }
0x59: {  	v1 =	vmax.f32 v1, $0.0e+00;
	[tilespmem:s31+$0x1050] =	vst v2  }
0x5a: {  	v0 =	vmax.f32 v0, $0.0e+00;
	[tilespmem:s31+$0x1060] =	vst v1  }
0x5b: {  	s0 =	sor.u32 $0x800, s30;
	[tilespmem:s31+$0x1070] =	vst v0  }
0x5c: {  	[spmem:s2] =	stream.indirect.scatter.add.f32 [tilespmem:s17], [sflag:$0x5], $0x80, s0, s16, $0xb8;
	[tilespmem:$0x1CC00] =	vst v63  }
0x5d: {  	_ =	swait.ge [sflag:s23], $0x2000  }
0x5e: {  	[sflag:s23] =	ssyncset.done $0x0  }
0x5f: {  	[sflag:s23] =	ssyncadd.s32 $0xFFFFE000  }
0x60: {  	_ =	swait.ge [sflag:s24], $0x2000  }
0x61: {  	[sflag:s24] =	ssyncset.done $0x0  }
0x62: {  	s30 =	simm.s32 $0x0;
	[sflag:s24] =	ssyncadd.s32 $0xFFFFE000  }
0x63: {  	v6 =	vld [tilespmem:s30+$0x7000]  }
0x64: {  	v11 =	vld [tilespmem:s30+$0x7010]  }
0x65: {  	v4 =	vld [tilespmem:s30+$0x7020]  }
0x66: {  	v5 =	vld [tilespmem:s30+$0x7030]  }
0x67: {  	v3 =	vld [tilespmem:s30+$0x7040]  }
0x68: {  	v2 =	vld [tilespmem:s30+$0x7050]  }
0x69: {  	v1 =	vld [tilespmem:s30+$0x7060]  }
0x6a: {  	v0 =	vld [tilespmem:s30+$0x7070]  }
0x6b: {  	v12 =	vld [tilespmem:s30+$0x3000]  }
0x6c: {  	v13 =	vld [tilespmem:s30+$0x3010]  }
0x6d: {  	v10 =	vld [tilespmem:s30+$0x3020]  }
0x6e: {  	v9 =	vld [tilespmem:s30+$0x3030]  }
0x6f: {  	v8 =	vld [tilespmem:s30+$0x3040]  }
0x70: {  	v7 =	vld [tilespmem:s30+$0x3050];
	v12 =	vadd.f32 v6, v12  }
0x71: {  	s0 =	simm.s32 $0x200;
	v6 =	vld [tilespmem:s30+$0x3060];
	v11 =	vadd.f32 v11, v13  }
.LBB2_5:
0x72: {  	s3 =	sshra.s32 s0, $0x2;
	p0 =	sne.s32 s0, $0x7E00;
	v13 =	vld [tilespmem:s30+$0x3070];
	v4 =	vadd.f32 v4, v10;
	v10 =	vmax.f32 v12, $0.0e+00  }
0x73: {  	v12 =	vld [tilespmem:s3+$0x7000];
	v5 =	vadd.f32 v5, v9;
	v9 =	vmax.f32 v11, $0.0e+00;
	[tilespmem:s30+$0x3000] =	vst v10  }
0x74: {  	v11 =	vld [tilespmem:s3+$0x7010];
	v3 =	vadd.f32 v3, v8;
	v8 =	vmax.f32 v4, $0.0e+00;
	[tilespmem:s30+$0x3010] =	vst v9  }
0x75: {  	v4 =	vld [tilespmem:s3+$0x7020];
	v2 =	vadd.f32 v2, v7;
	v7 =	vmax.f32 v5, $0.0e+00;
	[tilespmem:s30+$0x3020] =	vst v8  }
0x76: {  	v5 =	vld [tilespmem:s3+$0x7030];
	v1 =	vadd.f32 v1, v6;
	v6 =	vmax.f32 v3, $0.0e+00;
	[tilespmem:s30+$0x3030] =	vst v7  }
0x77: {  	v3 =	vld [tilespmem:s3+$0x7040];
	v0 =	vadd.f32 v0, v13;
	v7 =	vmax.f32 v2, $0.0e+00;
	[tilespmem:s30+$0x3040] =	vst v6  }
0x78: {  	v2 =	vld [tilespmem:s3+$0x7050];
	v6 =	vmax.f32 v1, $0.0e+00;
	[tilespmem:s30+$0x3050] =	vst v7  }
0x79: {  	v1 =	vld [tilespmem:s3+$0x7060];
	v7 =	vmax.f32 v0, $0.0e+00;
	[tilespmem:s30+$0x3060] =	vst v6  }
0x7a: {  	v0 =	vld [tilespmem:s3+$0x7070];
	[tilespmem:s30+$0x3070] =	vst v7;
	s30 =	smov.u32 s3  }
0x7b: {  	v6 =	vld [tilespmem:s30+$0x3000]  }
0x7c: {  	v13 =	vld [tilespmem:s30+$0x3010]  }
.Ltmp1:
0x7d: {  	v10 =	vld [tilespmem:s30+$0x3020];
	(pc) =	sbr.rel @p0 .LBB2_5-.Ltmp1, $4  }
0x7e: {  	v9 =	vld [tilespmem:s30+$0x3030]  }
0x7f: {  	v8 =	vld [tilespmem:s30+$0x3040]  }
0x80: {  	v7 =	vld [tilespmem:s30+$0x3050];
	v12 =	vadd.f32 v12, v6  }
0x81: {  	s0 =	sadd.s32 $0x200, s0;
	v6 =	vld [tilespmem:s30+$0x3060];
	v11 =	vadd.f32 v11, v13  }
0x82: {  	v13 =	vld [tilespmem:s30+$0x3070];
	v4 =	vadd.f32 v4, v10;
	v62 =	vmax.f32 v12, $0.0e+00  }
0x83: {  	v5 =	vadd.f32 v5, v9;
	v63 =	vmax.f32 v11, $0.0e+00;
	[tilespmem:s30+$0x3000] =	vst v62  }
0x84: {  	v3 =	vadd.f32 v3, v8;
	v4 =	vmax.f32 v4, $0.0e+00;
	[tilespmem:s30+$0x3010] =	vst v63  }
0x85: {  	v2 =	vadd.f32 v2, v7;
	v5 =	vmax.f32 v5, $0.0e+00;
	[tilespmem:s30+$0x3020] =	vst v4  }
0x86: {  	v1 =	vadd.f32 v1, v6;
	v3 =	vmax.f32 v3, $0.0e+00;
	[tilespmem:s30+$0x3030] =	vst v5  }
0x87: {  	v0 =	vadd.f32 v0, v13;
	v2 =	vmax.f32 v2, $0.0e+00;
	[tilespmem:s30+$0x3040] =	vst v3  }
0x88: {  	v1 =	vmax.f32 v1, $0.0e+00;
	[tilespmem:s30+$0x3050] =	vst v2  }
0x89: {  	v0 =	vmax.f32 v0, $0.0e+00;
	[tilespmem:s30+$0x3060] =	vst v1  }
0x8a: {  	s0 =	sor.u32 $0x800, s29;
	s28 =	sadd.s32 $0x1, s28;
	[tilespmem:s30+$0x3070] =	vst v0  }
0x8b: {  	[spmem:s2] =	stream.indirect.scatter.add.f32 [tilespmem:s19], [sflag:$0x6], $0x80, s0, s16, $0xb8;
	[tilespmem:$0x1CC00] =	vst v63  }
0x8c: {  	p0 =	sne.s32 s28, $0x50;
	_ =	swait.ge [sflag:s25], $0x2000  }
.Ltmp2:
0x8d: {  	[sflag:s25] =	ssyncset.done $0x0;
	(pc) =	sbr.rel @p0 .LBB2_2-.Ltmp2, $4  }
0x8e: {  	[sflag:s25] =	ssyncadd.s32 $0xFFFFE000  }
0x8f: {  	_ =	swait.ge [sflag:s26], $0x2000  }
0x90: {  	[sflag:s26] =	ssyncset.done $0x0  }
0x91: {  	[sflag:s26] =	ssyncadd.s32 $0xFFFFE000  }
0x92: {  	s4 =	sadd.s32 $0x1, s4  }
0x93: {  	[bflag:$0x0] =	sbarrier.arrive $0xFFFF;
	p0 =	sne.s32 s4, s13  }
.Ltmp3:
0x94: {  	s0 =	rddreg [dreg:$0x5];
	(pc) =	sbr.rel @p0 .LBB2_1-.Ltmp3, $4  }
0x95: {  	[hbm:s0], [sflag:s10] =	dma.local [spmem:s14], $0x2780  }
0x96: {  	_ =	swait.ge [sflag:s15], $0x2780  }
0x97: {  	[sflag:s15] =	ssyncset.done $0x0  }
0x98: {  	[sflag:s15] =	ssyncadd.s32 $0xFFFFD880  }
0x99: {  	_ =	sfence.sel $0x180000  }
0x9a: {  	[bflag:$0x0] =	sbarrier.arrive $0xFFFF  }
0x9b: {  	_ =	strace $0x90000047  }
0x9c: {  	s0 =	stileid.u32;
	[bflag:$0x2] =	sbarrier.arrive $0xFFFF  }
0x9d: {  	p0 =	sne.s32 s0, $0x0;
	s0 =	rddreg [dreg:$0x3]  }
0x9e: {  	s0 =	sadd.s32 @!p0 $0x100000, s0  }
0x9f: {  	[sflag:s0] =	ssyncadd.tile.s32 @!p0 $0x1;
	_ =	shalt  }
.Lfunc_end2:
_tile_overlayer_lowered:
.L_overlay_start_2:
0xa0: {  	(tag) =	ssettag $0x2  }
0xa1: {  	s0 =	rddreg [dreg:$0x0];
	s2 =	stileid.u32  }
0xa2: {  	s1 =	rddreg [dreg:$0x1];
	p0 =	sne.s32 s2, $0x0  }
0xa3: {  	s3 =	rddreg [dreg:$0x2];
	[bflag:$0x3] =	sbarrier.arrive $0xFFFF;
	s2 =	simm.s32 @!p0 $0x1C07  }
0xa4: {  	[timem:s3], [sflag:s2] =	dma.local @!p0 [hbm:s0], s1  }
0xa5: {  	s0 =	simm.s32 @!p0 $0x7  }
0xa6: {  	_ =	swait.ge @!p0 [sflag:s0], s1  }
0xa7: {  	s1 =	ssub.s32 @!p0 $0x0, s1;
	[sflag:s0] =	ssyncset.done @!p0 $0x0  }
0xa8: {  	[sflag:s0] =	ssyncadd.s32 @!p0 s1  }
0xa9: {  	[bflag:$0x3] =	sbarrier.arrive $0xFFFF  }
0xaa: {  	_ =	shalt  }

// kernel: kernel.13.cloned.1.call-start
scs
__scs_entry_jumppad:
0x0: {  	(pc) =	sbr.rel $0x88, $3  }
0x1: {  	(tag) =	ssettag $0x0;
	lr =	simm.s32 $0x1  }
0x2: {  	[smem:$0x3F82] =	sst lr;
	_ =	strace $0xD0000000  }
0x3: {  	_ = 	snop  }
0x4: {  	_ = 	snop  }
0x5: {  	_ = 	snop  }
0x6: {  	_ = 	snop  }
0x7: {  	_ = 	snop  }
__scs_overlays_trampoline_lowered:
0x8: {  	[smem:$0x3F91] =	sst s0  }
0x9: {  	[smem:$0x3F92] =	sst s1  }
0xa: {  	[smem:$0x3F93] =	sst s2  }
0xb: {  	[smem:$0x3F94] =	sst s3  }
0xc: {  	[smem:$0x3F95] =	sst s4  }
0xd: {  	[smem:$0x3F96] =	sst s5  }
0xe: {  	[smem:$0x3F97] =	sst s6  }
0xf: {  	[smem:$0x3F98] =	sst s7  }
0x10: {  	[smem:$0x3F99] =	sst s8  }
0x11: {  	[smem:$0x3F9A] =	sst s9;
	s0 =	simm.s32 @!p0 $0x0  }
0x12: {  	s1 =	sld [smem:$0x3F80];
	s0 =	simm.s32 @p0 $0x1  }
0x13: {  	[smem:$0x3F9B] =	sst s0;
	s0 =	simm.s32 @!p1 $0x0  }
0x14: {  	s2 =	sld [smem:$0x3F7F];
	s0 =	simm.s32 @p1 $0x1  }
0x15: {  	[smem:$0x3F9C] =	sst s0;
	s0 =	simm.s32 @!p2 $0x0  }
0x16: {  	s3 =	sld [smem:$0x3FDB];
	s0 =	simm.s32 @p2 $0x1  }
0x17: {  	s4 =	simm.s32 $0x1BF5;
	[smem:$0x3F9E] =	sst s0  }
0x18: {  	s0 =	sld [smem:$0x3F81];
	_ =	swait.ge [sflag:s4], $0x0  }
0x19: {  	s7 =	sld [smem:$0x3F82]  }
0x1a: {  	s8 =	sadd.s32 $0xFFFFE003, lr  }
0x1b: {  	s9 =	sadd.s32 $0xFFFFFEF7, lr;
	s5 =	simm.s32 $0xFFFFFFFF;
	p2 =	slt.u32 s8, $0xFFFFF086  }
0x1c: {  	p1 =	slt.u32 s9, $0xF7A;
	s5 =	simm.s32 @!p2 $0x0  }
0x1d: {  	s5 =	simm.s32 @p1 $0x1;
	p0 =	seq.s32 s7, s2  }
0x1e: {  	s7 =	smul.u32 @!p0 $0xF7A, s2;
	p2 =	seq.s32 @!p0 s5, $0x0  }
0x1f: {  	s9 =	smul.u32 $0xF7A, s1;
	s8 =	simm.s32 @!p0 $0x1BF5;
	p2 =	por !p2, p0  }
0x20: {  	[sflag:s8] =	ssyncset.s32 @!p0 $0xFFFFF086;
	s6 =	sadd.s32 @!p0 s3, s7;
	s7 =	simm.s32 @!p0 $0x108  }
0x21: {  	s3 =	sadd.s32 s3, s9;
	s6 =	sadd.s32 @!p0 $0x88, s6;
	s7 =	simm.s32 @p2 $0x1082  }
0x22: {  	[simem:s7], [sflag:s8] =	dma.local @!p0 [hbm:s6], $0xF7A  }
0x23: {  	s9 =	sor.u32 $0xD0000000, s2;
	s6 =	simm.s32 $0x108;
	_ =	swait.ge @!p0 [sflag:s8], $0x0  }
0x24: {  	s3 =	sadd.s32 $0x88, s3;
	s6 =	simm.s32 @!p1 $0x1082;
	[sflag:s4] =	ssyncset.s32 $0xFFFFF086  }
0x25: {  	[simem:s6], [sflag:s4] =	dma.local [hbm:s3], $0xF7A  }
0x26: {  	[smem:$0x3F82] =	sst s1;
	(tag) =	ssettag s2;
	_ =	strace s9  }
0x27: {  	s1 =	sld [smem:$0x3F92]  }
0x28: {  	s2 =	sld [smem:$0x3F93]  }
0x29: {  	s4 =	sld [smem:$0x3F95]  }
0x2a: {  	p0 =	seq.s32 s5, $0x0;
	s5 =	sld [smem:$0x3F96]  }
0x2b: {  	s6 =	sld [smem:$0x3F97]  }
0x2c: {  	s7 =	sld [smem:$0x3F98]  }
0x2d: {  	s3 =	simm.s32 $0x108;
	s8 =	sld [smem:$0x3F99]  }
0x2e: {  	s3 =	simm.s32 @!p0 $0x1082;
	s9 =	sld [smem:$0x3F9A]  }
0x2f: {  	lr =	sadd.s32 s0, s3;
	s0 =	sld [smem:$0x3F91]  }
0x30: {  	s3 =	sld [smem:$0x3F94]  }
0x31: {  	[smem:$0x3F9D] =	sst s10  }
0x32: {  	s10 =	sld [smem:$0x3F9B];
	_ =	sdelay $0x3  }
0x33: {  	p0 =	seq.s32 s10, $0x1;
	s10 =	sld [smem:$0x3F9D];
	_ =	sdelay $0x3  }
0x34: {  	[smem:$0x3F9D] =	sst s10  }
0x35: {  	s10 =	sld [smem:$0x3F9C];
	_ =	sdelay $0x3  }
0x36: {  	p1 =	seq.s32 s10, $0x1;
	s10 =	sld [smem:$0x3F9D];
	_ =	sdelay $0x3  }
0x37: {  	[smem:$0x3F9D] =	sst s10  }
0x38: {  	s10 =	sld [smem:$0x3F9E]  }
0x39: {  	_ = 	snop;
	(pc) =	sbr.ind lr, $3  }
0x3a: {  	_ = 	snop  }
0x3b: {  	_ = 	snop  }
0x3c: {  	p2 =	seq.s32 s10, $0x1;
	s10 =	sld [smem:$0x3F9D]  }
0x3d: {  	_ =	shalt  }
0x3e: {  	_ =	shalt  }
0x3f: {  	_ =	shalt  }
0x40: {  	_ =	shalt  }
0x41: {  	_ =	shalt  }
0x42: {  	_ =	shalt  }
0x43: {  	_ =	shalt  }
0x44: {  	_ =	shalt  }
0x45: {  	_ =	shalt  }
0x46: {  	_ =	shalt  }
0x47: {  	_ =	shalt  }
0x48: {  	_ =	shalt  }
0x49: {  	_ =	shalt  }
0x4a: {  	_ =	shalt  }
0x4b: {  	_ =	shalt  }
0x4c: {  	_ =	shalt  }
0x4d: {  	_ =	shalt  }
0x4e: {  	_ =	shalt  }
0x4f: {  	_ =	shalt  }
0x50: {  	_ =	shalt  }
0x51: {  	_ =	shalt  }
0x52: {  	_ =	shalt  }
0x53: {  	_ =	shalt  }
0x54: {  	_ =	shalt  }
0x55: {  	_ =	shalt  }
0x56: {  	_ =	shalt  }
0x57: {  	_ =	shalt  }
0x58: {  	_ =	shalt  }
0x59: {  	_ =	shalt  }
0x5a: {  	_ =	shalt  }
0x5b: {  	_ =	shalt  }
0x5c: {  	_ =	shalt  }
0x5d: {  	_ =	shalt  }
0x5e: {  	_ =	shalt  }
0x5f: {  	_ =	shalt  }
0x60: {  	_ =	shalt  }
0x61: {  	_ =	shalt  }
0x62: {  	_ =	shalt  }
0x63: {  	_ =	shalt  }
0x64: {  	_ =	shalt  }
0x65: {  	_ =	shalt  }
0x66: {  	_ =	shalt  }
0x67: {  	_ =	shalt  }
0x68: {  	_ =	shalt  }
0x69: {  	_ =	shalt  }
0x6a: {  	_ =	shalt  }
0x6b: {  	_ =	shalt  }
0x6c: {  	_ =	shalt  }
0x6d: {  	_ =	shalt  }
0x6e: {  	_ =	shalt  }
0x6f: {  	_ =	shalt  }
0x70: {  	_ =	shalt  }
0x71: {  	_ =	shalt  }
0x72: {  	_ =	shalt  }
0x73: {  	_ =	shalt  }
0x74: {  	_ =	shalt  }
0x75: {  	_ =	shalt  }
0x76: {  	_ =	shalt  }
0x77: {  	_ =	shalt  }
0x78: {  	_ =	shalt  }
0x79: {  	_ =	shalt  }
0x7a: {  	_ =	shalt  }
0x7b: {  	_ =	shalt  }
0x7c: {  	_ =	shalt  }
0x7d: {  	_ =	shalt  }
0x7e: {  	_ =	shalt  }
0x7f: {  	_ =	shalt  }
0x80: {  	_ =	shalt  }
0x81: {  	_ =	shalt  }
0x82: {  	_ =	shalt  }
0x83: {  	_ =	shalt  }
0x84: {  	_ =	shalt  }
0x85: {  	_ =	shalt  }
0x86: {  	_ =	shalt  }
0x87: {  	_ =	shalt  }
.Lfunc_end0:
.L_simem_size_0:
called_computation.1_lowered:
.L_overlay_start_0:
0x88: {  	s2 =	sld [smem:$0x3FD9]  }
0x89: {  	s3 =	sld [smem:$0x3FFE];
	_ =	sdelay $0x1  }
0x8a: {  	s1 =	srdreg.scid  }
0x8b: {  	s0 =	sand.u32 $0x1, s1  }
0x8c: {  	s17 =	sshll.u32 s0, $0xA;
	s2 =	sadd.s32 s3, s2  }
0x8d: {  	s2 =	sadd.s32 s2, s17  }
0x8e: {  	[smem:$0x3FA9] =	sst s2  }
0x8f: {  	_ = 	snop  }
0x90: {  	s2 =	sld [smem:$0x3FD0];
	(tm) =	ssettm $0x1  }
0x91: {  	s18 =	sld [smem:$0x3FFB];
	_ =	sdelay $0x3  }
0x92: {  	_ =	strace s18  }
0x93: {  	s3 =	sld [smem:$0x3FFC];
	_ =	sdelay $0x3  }
0x94: {  	_ =	strace s3  }
0x95: {  	s3 =	sld [smem:$0x3FFD];
	_ =	sdelay $0x3  }
0x96: {  	_ =	strace s3  }
0x97: {  	_ =	strace $0x8FFFFFFF  }
0x98: {  	s19 =	sld [smem:$0x3FDB];
	_ =	sdelay $0x1  }
0x99: {  	s4 =	simm.s32 $_scs_section_size  }
0x9a: {  	s5 =	simm.s32 $_size__tile_overlayer_lowered;
	s6 =	simm.s32 $_tile_overlayer_lowered  }
0x9b: {  	s22 =	simm.s32 $0x1BFF;
	s21 =	sshll.u32 s6, $0x1;
	s3 =	sadd.s32 s4, s19  }
0x9c: {  	s7 =	simm.s32 $0x0;
	s20 =	sshll.u32 s5, $0x1;
	s5 =	sadd.s32 s21, s3  }
0x9d: {  	[timem:s7], [sflag:s22] =	dma.local [hbm:s5], s20  }
0x9e: {  	_ =	swait.ge [sflag:s22], s20  }
0x9f: {  	s4 =	ssub.s32 $0x0, s20;
	[sflag:s22] =	ssyncset.done $0x0  }
0xa0: {  	[sflag:s22] =	ssyncadd.s32 s4;
	_ =	sdelay $0x1  }
0xa1: {  	s23 =	simm.s32 $0x1B8B  }
0xa2: {  	_ =	swait.ge [sflag:s23], $0x1  }
0xa3: {  	[sflag:s23] =	ssyncset.done $0x0  }
0xa4: {  	s25 =	simm.s32 $0x1B8E;
	s24 =	sld [smem:$0x3FFE];
	[sflag:s23] =	ssyncadd.s32 $0xFFFFFFFF  }
0xa5: {  	s26 =	simm.s32 $execute0_lowered;
	[smem:$0x3FD2] =	sst s25  }
0xa6: {  	s5 =	sshll.u32 s26, $0x1;
	_ =	strace $0x80000049;
	[dreg:$0x1] =	wrdreg $0xFFFFFFFF  }
0xa7: {  	s28 =	simm.s32 $_size_execute0_lowered;
	s3 =	sadd.s32 s3, s5;
	[dreg:$0x0] =	wrdreg $0x0  }
0xa8: {  	s5 =	sshll.u32 s28, $0x1;
	[dreg:$0x2] =	wrdreg s3  }
0xa9: {  	[dreg:$0x3] =	wrdreg s5  }
0xaa: {  	[dreg:$0x4] =	wrdreg $0xC0  }
0xab: {  	_ =	task [dreg:s7], $0x5FFFF  }
0xac: {  	[dreg:$0x1] =	wrdreg $0xFFFFFFFF  }
0xad: {  	[dreg:$0x0] =	wrdreg $0x60  }
0xae: {  	[dreg:$0x2] =	wrdreg s2  }
0xaf: {  	[dreg:$0x3] =	wrdreg s24  }
0xb0: {  	[dreg:$0x4] =	wrdreg $0x90000  }
0xb1: {  	[dreg:$0x5] =	wrdreg $0x9  }
0xb2: {  	_ =	task.clear_ibuf [dreg:s7], $0x6FFFF;
	_ =	strace $0x90000049  }
0xb3: {  	s29 =	simm.s32 $0x9;
	_ =	strace $0x8000004B  }
0xb4: {  	_ =	swait.ge [sflag:s29], $0x1  }
0xb5: {  	[sflag:s29] =	ssyncadd.s32 $0xFFFFFFFF  }
0xb6: {  	_ =	strace $0x9000004B  }
0xb7: {  	_ =	sfence  }
0xb8: {  	s30 =	sld [smem:$0x0];
	_ =	sdelay $0x2  }
0xb9: {  	s31 =	sshll.u32 s1, $0xD;
	s1 =	sshrl.u32 s1, $0x2  }
0xba: {  	s3 =	sand.u32 $0x4000, s31;
	s1 =	sadd.s32 s1, s30  }
0xbb: {  	s0 =	sor.u32 s3, s0;
	s1 =	sshll.u32 s1, $0x11  }
0xbc: {  	s0 =	sor.u32 s1, s0  }
0xbd: {  	s0 =	sadd.s32 $0x8F2B, s0  }
0xbe: {  	[sflag:s0] =	ssyncadd.remote.s32 $0x1  }
0xbf: {  	_ =	sfence.sel $0xFFFF  }
0xc0: {  	[dreg:$0x0] =	wrdreg $0xFFFFFFFF;
	(pc) =	sbr.abs _section_cstart, $3  }
0xc1: {  	[dreg:$0x1] =	wrdreg $0xFFFFFFFF  }
0xc2: {  	_ =	task.clear_ibuf [dreg:s7], $0x2FFFF;
	_ =	strace $0x9FFFFFFF  }
0xc3: {  	(tm) =	ssettm $0x7FFFFFFF  }
tec
execute0_lowered:
.L_overlay_start_1:
0x0: {  	(tag) =	ssettag $0x1  }
0x1: {  	s1 =	rddreg [dreg:$0x0]  }
0x2: {  	s6 =	rddreg [dreg:$0x1];
	s0 =	stileid.u32  }
0x3: {  	s2 =	srdreg.scid;
	s3 =	rddreg [dreg:$0x2];
	s4 =	simm.s32 $0x0  }
0x4: {  	s15 =	simm.s32 $0x5000;
	s16 =	simm.s32 $0x3000;
	s17 =	simm.s32 $0x7000  }
0x5: {  	s18 =	simm.s32 $0x1;
	s19 =	simm.s32 $0x3;
	s5 =	smul.u32 $0x1400, s0  }
0x6: {  	s20 =	simm.s32 $0x2;
	s21 =	simm.s32 $0x4;
	s7 =	smul.u32 $0x50000, s0  }
0x7: {  	s22 =	simm.s32 $0x5;
	s23 =	simm.s32 $0x6;
	s10 =	smul.u32 $0x13C00, s0  }
0x8: {  	s24 =	simm.s32 $0x0;
	s8 =	sand.u32 $0x1, s2;
	s13 =	smul.u32 $0x4F000, s0  }
0x9: {  	[smem:$0x7FF] =	sst s4;
	s30 =	sshll.u32 s0, $0x6;
	s9 =	smul.u32 $0x13C000, s8  }
0xa: {  	_ =	strace $0x8000004A;
	s26 =	ssub.s32 $0x2, s8;
	s28 =	smul.u32 $0x28000, s8  }
0xb: {  	s8 =	smul.u32 $0xA00, s8;
	s11 =	sadd.s32 s5, s6;
	s7 =	sadd.s32 s7, s6  }
0xc: {  	s5 =	sadd.s32 $0x2F200, s6;
	s12 =	sshrl.u32 s26, $0x1;
	s29 =	sshrl.u32 s13, $0x2  }
0xd: {  	s13 =	simm.s32 $0x40;
	s9 =	sadd.s32 s10, s9;
	s10 =	ssub.s32 s26, s12  }
0xe: {  	s14 =	sadd.s32 s29, s3;
	s12 =	sadd.s32 s28, s7;
	s11 =	sadd.s32 s8, s11  }
0xf: {  	s9 =	sshrl.u32 s9, $0x3;
	s31 =	sadd.s32 $0xF11200, s12;
	s8 =	smax.u32 s10, $0x1  }
0x10: {  	s10 =	sadd.s32 $0x1B200, s11;
	s12 =	simm.s32 $0x7;
	s9 =	sadd.s32 s9, s6  }
0x11: {  	s6 =	sor.u32 $0x1C07, s30;
	[dreg:$0x4] =	wrdreg s31;
	s7 =	sadd.s32 $0x31A00, s9  }
0x12: {  	s9 =	sadd.s32 $0x7200, s11;
	s11 =	sshrl.u32 s14, $0x3;
	s14 =	simm.s32 $0x1000  }
.LBB2_1:
0x13: {  	[spmem:s11], [sflag:s6] =	dma.local [hbm:s5], $0x2780  }
0x14: {  	_ =	swait.ge [sflag:s12], $0x2780  }
0x15: {  	[sflag:s12] =	ssyncset.done $0x0  }
0x16: {  	s25 =	smov.u32 s10;
	s26 =	smov.u32 s9;
	[sflag:s12] =	ssyncadd.s32 $0xFFFFD880  }
0x17: {  	s28 =	simm.s32 $0x0;
	s29 =	simm.s32 $0x0;
	[bflag:$0x0] =	sbarrier.arrive $0xFFFF  }
.LBB2_2:
0x18: {  	s30 =	sand.u32 $0xE, s28  }
0x19: {  	p0 =	sne.s32 s30, $0x0  }
0x1a: {  	s31 =	simm.s32 @!p0 $0x0;
	s2 =	simm.s32 @!p0 $0x7  }
0x1b: {  	[tilespmem:s31], [sflag:$0x7] =	stream.linear.gather @!p0 [hbm4b:s26+s31], $0x800, $0x38;
	[tilespmem:$0x1CC00] =	vst v63  }
0x1c: {  	_ =	swait.ge @!p0 [sflag:s2], $0x800  }
0x1d: {  	[sflag:s2] =	ssyncset.done @!p0 $0x0  }
0x1e: {  	s0 =	simm.s32 @!p0 $0x800;
	[sflag:s2] =	ssyncadd.s32 @!p0 $0xFFFFF800  }
0x1f: {  	[tilespmem:s0], [sflag:$0x7] =	stream.linear.gather @!p0 [hbm4b:s25+s31], $0x800, $0x38;
	[tilespmem:$0x1CC00] =	vst v63  }
0x20: {  	_ =	swait.ge @!p0 [sflag:s2], $0x800  }
0x21: {  	[sflag:s2] =	ssyncset.done @!p0 $0x0  }
0x22: {  	s30 =	sshll.u32 s30, $0x7;
	s31 =	rddreg [dreg:$0x4];
	[sflag:s2] =	ssyncadd.s32 @!p0 $0xFFFFF800  }
0x23: {  	[tilespmem:s14], [sflag:$0x1] =	stream.indirect.gather [hbm4b:s1+s13], $0x80, s30, s13, $0xb8;
	[tilespmem:$0x1CC00] =	vst v63  }
0x24: {  	s0 =	sadd.s32 s29, s31  }
0x25: {  	[tilespmem:s15], [sflag:$0x3] =	stream.linear.gather [hbm4b:s0+s4], $0x2000, $0x38;
	[tilespmem:$0x1CC00] =	vst v63  }
0x26: {  	s31 =	sor.u32 $0x80, s30  }
0x27: {  	[tilespmem:s16], [sflag:$0x2] =	stream.indirect.gather [hbm4b:s1+s13], $0x80, s31, s13, $0xb8;
	[tilespmem:$0x1CC00] =	vst v63  }
0x28: {  	s0 =	sadd.s32 $0x400, s0  }
0x29: {  	[tilespmem:s17], [sflag:$0x4] =	stream.linear.gather [hbm4b:s0+s4], $0x2000, $0x38;
	[tilespmem:$0x1CC00] =	vst v63  }
0x2a: {  	_ =	swait.ge [sflag:s18], $0x2000  }
0x2b: {  	[sflag:s18] =	ssyncset.done $0x0  }
0x2c: {  	[sflag:s18] =	ssyncadd.s32 $0xFFFFE000  }
0x2d: {  	_ =	swait.ge [sflag:s19], $0x2000  }
0x2e: {  	[sflag:s19] =	ssyncset.done $0x0  }
0x2f: {  	[sflag:s19] =	ssyncadd.s32 $0xFFFFE000  }
0x30: {  	v42 =	vld [tilespmem:$0x1000]  }
0x31: {  	v43 =	vld [tilespmem:$0x1080]  }
0x32: {  	v44 =	vld [tilespmem:$0x1100]  }
0x33: {  	v45 =	vld [tilespmem:$0x1180]  }
0x34: {  	v46 =	vld [tilespmem:$0x1200]  }
0x35: {  	v47 =	vld [tilespmem:$0x1280]  }
0x36: {  	v48 =	vld [tilespmem:$0x1300]  }
0x37: {  	v49 =	vld [tilespmem:$0x1380]  }
0x38: {  	v50 =	vld [tilespmem:$0x1400]  }
0x39: {  	v51 =	vld [tilespmem:$0x1480]  }
0x3a: {  	v52 =	vld [tilespmem:$0x1500]  }
0x3b: {  	v53 =	vld [tilespmem:$0x1580]  }
0x3c: {  	v54 =	vld [tilespmem:$0x1600]  }
0x3d: {  	v55 =	vld [tilespmem:$0x1680]  }
0x3e: {  	v56 =	vld [tilespmem:$0x1700]  }
0x3f: {  	v57 =	vld [tilespmem:$0x1780]  }
0x40: {  	v58 =	vld [tilespmem:$0x1800]  }
0x41: {  	v59 =	vld [tilespmem:$0x1880]  }
0x42: {  	v60 =	vld [tilespmem:$0x1900]  }
0x43: {  	v61 =	vld [tilespmem:$0x1980]  }
0x44: {  	v62 =	vld [tilespmem:$0x1A00]  }
0x45: {  	v63 =	vld [tilespmem:$0x1A80]  }
0x46: {  	v41 =	vld [tilespmem:$0x1B00]  }
0x47: {  	v40 =	vld [tilespmem:$0x1B80]  }
0x48: {  	v39 =	vld [tilespmem:$0x1C00]  }
0x49: {  	v38 =	vld [tilespmem:$0x1C80]  }
0x4a: {  	v37 =	vld [tilespmem:$0x1D00]  }
0x4b: {  	v36 =	vld [tilespmem:$0x1D80]  }
0x4c: {  	v35 =	vld [tilespmem:$0x1E00]  }
0x4d: {  	v34 =	vld [tilespmem:$0x1E80]  }
0x4e: {  	v33 =	vld [tilespmem:$0x1F00]  }
0x4f: {  	v32 =	vld [tilespmem:$0x1F80]  }
0x50: {  	v31 =	vld [tilespmem:$0x2000]  }
0x51: {  	v30 =	vld [tilespmem:$0x2080]  }
0x52: {  	v29 =	vld [tilespmem:$0x2100]  }
0x53: {  	v28 =	vld [tilespmem:$0x2180]  }
0x54: {  	v27 =	vld [tilespmem:$0x2200]  }
0x55: {  	v26 =	vld [tilespmem:$0x2280]  }
0x56: {  	v25 =	vld [tilespmem:$0x2300]  }
0x57: {  	v24 =	vld [tilespmem:$0x2380]  }
0x58: {  	v23 =	vld [tilespmem:$0x2400]  }
0x59: {  	v22 =	vld [tilespmem:$0x2480]  }
0x5a: {  	v21 =	vld [tilespmem:$0x2500]  }
0x5b: {  	v20 =	vld [tilespmem:$0x2580]  }
0x5c: {  	v19 =	vld [tilespmem:$0x2600]  }
0x5d: {  	v18 =	vld [tilespmem:$0x2680]  }
0x5e: {  	v17 =	vld [tilespmem:$0x2700]  }
0x5f: {  	v16 =	vld [tilespmem:$0x2780]  }
0x60: {  	v15 =	vld [tilespmem:$0x2800]  }
0x61: {  	v14 =	vld [tilespmem:$0x2880]  }
0x62: {  	v13 =	vld [tilespmem:$0x2900]  }
0x63: {  	v12 =	vld [tilespmem:$0x2980]  }
0x64: {  	v11 =	vld [tilespmem:$0x2A00]  }
0x65: {  	v10 =	vld [tilespmem:$0x2A80]  }
0x66: {  	v9 =	vld [tilespmem:$0x2B00]  }
0x67: {  	v8 =	vld [tilespmem:$0x2B80]  }
0x68: {  	v7 =	vld [tilespmem:$0x2C00]  }
0x69: {  	v0 =	vld [tilespmem:$0x2D80]  }
0x6a: {  	v4 =	vld [tilespmem:$0x2E00]  }
0x6b: {  	v1 =	vld [tilespmem:$0x5080]  }
0x6c: {  	v2 =	vld [tilespmem:$0x5100]  }
0x6d: {  	v6 =	vld [tilespmem:$0x2C80]  }
0x6e: {  	v3 =	vld [tilespmem:$0x5180]  }
0x6f: {  	[tilespmem:$0x1FF70] =	vst v4;
	v4 =	vld [tilespmem:$0x2E80]  }
0x70: {  	[tilespmem:$0x1FF60] =	vst v0;
	v0 =	vld [tilespmem:$0x5000]  }
0x71: {  	v1 =	vadd.f32 v1, v43;
	v2 =	vadd.f32 v2, v44;
	v44 =	vld [tilespmem:$0x5380]  }
0x72: {  	v5 =	vld [tilespmem:$0x2D00]  }
0x73: {  	v3 =	vadd.f32 v3, v45;
	v45 =	vmax.f32 v1, $0.0e+00;
	v1 =	vld [tilespmem:$0x5400]  }
0x74: {  	[tilespmem:$0x1FF80] =	vst v4;
	v4 =	vld [tilespmem:$0x2F00]  }
0x75: {  	v0 =	vadd.f32 v0, v42;
	v42 =	vld [tilespmem:$0x5280]  }
0x76: {  	v44 =	vadd.f32 v44, v49;
	v49 =	vld [tilespmem:$0x5680]  }
0x77: {  	v43 =	vld [tilespmem:$0x5300]  }
0x78: {  	v1 =	vadd.f32 v1, v50;
	v50 =	vld [tilespmem:$0x5700]  }
0x79: {  	[tilespmem:$0x1FF90] =	vst v4;
	v4 =	vld [tilespmem:$0x2F80]  }
0x7a: {  	v42 =	vadd.f32 v42, v47;
	v47 =	vmax.f32 v3, $0.0e+00;
	v3 =	vld [tilespmem:$0x5500]  }
0x7b: {  	[tilespmem:$0x1080] =	vst v45;
	v45 =	vadd.f32 v49, v55;
	v55 =	vld [tilespmem:$0x5980]  }
0x7c: {  	[tilespmem:$0x1180] =	vst v47;
	v47 =	vld [tilespmem:$0x5F00];
	v42 =	vmax.f32 v42, $0.0e+00  }
0x7d: {  	v45 =	vmax.f32 v45, $0.0e+00;
	[tilespmem:$0x1280] =	vst v42;
	v42 =	vadd.f32 v50, v56;
	v56 =	vld [tilespmem:$0x5A00]  }
0x7e: {  	[tilespmem:$0x1680] =	vst v45;
	v45 =	vld [tilespmem:$0x5E00]  }
0x7f: {  	v50 =	vld [tilespmem:$0x6000];
	v3 =	vadd.f32 v3, v52  }
0x80: {  	v43 =	vadd.f32 v43, v48;
	v0 =	vmax.f32 v0, $0.0e+00;
	[tilespmem:$0x1FFA0] =	vst v4;
	v4 =	vld [tilespmem:$0x5200]  }
0x81: {  	[tilespmem:$0x1000] =	vst v0;
	v52 =	vld [tilespmem:$0x5800];
	v3 =	vmax.f32 v3, $0.0e+00  }
0x82: {  	v43 =	vmax.f32 v43, $0.0e+00;
	[tilespmem:$0x1500] =	vst v3;
	v3 =	vadd.f32 v55, v61;
	v61 =	vld [tilespmem:$0x5C80]  }
0x83: {  	v44 =	vmax.f32 v44, $0.0e+00;
	[tilespmem:$0x1300] =	vst v43;
	v55 =	vld [tilespmem:$0x6200]  }
0x84: {  	[tilespmem:$0x1380] =	vst v44;
	v1 =	vmax.f32 v1, $0.0e+00;
	v31 =	vadd.f32 v50, v31;
	v50 =	vld [tilespmem:$0x6D00]  }
0x85: {  	[tilespmem:$0x1400] =	vst v1;
	v42 =	vmax.f32 v42, $0.0e+00;
	v4 =	vadd.f32 v4, v46;
	v46 =	vmax.f32 v2, $0.0e+00;
	v2 =	vld [tilespmem:$0x5480]  }
0x86: {  	[tilespmem:$0x1700] =	vst v42;
	v44 =	vadd.f32 v52, v58;
	v58 =	vld [tilespmem:$0x5B00]  }
0x87: {  	v3 =	vmax.f32 v3, $0.0e+00;
	v52 =	vld [tilespmem:$0x6080];
	[tilespmem:$0x1100] =	vst v46  }
0x88: {  	[tilespmem:$0x1980] =	vst v3;
	v48 =	vmax.f32 v4, $0.0e+00;
	v4 =	vld [tilespmem:$0x5580]  }
0x89: {  	v31 =	vmax.f32 v31, $0.0e+00;
	v3 =	vadd.f32 v45, v35;
	[tilespmem:$0x1200] =	vst v48;
	v48 =	vld [tilespmem:$0x5600]  }
0x8a: {  	v46 =	vld [tilespmem:$0x5E80];
	[tilespmem:$0x2000] =	vst v31;
	v44 =	vmax.f32 v44, $0.0e+00;
	v5 =	vadd.f32 v50, v5  }
0x8b: {  	[tilespmem:$0x1800] =	vst v44;
	v38 =	vadd.f32 v61, v38;
	v3 =	vmax.f32 v3, $0.0e+00;
	v61 =	vld [tilespmem:$0x6480];
	v2 =	vadd.f32 v2, v51  }
0x8c: {  	[tilespmem:$0x1E00] =	vst v3;
	v51 =	vld [tilespmem:$0x5780];
	v41 =	vadd.f32 v58, v41;
	v5 =	vmax.f32 v5, $0.0e+00  }
0x8d: {  	v35 =	vld [tilespmem:$0x6680];
	[tilespmem:$0x2D00] =	vst v5;
	v4 =	vadd.f32 v4, v53;
	v2 =	vmax.f32 v2, $0.0e+00  }
0x8e: {  	v53 =	vld [tilespmem:$0x5880];
	v41 =	vmax.f32 v41, $0.0e+00;
	v0 =	vadd.f32 v48, v54;
	[tilespmem:$0x1480] =	vst v2  }
0x8f: {  	v54 =	vld [tilespmem:$0x5900];
	[tilespmem:$0x1B00] =	vst v41;
	v4 =	vmax.f32 v4, $0.0e+00  }
0x90: {  	v45 =	vld [tilespmem:$0x6A80];
	v22 =	vadd.f32 v61, v22;
	v0 =	vmax.f32 v0, $0.0e+00;
	[tilespmem:$0x1580] =	vst v4  }
0x91: {  	v48 =	vld [tilespmem:$0x5F80];
	v43 =	vadd.f32 v51, v57;
	v51 =	vmax.f32 v38, $0.0e+00;
	[tilespmem:$0x1600] =	vst v0  }
0x92: {  	v41 =	vld [tilespmem:$0x6900];
	v4 =	vadd.f32 v56, v62;
	v22 =	vmax.f32 v22, $0.0e+00;
	[tilespmem:$0x1C80] =	vst v51  }
0x93: {  	v57 =	vld [tilespmem:$0x5A80];
	[tilespmem:$0x2480] =	vst v22;
	v1 =	vadd.f32 v53, v59;
	v43 =	vmax.f32 v43, $0.0e+00  }
0x94: {  	v62 =	vld [tilespmem:$0x5D00];
	v4 =	vmax.f32 v4, $0.0e+00;
	v2 =	vadd.f32 v54, v60;
	[tilespmem:$0x1780] =	vst v43  }
0x95: {  	v56 =	vld [tilespmem:$0x6280];
	[tilespmem:$0x1A00] =	vst v4;
	v4 =	vadd.f32 v46, v34;
	v1 =	vmax.f32 v1, $0.0e+00  }
0x96: {  	v44 =	vld [tilespmem:$0x6A00];
	v32 =	vadd.f32 v48, v32;
	v2 =	vmax.f32 v2, $0.0e+00;
	[tilespmem:$0x1880] =	vst v1  }
0x97: {  	v59 =	vld [tilespmem:$0x5B80];
	v13 =	vadd.f32 v41, v13;
	v4 =	vmax.f32 v4, $0.0e+00;
	[tilespmem:$0x1900] =	vst v2  }
0x98: {  	v53 =	vld [tilespmem:$0x6100];
	v0 =	vadd.f32 v57, v63;
	v32 =	vmax.f32 v32, $0.0e+00;
	[tilespmem:$0x1E80] =	vst v4  }
0x99: {  	v60 =	vld [tilespmem:$0x5C00];
	v1 =	vadd.f32 v62, v37;
	v13 =	vmax.f32 v13, $0.0e+00;
	[tilespmem:$0x1F80] =	vst v32  }
0x9a: {  	v58 =	vld [tilespmem:$0x6380];
	v3 =	vadd.f32 v56, v26;
	[tilespmem:$0x2900] =	vst v13;
	v0 =	vmax.f32 v0, $0.0e+00  }
0x9b: {  	v30 =	vadd.f32 v52, v30;
	v52 =	vld [tilespmem:$0x6D80];
	v11 =	vadd.f32 v44, v11;
	v1 =	vmax.f32 v1, $0.0e+00;
	[tilespmem:$0x1A80] =	vst v0  }
0x9c: {  	v54 =	vld [tilespmem:$0x6180];
	v3 =	vmax.f32 v3, $0.0e+00;
	[tilespmem:$0x1D00] =	vst v1  }
0x9d: {  	v43 =	vld [tilespmem:$0x6980];
	v40 =	vadd.f32 v59, v40;
	v29 =	vadd.f32 v53, v29;
	v53 =	vmax.f32 v11, $0.0e+00;
	[tilespmem:$0x2280] =	vst v3  }
0x9e: {  	v63 =	vld [tilespmem:$0x5D80];
	v39 =	vadd.f32 v60, v39;
	v60 =	vmax.f32 v30, $0.0e+00;
	[tilespmem:$0x2A00] =	vst v53  }
0x9f: {  	v57 =	vld [tilespmem:$0x6300];
	v40 =	vmax.f32 v40, $0.0e+00;
	[tilespmem:$0x2080] =	vst v60  }
0xa0: {  	v61 =	vld [tilespmem:$0x1FF90];
	v0 =	vadd.f32 v47, v33;
	v62 =	vmax.f32 v29, $0.0e+00;
	[tilespmem:$0x1B80] =	vst v40  }
0xa1: {  	v34 =	vld [tilespmem:$0x6600];
	v1 =	vadd.f32 v54, v28;
	v49 =	vmax.f32 v39, $0.0e+00;
	[tilespmem:$0x2100] =	vst v62  }
0xa2: {  	v59 =	vld [tilespmem:$0x6400];
	v12 =	vadd.f32 v43, v12;
	v0 =	vmax.f32 v0, $0.0e+00;
	[tilespmem:$0x1C00] =	vst v49  }
0xa3: {  	v38 =	vld [tilespmem:$0x6800];
	v2 =	vadd.f32 v63, v36;
	v1 =	vmax.f32 v1, $0.0e+00;
	[tilespmem:$0x1F00] =	vst v0  }
0xa4: {  	v33 =	vld [tilespmem:$0x6580];
	v4 =	vadd.f32 v57, v25;
	v51 =	vmax.f32 v12, $0.0e+00;
	[tilespmem:$0x2180] =	vst v1  }
0xa5: {  	v37 =	vld [tilespmem:$0x6780];
	v0 =	vadd.f32 v58, v24;
	[tilespmem:$0x2980] =	vst v51;
	v2 =	vmax.f32 v2, $0.0e+00  }
0xa6: {  	v46 =	vld [tilespmem:$0x6B00];
	v1 =	vadd.f32 v34, v19;
	v4 =	vmax.f32 v4, $0.0e+00;
	[tilespmem:$0x1D80] =	vst v2  }
0xa7: {  	v48 =	vld [tilespmem:$0x6C00];
	v23 =	vadd.f32 v59, v23;
	v0 =	vmax.f32 v0, $0.0e+00;
	[tilespmem:$0x2300] =	vst v4  }
0xa8: {  	v63 =	vld [tilespmem:$0x6500];
	v2 =	vadd.f32 v55, v27;
	v1 =	vmax.f32 v1, $0.0e+00;
	[tilespmem:$0x2380] =	vst v0  }
0xa9: {  	v36 =	vld [tilespmem:$0x6700];
	v20 =	vadd.f32 v33, v20;
	v23 =	vmax.f32 v23, $0.0e+00;
	[tilespmem:$0x2600] =	vst v1  }
0xaa: {  	v39 =	vld [tilespmem:$0x6880];
	v4 =	vadd.f32 v37, v16;
	v2 =	vmax.f32 v2, $0.0e+00;
	[tilespmem:$0x2400] =	vst v23  }
0xab: {  	v56 =	vld [tilespmem:$0x6F00];
	v0 =	vadd.f32 v38, v15;
	v42 =	vmax.f32 v20, $0.0e+00;
	[tilespmem:$0x2200] =	vst v2  }
0xac: {  	v47 =	vld [tilespmem:$0x6B80];
	v1 =	vadd.f32 v45, v10;
	v4 =	vmax.f32 v4, $0.0e+00;
	[tilespmem:$0x2580] =	vst v42  }
0xad: {  	v49 =	vld [tilespmem:$0x6C80];
	v21 =	vadd.f32 v63, v21;
	v0 =	vmax.f32 v0, $0.0e+00;
	[tilespmem:$0x2780] =	vst v4  }
0xae: {  	v54 =	vld [tilespmem:$0x6E00];
	v3 =	vadd.f32 v36, v17;
	v1 =	vmax.f32 v1, $0.0e+00;
	[tilespmem:$0x2800] =	vst v0  }
0xaf: {  	v60 =	vld [tilespmem:$0x1FF80];
	v14 =	vadd.f32 v39, v14;
	v40 =	vmax.f32 v21, $0.0e+00;
	[tilespmem:$0x2A80] =	vst v1  }
0xb0: {  	v57 =	vld [tilespmem:$0x6F80];
	v2 =	vadd.f32 v35, v18;
	v3 =	vmax.f32 v3, $0.0e+00;
	[tilespmem:$0x2500] =	vst v40  }
0xb1: {  	v59 =	vld [tilespmem:$0x1FF70];
	v4 =	vadd.f32 v48, v7;
	v14 =	vmax.f32 v14, $0.0e+00;
	[tilespmem:$0x2700] =	vst v3  }
0xb2: {  	v55 =	vld [tilespmem:$0x6E80];
	v0 =	vadd.f32 v49, v6;
	v2 =	vmax.f32 v2, $0.0e+00;
	[tilespmem:$0x2880] =	vst v14  }
0xb3: {  	v58 =	vld [tilespmem:$0x1FF60];
	v1 =	vadd.f32 v56, v61;
	v4 =	vmax.f32 v4, $0.0e+00;
	[tilespmem:$0x2680] =	vst v2  }
0xb4: {  	v62 =	vld [tilespmem:$0x1FFA0];
	v3 =	vadd.f32 v47, v8;
	v0 =	vmax.f32 v0, $0.0e+00;
	[tilespmem:$0x2C00] =	vst v4  }
0xb5: {  	v2 =	vadd.f32 v46, v9;
	v1 =	vmax.f32 v1, $0.0e+00;
	[tilespmem:$0x2C80] =	vst v0  }
0xb6: {  	v4 =	vadd.f32 v54, v59;
	v3 =	vmax.f32 v3, $0.0e+00;
	[tilespmem:$0x2F00] =	vst v1  }
0xb7: {  	v0 =	vadd.f32 v55, v60;
	v2 =	vmax.f32 v2, $0.0e+00;
	[tilespmem:$0x2B80] =	vst v3  }
0xb8: {  	v3 =	vadd.f32 v52, v58;
	v4 =	vmax.f32 v4, $0.0e+00;
	[tilespmem:$0x2B00] =	vst v2  }
0xb9: {  	v2 =	vadd.f32 v57, v62;
	v0 =	vmax.f32 v0, $0.0e+00;
	[tilespmem:$0x2E00] =	vst v4  }
0xba: {  	v3 =	vmax.f32 v3, $0.0e+00;
	[tilespmem:$0x2E80] =	vst v0  }
0xbb: {  	[tilespmem:$0x2D80] =	vst v3;
	v63 =	vmax.f32 v2, $0.0e+00  }
0xbc: {  	s2 =	sor.u32 $0x800, s30;
	[tilespmem:$0x2F80] =	vst v63  }
0xbd: {  	[spmem:s3] =	stream.indirect.scatter.add.f32 [tilespmem:s14], [sflag:$0x5], $0x80, s2, s13, $0xb8;
	[tilespmem:$0x1CC00] =	vst v63  }
0xbe: {  	_ =	swait.ge [sflag:s20], $0x2000  }
0xbf: {  	[sflag:s20] =	ssyncset.done $0x0  }
0xc0: {  	[sflag:s20] =	ssyncadd.s32 $0xFFFFE000  }
0xc1: {  	_ =	swait.ge [sflag:s21], $0x2000  }
0xc2: {  	[sflag:s21] =	ssyncset.done $0x0  }
0xc3: {  	[sflag:s21] =	ssyncadd.s32 $0xFFFFE000  }
0xc4: {  	v42 =	vld [tilespmem:$0x3000]  }
0xc5: {  	v43 =	vld [tilespmem:$0x3080]  }
0xc6: {  	v44 =	vld [tilespmem:$0x3100]  }
0xc7: {  	v45 =	vld [tilespmem:$0x3180]  }
0xc8: {  	v46 =	vld [tilespmem:$0x3200]  }
0xc9: {  	v47 =	vld [tilespmem:$0x3280]  }
0xca: {  	v48 =	vld [tilespmem:$0x3300]  }
0xcb: {  	v49 =	vld [tilespmem:$0x3380]  }
0xcc: {  	v50 =	vld [tilespmem:$0x3400]  }
0xcd: {  	v51 =	vld [tilespmem:$0x3480]  }
0xce: {  	v52 =	vld [tilespmem:$0x3500]  }
0xcf: {  	v53 =	vld [tilespmem:$0x3580]  }
0xd0: {  	v54 =	vld [tilespmem:$0x3600]  }
0xd1: {  	v55 =	vld [tilespmem:$0x3680]  }
0xd2: {  	v56 =	vld [tilespmem:$0x3700]  }
0xd3: {  	v57 =	vld [tilespmem:$0x3780]  }
0xd4: {  	v58 =	vld [tilespmem:$0x3800]  }
0xd5: {  	v59 =	vld [tilespmem:$0x3880]  }
0xd6: {  	v60 =	vld [tilespmem:$0x3900]  }
0xd7: {  	v61 =	vld [tilespmem:$0x3980]  }
0xd8: {  	v62 =	vld [tilespmem:$0x3A00]  }
0xd9: {  	v63 =	vld [tilespmem:$0x3A80]  }
0xda: {  	v41 =	vld [tilespmem:$0x3B00]  }
0xdb: {  	v40 =	vld [tilespmem:$0x3B80]  }
0xdc: {  	v39 =	vld [tilespmem:$0x3C00]  }
0xdd: {  	v38 =	vld [tilespmem:$0x3C80]  }
0xde: {  	v37 =	vld [tilespmem:$0x3D00]  }
0xdf: {  	v36 =	vld [tilespmem:$0x3D80]  }
0xe0: {  	v35 =	vld [tilespmem:$0x3E00]  }
0xe1: {  	v34 =	vld [tilespmem:$0x3E80]  }
0xe2: {  	v33 =	vld [tilespmem:$0x3F00]  }
0xe3: {  	v32 =	vld [tilespmem:$0x3F80]  }
0xe4: {  	v31 =	vld [tilespmem:$0x4000]  }
0xe5: {  	v30 =	vld [tilespmem:$0x4080]  }
0xe6: {  	v29 =	vld [tilespmem:$0x4100]  }
0xe7: {  	v28 =	vld [tilespmem:$0x4180]  }
0xe8: {  	v27 =	vld [tilespmem:$0x4200]  }
0xe9: {  	v26 =	vld [tilespmem:$0x4280]  }
0xea: {  	v25 =	vld [tilespmem:$0x4300]  }
0xeb: {  	v24 =	vld [tilespmem:$0x4380]  }
0xec: {  	v23 =	vld [tilespmem:$0x4400]  }
0xed: {  	v22 =	vld [tilespmem:$0x4480]  }
0xee: {  	v21 =	vld [tilespmem:$0x4500]  }
0xef: {  	v20 =	vld [tilespmem:$0x4580]  }
0xf0: {  	v19 =	vld [tilespmem:$0x4600]  }
0xf1: {  	v18 =	vld [tilespmem:$0x4680]  }
0xf2: {  	v17 =	vld [tilespmem:$0x4700]  }
0xf3: {  	v16 =	vld [tilespmem:$0x4780]  }
0xf4: {  	v15 =	vld [tilespmem:$0x4800]  }
0xf5: {  	v14 =	vld [tilespmem:$0x4880]  }
0xf6: {  	v13 =	vld [tilespmem:$0x4900]  }
0xf7: {  	v12 =	vld [tilespmem:$0x4980]  }
0xf8: {  	v11 =	vld [tilespmem:$0x4A00]  }
0xf9: {  	v10 =	vld [tilespmem:$0x4A80]  }
0xfa: {  	v9 =	vld [tilespmem:$0x4B00]  }
0xfb: {  	v8 =	vld [tilespmem:$0x4B80]  }
0xfc: {  	v7 =	vld [tilespmem:$0x4C00]  }
0xfd: {  	v4 =	vld [tilespmem:$0x4D80]  }
0xfe: {  	v0 =	vld [tilespmem:$0x7000]  }
0xff: {  	v1 =	vld [tilespmem:$0x7080]  }
0x100: {  	v6 =	vld [tilespmem:$0x4C80]  }
0x101: {  	v3 =	vld [tilespmem:$0x7180]  }
0x102: {  	v5 =	vld [tilespmem:$0x4D00]  }
0x103: {  	[tilespmem:$0x1FFB0] =	vst v4;
	v4 =	vld [tilespmem:$0x4E00]  }
0x104: {  	v0 =	vadd.f32 v0, v42;
	v42 =	vld [tilespmem:$0x7280];
	v1 =	vadd.f32 v1, v43  }
0x105: {  	v2 =	vld [tilespmem:$0x7100]  }
0x106: {  	v3 =	vadd.f32 v3, v45;
	v45 =	vmax.f32 v1, $0.0e+00;
	v1 =	vld [tilespmem:$0x7400]  }
0x107: {  	v43 =	vld [tilespmem:$0x7300]  }
0x108: {  	[tilespmem:$0x1FFC0] =	vst v4;
	v4 =	vld [tilespmem:$0x4E80]  }
0x109: {  	v42 =	vadd.f32 v42, v47;
	v47 =	vmax.f32 v3, $0.0e+00;
	v3 =	vld [tilespmem:$0x7500]  }
0x10a: {  	v2 =	vadd.f32 v2, v44;
	v44 =	vld [tilespmem:$0x7380]  }
0x10b: {  	v1 =	vadd.f32 v1, v50;
	v50 =	vld [tilespmem:$0x7680]  }
0x10c: {  	[tilespmem:$0x3080] =	vst v45;
	v45 =	vld [tilespmem:$0x8C00]  }
0x10d: {  	[tilespmem:$0x1FFD0] =	vst v4;
	v4 =	vld [tilespmem:$0x4F00]  }
0x10e: {  	v3 =	vadd.f32 v3, v52;
	v52 =	vld [tilespmem:$0x7780]  }
0x10f: {  	v43 =	vadd.f32 v43, v48;
	v48 =	vld [tilespmem:$0x7580];
	v42 =	vmax.f32 v42, $0.0e+00  }
0x110: {  	v44 =	vadd.f32 v44, v49;
	[tilespmem:$0x3280] =	vst v42;
	v42 =	vadd.f32 v50, v55;
	v55 =	vld [tilespmem:$0x7900]  }
0x111: {  	v49 =	vld [tilespmem:$0x7600];
	[tilespmem:$0x3180] =	vst v47  }
0x112: {  	v44 =	vmax.f32 v44, $0.0e+00;
	[tilespmem:$0x1FFE0] =	vst v4;
	v4 =	vld [tilespmem:$0x4F80]  }
0x113: {  	v0 =	vmax.f32 v0, $0.0e+00;
	v47 =	vld [tilespmem:$0x7C00];
	[tilespmem:$0x3380] =	vst v44;
	v44 =	vadd.f32 v52, v57  }
0x114: {  	[tilespmem:$0x3000] =	vst v0;
	v3 =	vmax.f32 v3, $0.0e+00;
	v52 =	vld [tilespmem:$0x7E80]  }
0x115: {  	[tilespmem:$0x3500] =	vst v3;
	v44 =	vmax.f32 v44, $0.0e+00;
	v3 =	vadd.f32 v55, v60;
	v60 =	vld [tilespmem:$0x7B80]  }
0x116: {  	[tilespmem:$0x3780] =	vst v44;
	v44 =	vld [tilespmem:$0x8B80]  }
0x117: {  	v43 =	vmax.f32 v43, $0.0e+00;
	[tilespmem:$0x1FFF0] =	vst v4;
	v4 =	vld [tilespmem:$0x7200]  }
0x118: {  	[tilespmem:$0x3300] =	vst v43;
	v1 =	vmax.f32 v1, $0.0e+00;
	v50 =	vld [tilespmem:$0x7D80]  }
0x119: {  	[tilespmem:$0x3400] =	vst v1;
	v42 =	vmax.f32 v42, $0.0e+00;
	v57 =	vld [tilespmem:$0x7A00];
	v34 =	vadd.f32 v52, v34  }
0x11a: {  	[tilespmem:$0x3680] =	vst v42;
	v3 =	vmax.f32 v3, $0.0e+00;
	v40 =	vadd.f32 v60, v40;
	v60 =	vld [tilespmem:$0x8280]  }
0x11b: {  	v55 =	vld [tilespmem:$0x8000];
	[tilespmem:$0x3900] =	vst v3;
	v34 =	vmax.f32 v34, $0.0e+00  }
0x11c: {  	[tilespmem:$0x3E80] =	vst v34;
	v34 =	vld [tilespmem:$0x8680];
	v8 =	vadd.f32 v44, v8;
	v40 =	vmax.f32 v40, $0.0e+00;
	v4 =	vadd.f32 v4, v46  }
0x11d: {  	v46 =	vmax.f32 v2, $0.0e+00;
	v2 =	vld [tilespmem:$0x7480];
	[tilespmem:$0x3B80] =	vst v40  }
0x11e: {  	v52 =	vld [tilespmem:$0x8F80];
	v8 =	vmax.f32 v8, $0.0e+00;
	[tilespmem:$0x3100] =	vst v46;
	v0 =	vmax.f32 v4, $0.0e+00;
	v4 =	vadd.f32 v48, v53  }
0x11f: {  	[tilespmem:$0x4B80] =	vst v8;
	v53 =	vld [tilespmem:$0x7800];
	v26 =	vadd.f32 v60, v26  }
0x120: {  	[tilespmem:$0x3200] =	vst v0;
	v0 =	vadd.f32 v49, v54;
	v54 =	vld [tilespmem:$0x7880];
	v4 =	vmax.f32 v4, $0.0e+00  }
0x121: {  	v49 =	vld [tilespmem:$0x7D00];
	v18 =	vadd.f32 v34, v18;
	v26 =	vmax.f32 v26, $0.0e+00;
	[tilespmem:$0x3580] =	vst v4  }
0x122: {  	v2 =	vadd.f32 v2, v51;
	v51 =	vld [tilespmem:$0x7700];
	v0 =	vmax.f32 v0, $0.0e+00;
	[tilespmem:$0x4280] =	vst v26  }
0x123: {  	v40 =	vld [tilespmem:$0x8980];
	v18 =	vmax.f32 v18, $0.0e+00;
	[tilespmem:$0x3600] =	vst v0;
	v0 =	vadd.f32 v57, v62  }
0x124: {  	v48 =	vld [tilespmem:$0x7C80];
	[tilespmem:$0x4680] =	vst v18;
	v2 =	vmax.f32 v2, $0.0e+00;
	v1 =	vadd.f32 v53, v58  }
0x125: {  	v57 =	vld [tilespmem:$0x8100];
	[tilespmem:$0x3480] =	vst v2;
	v2 =	vadd.f32 v54, v59;
	v0 =	vmax.f32 v0, $0.0e+00  }
0x126: {  	v62 =	vld [tilespmem:$0x8380];
	v3 =	vadd.f32 v49, v37;
	v1 =	vmax.f32 v1, $0.0e+00;
	[tilespmem:$0x3A00] =	vst v0  }
0x127: {  	v58 =	vld [tilespmem:$0x7A80];
	v43 =	vadd.f32 v51, v56;
	[tilespmem:$0x3800] =	vst v1;
	v2 =	vmax.f32 v2, $0.0e+00  }
0x128: {  	v53 =	vld [tilespmem:$0x7F00];
	v1 =	vadd.f32 v47, v39;
	v3 =	vmax.f32 v3, $0.0e+00;
	[tilespmem:$0x3880] =	vst v2  }
0x129: {  	v59 =	vld [tilespmem:$0x7B00];
	v2 =	vadd.f32 v48, v38;
	[tilespmem:$0x3D00] =	vst v3;
	v43 =	vmax.f32 v43, $0.0e+00  }
0x12a: {  	v54 =	vld [tilespmem:$0x7F80];
	v3 =	vadd.f32 v57, v29;
	v1 =	vmax.f32 v1, $0.0e+00;
	[tilespmem:$0x3700] =	vst v43  }
0x12b: {  	v46 =	vld [tilespmem:$0x8C80];
	v24 =	vadd.f32 v62, v24;
	[tilespmem:$0x3C00] =	vst v1;
	v2 =	vmax.f32 v2, $0.0e+00  }
0x12c: {  	v56 =	vld [tilespmem:$0x7980];
	v42 =	vadd.f32 v58, v63;
	v3 =	vmax.f32 v3, $0.0e+00;
	[tilespmem:$0x3C80] =	vst v2  }
0x12d: {  	v51 =	vld [tilespmem:$0x7E00];
	v33 =	vadd.f32 v53, v33;
	v24 =	vmax.f32 v24, $0.0e+00;
	[tilespmem:$0x4100] =	vst v3  }
0x12e: {  	v63 =	vld [tilespmem:$0x8400];
	v41 =	vadd.f32 v59, v41;
	v42 =	vmax.f32 v42, $0.0e+00;
	[tilespmem:$0x4380] =	vst v24  }
0x12f: {  	v60 =	vld [tilespmem:$0x1FFF0];
	v32 =	vadd.f32 v54, v32;
	v33 =	vmax.f32 v33, $0.0e+00;
	[tilespmem:$0x3A80] =	vst v42  }
0x130: {  	v59 =	vld [tilespmem:$0x8200];
	v1 =	vadd.f32 v55, v31;
	v41 =	vmax.f32 v41, $0.0e+00;
	[tilespmem:$0x3F00] =	vst v33  }
0x131: {  	v31 =	vld [tilespmem:$0x8500];
	v4 =	vadd.f32 v56, v61;
	v32 =	vmax.f32 v32, $0.0e+00;
	[tilespmem:$0x3B00] =	vst v41  }
0x132: {  	v43 =	vld [tilespmem:$0x8B00];
	v0 =	vadd.f32 v51, v35;
	v1 =	vmax.f32 v1, $0.0e+00;
	[tilespmem:$0x3F80] =	vst v32  }
0x133: {  	v56 =	vld [tilespmem:$0x8080];
	[tilespmem:$0x4000] =	vst v1;
	v4 =	vmax.f32 v4, $0.0e+00;
	v1 =	vadd.f32 v63, v23  }
0x134: {  	v61 =	vld [tilespmem:$0x8300];
	v0 =	vmax.f32 v0, $0.0e+00;
	[tilespmem:$0x3980] =	vst v4;
	v4 =	vadd.f32 v50, v36  }
0x135: {  	v35 =	vld [tilespmem:$0x8700];
	[tilespmem:$0x3E00] =	vst v0;
	v0 =	vadd.f32 v59, v27;
	v1 =	vmax.f32 v1, $0.0e+00  }
0x136: {  	v37 =	vld [tilespmem:$0x8800];
	v3 =	vadd.f32 v31, v21;
	v4 =	vmax.f32 v4, $0.0e+00;
	[tilespmem:$0x4400] =	vst v1  }
0x137: {  	v42 =	vld [tilespmem:$0x8A80];
	v9 =	vadd.f32 v43, v9;
	v0 =	vmax.f32 v0, $0.0e+00;
	[tilespmem:$0x3D80] =	vst v4  }
0x138: {  	v58 =	vld [tilespmem:$0x8180];
	v2 =	vadd.f32 v56, v30;
	v3 =	vmax.f32 v3, $0.0e+00;
	[tilespmem:$0x4200] =	vst v0  }
0x139: {  	v33 =	vld [tilespmem:$0x8600];
	v25 =	vadd.f32 v61, v25;
	v9 =	vmax.f32 v9, $0.0e+00;
	[tilespmem:$0x4500] =	vst v3  }
0x13a: {  	v39 =	vld [tilespmem:$0x8900];
	v17 =	vadd.f32 v35, v17;
	[tilespmem:$0x4B00] =	vst v9;
	v2 =	vmax.f32 v2, $0.0e+00  }
0x13b: {  	v36 =	vld [tilespmem:$0x8780];
	v1 =	vadd.f32 v37, v15;
	v25 =	vmax.f32 v25, $0.0e+00;
	[tilespmem:$0x4080] =	vst v2  }
0x13c: {  	v47 =	vld [tilespmem:$0x8D00];
	v10 =	vadd.f32 v42, v10;
	v17 =	vmax.f32 v17, $0.0e+00;
	[tilespmem:$0x4300] =	vst v25  }
0x13d: {  	v32 =	vld [tilespmem:$0x8580];
	v4 =	vadd.f32 v58, v28;
	v1 =	vmax.f32 v1, $0.0e+00;
	[tilespmem:$0x4700] =	vst v17  }
0x13e: {  	v41 =	vld [tilespmem:$0x8A00];
	v0 =	vadd.f32 v33, v19;
	v10 =	vmax.f32 v10, $0.0e+00;
	[tilespmem:$0x4800] =	vst v1  }
0x13f: {  	v51 =	vld [tilespmem:$0x8F00];
	v3 =	vadd.f32 v39, v13;
	v4 =	vmax.f32 v4, $0.0e+00;
	[tilespmem:$0x4A80] =	vst v10  }
0x140: {  	v28 =	vld [tilespmem:$0x8480];
	v0 =	vmax.f32 v0, $0.0e+00;
	v16 =	vadd.f32 v36, v16;
	[tilespmem:$0x4180] =	vst v4  }
0x141: {  	v59 =	vld [tilespmem:$0x1FFE0];
	v3 =	vmax.f32 v3, $0.0e+00;
	v1 =	vadd.f32 v45, v7;
	[tilespmem:$0x4600] =	vst v0  }
0x142: {  	v49 =	vld [tilespmem:$0x8E00];
	v4 =	vadd.f32 v32, v20;
	[tilespmem:$0x4900] =	vst v3;
	v16 =	vmax.f32 v16, $0.0e+00  }
0x143: {  	v38 =	vld [tilespmem:$0x8880];
	v0 =	vadd.f32 v41, v11;
	v1 =	vmax.f32 v1, $0.0e+00;
	[tilespmem:$0x4780] =	vst v16  }
0x144: {  	v48 =	vld [tilespmem:$0x8D80];
	v3 =	vadd.f32 v47, v5;
	v4 =	vmax.f32 v4, $0.0e+00;
	[tilespmem:$0x4C00] =	vst v1  }
0x145: {  	v55 =	vld [tilespmem:$0x1FFC0];
	v2 =	vadd.f32 v28, v22;
	v0 =	vmax.f32 v0, $0.0e+00;
	[tilespmem:$0x4580] =	vst v4  }
0x146: {  	v53 =	vld [tilespmem:$0x1FFB0];
	v56 =	vmax.f32 v3, $0.0e+00;
	v3 =	vadd.f32 v51, v59;
	[tilespmem:$0x4A00] =	vst v0  }
0x147: {  	v57 =	vld [tilespmem:$0x1FFD0];
	v4 =	vadd.f32 v40, v12;
	[tilespmem:$0x4D00] =	vst v56;
	v2 =	vmax.f32 v2, $0.0e+00  }
0x148: {  	v50 =	vld [tilespmem:$0x8E80];
	v62 =	vmax.f32 v3, $0.0e+00;
	[tilespmem:$0x4480] =	vst v2;
	v2 =	vadd.f32 v38, v14  }
0x149: {  	v1 =	vadd.f32 v52, v60;
	v4 =	vmax.f32 v4, $0.0e+00;
	[tilespmem:$0x4F00] =	vst v62  }
0x14a: {  	v0 =	vadd.f32 v49, v55;
	[tilespmem:$0x4980] =	vst v4;
	v2 =	vmax.f32 v2, $0.0e+00  }
0x14b: {  	v63 =	vmax.f32 v1, $0.0e+00;
	v4 =	vadd.f32 v48, v53;
	[tilespmem:$0x4880] =	vst v2;
	v2 =	vadd.f32 v46, v6  }
0x14c: {  	v0 =	vmax.f32 v0, $0.0e+00;
	[tilespmem:$0x4F80] =	vst v63  }
0x14d: {  	[tilespmem:$0x4E00] =	vst v0;
	v58 =	vmax.f32 v4, $0.0e+00;
	v54 =	vmax.f32 v2, $0.0e+00;
	v2 =	vadd.f32 v50, v57  }
0x14e: {  	[tilespmem:$0x4D80] =	vst v58  }
0x14f: {  	[tilespmem:$0x4C80] =	vst v54;
	v61 =	vmax.f32 v2, $0.0e+00  }
0x150: {  	s29 =	sadd.s32 $0x800, s29;
	s31 =	sor.u32 $0x880, s30;
	[tilespmem:$0x4E80] =	vst v61  }
0x151: {  	[spmem:s3] =	stream.indirect.scatter.add.f32 [tilespmem:s16], [sflag:$0x6], $0x80, s31, s13, $0xb8;
	[tilespmem:$0x1CC00] =	vst v63  }
0x152: {  	p0 =	sne.s32 s29, $0x28000;
	_ =	swait.ge [sflag:s22], $0x2000  }
.Ltmp0:
0x153: {  	[sflag:s22] =	ssyncset.done $0x0;
	(pc) =	sbr.rel @p0 .LBB2_2-.Ltmp0, $4  }
0x154: {  	[sflag:s22] =	ssyncadd.s32 $0xFFFFE000  }
0x155: {  	_ =	swait.ge [sflag:s23], $0x2000  }
0x156: {  	s28 =	sadd.s32 $0x2, s28;
	[sflag:s23] =	ssyncset.done $0x0  }
0x157: {  	s26 =	sadd.s32 $0x20, s26;
	s25 =	sadd.s32 $0x20, s25;
	[sflag:s23] =	ssyncadd.s32 $0xFFFFE000  }
0x158: {  	s24 =	sadd.s32 $0x1, s24  }
0x159: {  	p0 =	sne.s32 s24, s8  }
.Ltmp1:
0x15a: {  	[bflag:$0x0] =	sbarrier.arrive $0xFFFF;
	(pc) =	sbr.rel @p0 .LBB2_1-.Ltmp1, $4  }
0x15b: {  	[hbm:s7], [sflag:s6] =	dma.local [spmem:s11], $0x2780  }
0x15c: {  	_ =	swait.ge [sflag:s12], $0x2780  }
0x15d: {  	[sflag:s12] =	ssyncset.done $0x0  }
0x15e: {  	[sflag:s12] =	ssyncadd.s32 $0xFFFFD880  }
0x15f: {  	_ =	sfence.sel $0x180000  }
0x160: {  	[bflag:$0x0] =	sbarrier.arrive $0xFFFF  }
0x161: {  	_ =	strace $0x9000004A  }
0x162: {  	s0 =	stileid.u32;
	[bflag:$0x2] =	sbarrier.arrive $0xFFFF  }
0x163: {  	p0 =	sne.s32 s0, $0x0;
	s0 =	rddreg [dreg:$0x3]  }
0x164: {  	s0 =	sadd.s32 @!p0 $0x100000, s0  }
0x165: {  	[sflag:s0] =	ssyncadd.tile.s32 @!p0 $0x1;
	_ =	shalt  }
.Lfunc_end2:
_tile_overlayer_lowered:
.L_overlay_start_2:
0x166: {  	(tag) =	ssettag $0x2  }
0x167: {  	s0 =	rddreg [dreg:$0x0];
	s2 =	stileid.u32  }
0x168: {  	s1 =	rddreg [dreg:$0x1];
	p0 =	sne.s32 s2, $0x0  }
0x169: {  	s3 =	rddreg [dreg:$0x2];
	[bflag:$0x3] =	sbarrier.arrive $0xFFFF;
	s2 =	simm.s32 @!p0 $0x1C07  }
0x16a: {  	[timem:s3], [sflag:s2] =	dma.local @!p0 [hbm:s0], s1  }
0x16b: {  	s0 =	simm.s32 @!p0 $0x7  }
0x16c: {  	_ =	swait.ge @!p0 [sflag:s0], s1  }
0x16d: {  	s1 =	ssub.s32 @!p0 $0x0, s1;
	[sflag:s0] =	ssyncset.done @!p0 $0x0  }
0x16e: {  	[sflag:s0] =	ssyncadd.s32 @!p0 s1  }
0x16f: {  	[bflag:$0x3] =	sbarrier.arrive $0xFFFF  }
0x170: {  	_ =	shalt  }

// kernel: kernel.16.cloned.1.call-start
scs
__scs_entry_jumppad:
0x0: {  	(pc) =	sbr.rel $0x88, $3  }
0x1: {  	(tag) =	ssettag $0x0;
	lr =	simm.s32 $0x1  }
0x2: {  	[smem:$0x3F82] =	sst lr;
	_ =	strace $0xD0000000  }
0x3: {  	_ = 	snop  }
0x4: {  	_ = 	snop  }
0x5: {  	_ = 	snop  }
0x6: {  	_ = 	snop  }
0x7: {  	_ = 	snop  }
__scs_overlays_trampoline_lowered:
0x8: {  	[smem:$0x3F91] =	sst s0  }
0x9: {  	[smem:$0x3F92] =	sst s1  }
0xa: {  	[smem:$0x3F93] =	sst s2  }
0xb: {  	[smem:$0x3F94] =	sst s3  }
0xc: {  	[smem:$0x3F95] =	sst s4  }
0xd: {  	[smem:$0x3F96] =	sst s5  }
0xe: {  	[smem:$0x3F97] =	sst s6  }
0xf: {  	[smem:$0x3F98] =	sst s7  }
0x10: {  	[smem:$0x3F99] =	sst s8  }
0x11: {  	[smem:$0x3F9A] =	sst s9;
	s0 =	simm.s32 @!p0 $0x0  }
0x12: {  	s1 =	sld [smem:$0x3F80];
	s0 =	simm.s32 @p0 $0x1  }
0x13: {  	[smem:$0x3F9B] =	sst s0;
	s0 =	simm.s32 @!p1 $0x0  }
0x14: {  	s2 =	sld [smem:$0x3F7F];
	s0 =	simm.s32 @p1 $0x1  }
0x15: {  	[smem:$0x3F9C] =	sst s0;
	s0 =	simm.s32 @!p2 $0x0  }
0x16: {  	s3 =	sld [smem:$0x3FDB];
	s0 =	simm.s32 @p2 $0x1  }
0x17: {  	s4 =	simm.s32 $0x1BF5;
	[smem:$0x3F9E] =	sst s0  }
0x18: {  	s0 =	sld [smem:$0x3F81];
	_ =	swait.ge [sflag:s4], $0x0  }
0x19: {  	s7 =	sld [smem:$0x3F82]  }
0x1a: {  	s8 =	sadd.s32 $0xFFFFE003, lr  }
0x1b: {  	s9 =	sadd.s32 $0xFFFFFEF7, lr;
	s5 =	simm.s32 $0xFFFFFFFF;
	p2 =	slt.u32 s8, $0xFFFFF086  }
0x1c: {  	p1 =	slt.u32 s9, $0xF7A;
	s5 =	simm.s32 @!p2 $0x0  }
0x1d: {  	s5 =	simm.s32 @p1 $0x1;
	p0 =	seq.s32 s7, s2  }
0x1e: {  	s7 =	smul.u32 @!p0 $0xF7A, s2;
	p2 =	seq.s32 @!p0 s5, $0x0  }
0x1f: {  	s9 =	smul.u32 $0xF7A, s1;
	s8 =	simm.s32 @!p0 $0x1BF5;
	p2 =	por !p2, p0  }
0x20: {  	[sflag:s8] =	ssyncset.s32 @!p0 $0xFFFFF086;
	s6 =	sadd.s32 @!p0 s3, s7;
	s7 =	simm.s32 @!p0 $0x108  }
0x21: {  	s3 =	sadd.s32 s3, s9;
	s6 =	sadd.s32 @!p0 $0x88, s6;
	s7 =	simm.s32 @p2 $0x1082  }
0x22: {  	[simem:s7], [sflag:s8] =	dma.local @!p0 [hbm:s6], $0xF7A  }
0x23: {  	s9 =	sor.u32 $0xD0000000, s2;
	s6 =	simm.s32 $0x108;
	_ =	swait.ge @!p0 [sflag:s8], $0x0  }
0x24: {  	s3 =	sadd.s32 $0x88, s3;
	s6 =	simm.s32 @!p1 $0x1082;
	[sflag:s4] =	ssyncset.s32 $0xFFFFF086  }
0x25: {  	[simem:s6], [sflag:s4] =	dma.local [hbm:s3], $0xF7A  }
0x26: {  	[smem:$0x3F82] =	sst s1;
	(tag) =	ssettag s2;
	_ =	strace s9  }
0x27: {  	s1 =	sld [smem:$0x3F92]  }
0x28: {  	s2 =	sld [smem:$0x3F93]  }
0x29: {  	s4 =	sld [smem:$0x3F95]  }
0x2a: {  	p0 =	seq.s32 s5, $0x0;
	s5 =	sld [smem:$0x3F96]  }
0x2b: {  	s6 =	sld [smem:$0x3F97]  }
0x2c: {  	s7 =	sld [smem:$0x3F98]  }
0x2d: {  	s3 =	simm.s32 $0x108;
	s8 =	sld [smem:$0x3F99]  }
0x2e: {  	s3 =	simm.s32 @!p0 $0x1082;
	s9 =	sld [smem:$0x3F9A]  }
0x2f: {  	lr =	sadd.s32 s0, s3;
	s0 =	sld [smem:$0x3F91]  }
0x30: {  	s3 =	sld [smem:$0x3F94]  }
0x31: {  	[smem:$0x3F9D] =	sst s10  }
0x32: {  	s10 =	sld [smem:$0x3F9B];
	_ =	sdelay $0x3  }
0x33: {  	p0 =	seq.s32 s10, $0x1;
	s10 =	sld [smem:$0x3F9D];
	_ =	sdelay $0x3  }
0x34: {  	[smem:$0x3F9D] =	sst s10  }
0x35: {  	s10 =	sld [smem:$0x3F9C];
	_ =	sdelay $0x3  }
0x36: {  	p1 =	seq.s32 s10, $0x1;
	s10 =	sld [smem:$0x3F9D];
	_ =	sdelay $0x3  }
0x37: {  	[smem:$0x3F9D] =	sst s10  }
0x38: {  	s10 =	sld [smem:$0x3F9E]  }
0x39: {  	_ = 	snop;
	(pc) =	sbr.ind lr, $3  }
0x3a: {  	_ = 	snop  }
0x3b: {  	_ = 	snop  }
0x3c: {  	p2 =	seq.s32 s10, $0x1;
	s10 =	sld [smem:$0x3F9D]  }
0x3d: {  	_ =	shalt  }
0x3e: {  	_ =	shalt  }
0x3f: {  	_ =	shalt  }
0x40: {  	_ =	shalt  }
0x41: {  	_ =	shalt  }
0x42: {  	_ =	shalt  }
0x43: {  	_ =	shalt  }
0x44: {  	_ =	shalt  }
0x45: {  	_ =	shalt  }
0x46: {  	_ =	shalt  }
0x47: {  	_ =	shalt  }
0x48: {  	_ =	shalt  }
0x49: {  	_ =	shalt  }
0x4a: {  	_ =	shalt  }
0x4b: {  	_ =	shalt  }
0x4c: {  	_ =	shalt  }
0x4d: {  	_ =	shalt  }
0x4e: {  	_ =	shalt  }
0x4f: {  	_ =	shalt  }
0x50: {  	_ =	shalt  }
0x51: {  	_ =	shalt  }
0x52: {  	_ =	shalt  }
0x53: {  	_ =	shalt  }
0x54: {  	_ =	shalt  }
0x55: {  	_ =	shalt  }
0x56: {  	_ =	shalt  }
0x57: {  	_ =	shalt  }
0x58: {  	_ =	shalt  }
0x59: {  	_ =	shalt  }
0x5a: {  	_ =	shalt  }
0x5b: {  	_ =	shalt  }
0x5c: {  	_ =	shalt  }
0x5d: {  	_ =	shalt  }
0x5e: {  	_ =	shalt  }
0x5f: {  	_ =	shalt  }
0x60: {  	_ =	shalt  }
0x61: {  	_ =	shalt  }
0x62: {  	_ =	shalt  }
0x63: {  	_ =	shalt  }
0x64: {  	_ =	shalt  }
0x65: {  	_ =	shalt  }
0x66: {  	_ =	shalt  }
0x67: {  	_ =	shalt  }
0x68: {  	_ =	shalt  }
0x69: {  	_ =	shalt  }
0x6a: {  	_ =	shalt  }
0x6b: {  	_ =	shalt  }
0x6c: {  	_ =	shalt  }
0x6d: {  	_ =	shalt  }
0x6e: {  	_ =	shalt  }
0x6f: {  	_ =	shalt  }
0x70: {  	_ =	shalt  }
0x71: {  	_ =	shalt  }
0x72: {  	_ =	shalt  }
0x73: {  	_ =	shalt  }
0x74: {  	_ =	shalt  }
0x75: {  	_ =	shalt  }
0x76: {  	_ =	shalt  }
0x77: {  	_ =	shalt  }
0x78: {  	_ =	shalt  }
0x79: {  	_ =	shalt  }
0x7a: {  	_ =	shalt  }
0x7b: {  	_ =	shalt  }
0x7c: {  	_ =	shalt  }
0x7d: {  	_ =	shalt  }
0x7e: {  	_ =	shalt  }
0x7f: {  	_ =	shalt  }
0x80: {  	_ =	shalt  }
0x81: {  	_ =	shalt  }
0x82: {  	_ =	shalt  }
0x83: {  	_ =	shalt  }
0x84: {  	_ =	shalt  }
0x85: {  	_ =	shalt  }
0x86: {  	_ =	shalt  }
0x87: {  	_ =	shalt  }
.Lfunc_end0:
.L_simem_size_0:
called_computation.2_lowered:
.L_overlay_start_0:
0x88: {  	s2 =	sld [smem:$0x3FD9]  }
0x89: {  	s3 =	sld [smem:$0x3FFE];
	_ =	sdelay $0x1  }
0x8a: {  	s1 =	srdreg.scid  }
0x8b: {  	s0 =	sand.u32 $0x1, s1  }
0x8c: {  	s16 =	sshll.u32 s0, $0xA;
	s2 =	sadd.s32 s3, s2  }
0x8d: {  	s2 =	sadd.s32 s2, s16  }
0x8e: {  	[smem:$0x3FA9] =	sst s2  }
0x8f: {  	_ = 	snop  }
0x90: {  	(tm) =	ssettm $0x1  }
0x91: {  	s17 =	sld [smem:$0x3FFB];
	_ =	sdelay $0x3  }
0x92: {  	_ =	strace s17  }
0x93: {  	s2 =	sld [smem:$0x3FFC];
	_ =	sdelay $0x3  }
0x94: {  	_ =	strace s2  }
0x95: {  	s2 =	sld [smem:$0x3FFD];
	_ =	sdelay $0x3  }
0x96: {  	_ =	strace s2  }
0x97: {  	_ =	strace $0x8FFFFFFF  }
0x98: {  	s18 =	sld [smem:$0x3FDB];
	_ =	sdelay $0x1  }
0x99: {  	s19 =	simm.s32 $_scs_section_size  }
0x9a: {  	s4 =	simm.s32 $_size__tile_overlayer_lowered;
	s5 =	simm.s32 $_tile_overlayer_lowered  }
0x9b: {  	s22 =	simm.s32 $0x1BFF;
	s21 =	sshll.u32 s5, $0x1;
	s2 =	sadd.s32 s19, s18  }
0x9c: {  	s6 =	simm.s32 $0x0;
	s20 =	sshll.u32 s4, $0x1;
	s4 =	sadd.s32 s21, s2  }
0x9d: {  	[timem:s6], [sflag:s22] =	dma.local [hbm:s4], s20  }
0x9e: {  	_ =	swait.ge [sflag:s22], s20  }
0x9f: {  	s3 =	ssub.s32 $0x0, s20;
	[sflag:s22] =	ssyncset.done $0x0  }
0xa0: {  	[sflag:s22] =	ssyncadd.s32 s3;
	_ =	sdelay $0x1  }
0xa1: {  	s23 =	simm.s32 $0x1B8B  }
0xa2: {  	_ =	swait.ge [sflag:s23], $0x1  }
0xa3: {  	[sflag:s23] =	ssyncset.done $0x0  }
0xa4: {  	s25 =	simm.s32 $0x1B8E;
	s24 =	sld [smem:$0x3FFE];
	[sflag:s23] =	ssyncadd.s32 $0xFFFFFFFF  }
0xa5: {  	s26 =	simm.s32 $execute0_lowered;
	[smem:$0x3FD2] =	sst s25  }
0xa6: {  	s4 =	sshll.u32 s26, $0x1;
	_ =	strace $0x8000004C;
	[dreg:$0x1] =	wrdreg $0xFFFFFFFF  }
0xa7: {  	s28 =	simm.s32 $_size_execute0_lowered;
	s2 =	sadd.s32 s2, s4;
	[dreg:$0x0] =	wrdreg $0x0  }
0xa8: {  	s4 =	sshll.u32 s28, $0x1;
	[dreg:$0x2] =	wrdreg s2  }
0xa9: {  	[dreg:$0x3] =	wrdreg s4  }
0xaa: {  	[dreg:$0x4] =	wrdreg $0xC0  }
0xab: {  	_ =	task [dreg:s6], $0x5FFFF  }
0xac: {  	[dreg:$0x1] =	wrdreg $0xFFFFFFFF  }
0xad: {  	[dreg:$0x0] =	wrdreg $0x60  }
0xae: {  	[dreg:$0x2] =	wrdreg s24  }
0xaf: {  	[dreg:$0x3] =	wrdreg $0x90000  }
0xb0: {  	[dreg:$0x4] =	wrdreg $0x9  }
0xb1: {  	_ =	task.clear_ibuf [dreg:s6], $0x5FFFF;
	_ =	strace $0x9000004C  }
0xb2: {  	s29 =	simm.s32 $0x9;
	_ =	strace $0x8000004E  }
0xb3: {  	_ =	swait.ge [sflag:s29], $0x1  }
0xb4: {  	[sflag:s29] =	ssyncadd.s32 $0xFFFFFFFF  }
0xb5: {  	_ =	strace $0x9000004E  }
0xb6: {  	_ =	sfence  }
0xb7: {  	s30 =	sld [smem:$0x0];
	_ =	sdelay $0x2  }
0xb8: {  	s31 =	sshll.u32 s1, $0xD;
	s1 =	sshrl.u32 s1, $0x2  }
0xb9: {  	s3 =	sand.u32 $0x4000, s31;
	s1 =	sadd.s32 s1, s30  }
0xba: {  	s0 =	sor.u32 s3, s0;
	s1 =	sshll.u32 s1, $0x11  }
0xbb: {  	s0 =	sor.u32 s1, s0  }
0xbc: {  	s0 =	sadd.s32 $0x8F2B, s0  }
0xbd: {  	[sflag:s0] =	ssyncadd.remote.s32 $0x1  }
0xbe: {  	_ =	sfence.sel $0xFFFF  }
0xbf: {  	[dreg:$0x0] =	wrdreg $0xFFFFFFFF;
	(pc) =	sbr.abs _section_cstart, $3  }
0xc0: {  	[dreg:$0x1] =	wrdreg $0xFFFFFFFF  }
0xc1: {  	_ =	task.clear_ibuf [dreg:s6], $0x2FFFF;
	_ =	strace $0x9FFFFFFF  }
0xc2: {  	(tm) =	ssettm $0x7FFFFFFF  }
0xc3: {  	_ =	shalt  }
tec
execute0_lowered:
.L_overlay_start_1:
0x0: {  	(tag) =	ssettag $0x1  }
0x1: {  	s6 =	rddreg [dreg:$0x0]  }
0x2: {  	s2 =	rddreg [dreg:$0x1];
	s0 =	stileid.u32  }
0x3: {  	s4 =	srdreg.scid;
	s3 =	simm.s32 $0x0;
	s15 =	simm.s32 $0x5000  }
0x4: {  	s16 =	simm.s32 $0x3000;
	s17 =	simm.s32 $0x7000;
	s18 =	simm.s32 $0x1  }
0x5: {  	s19 =	simm.s32 $0x3;
	s20 =	simm.s32 $0x2;
	s5 =	smul.u32 $0x1400, s0  }
0x6: {  	s21 =	simm.s32 $0x4;
	s22 =	simm.s32 $0x5;
	s7 =	smul.u32 $0x50000, s0  }
0x7: {  	s23 =	simm.s32 $0x6;
	s24 =	simm.s32 $0x0;
	s10 =	smul.u32 $0x13C00, s0  }
0x8: {  	s8 =	sand.u32 $0x1, s4;
	[smem:$0x7FF] =	sst s3;
	s13 =	smul.u32 $0x4F000, s0  }
0x9: {  	s4 =	sadd.s32 $0x31A00, s6;
	s30 =	sshll.u32 s0, $0x6;
	s9 =	smul.u32 $0x13C000, s8  }
0xa: {  	_ =	strace $0x8000004D;
	s26 =	ssub.s32 $0x2, s8;
	s28 =	smul.u32 $0x28000, s8  }
0xb: {  	s8 =	smul.u32 $0xA00, s8;
	s11 =	sadd.s32 s5, s6;
	s7 =	sadd.s32 s7, s6  }
0xc: {  	s5 =	sadd.s32 $0x2F200, s6;
	s12 =	sshrl.u32 s26, $0x1;
	s29 =	sshrl.u32 s13, $0x2  }
0xd: {  	s13 =	simm.s32 $0x40;
	s9 =	sadd.s32 s10, s9;
	s10 =	ssub.s32 s26, s12  }
0xe: {  	s14 =	sadd.s32 s29, s2;
	s12 =	sadd.s32 s28, s7;
	s11 =	sadd.s32 s8, s11  }
0xf: {  	s9 =	sshrl.u32 s9, $0x3;
	s31 =	sadd.s32 $0x1411200, s12;
	s8 =	smax.u32 s10, $0x1  }
0x10: {  	s10 =	sadd.s32 $0x1B200, s11;
	s12 =	simm.s32 $0x7;
	s9 =	sadd.s32 s9, s6  }
0x11: {  	s6 =	sor.u32 $0x1C07, s30;
	[dreg:$0x3] =	wrdreg s31;
	s7 =	sadd.s32 $0x80C00, s9  }
0x12: {  	s9 =	sadd.s32 $0x7200, s11;
	s11 =	sshrl.u32 s14, $0x3;
	s14 =	simm.s32 $0x1000  }
.LBB2_1:
0x13: {  	[spmem:s11], [sflag:s6] =	dma.local [hbm:s5], $0x2780  }
0x14: {  	_ =	swait.ge [sflag:s12], $0x2780  }
0x15: {  	[sflag:s12] =	ssyncset.done $0x0  }
0x16: {  	s25 =	smov.u32 s10;
	s26 =	smov.u32 s9;
	[sflag:s12] =	ssyncadd.s32 $0xFFFFD880  }
0x17: {  	s28 =	simm.s32 $0x0;
	s29 =	simm.s32 $0x0;
	[bflag:$0x0] =	sbarrier.arrive $0xFFFF  }
.LBB2_2:
0x18: {  	s30 =	sand.u32 $0xE, s28  }
0x19: {  	p0 =	sne.s32 s30, $0x0  }
0x1a: {  	s31 =	simm.s32 @!p0 $0x0;
	s0 =	simm.s32 @!p0 $0x7  }
0x1b: {  	[tilespmem:s31], [sflag:$0x7] =	stream.linear.gather @!p0 [hbm4b:s26+s31], $0x800, $0x38;
	[tilespmem:$0x1CC00] =	vst v63  }
0x1c: {  	_ =	swait.ge @!p0 [sflag:s0], $0x800  }
0x1d: {  	[sflag:s0] =	ssyncset.done @!p0 $0x0  }
0x1e: {  	s1 =	simm.s32 @!p0 $0x800;
	[sflag:s0] =	ssyncadd.s32 @!p0 $0xFFFFF800  }
0x1f: {  	[tilespmem:s1], [sflag:$0x7] =	stream.linear.gather @!p0 [hbm4b:s25+s31], $0x800, $0x38;
	[tilespmem:$0x1CC00] =	vst v63  }
0x20: {  	_ =	swait.ge @!p0 [sflag:s0], $0x800  }
0x21: {  	[sflag:s0] =	ssyncset.done @!p0 $0x0  }
0x22: {  	s30 =	sshll.u32 s30, $0x7;
	s31 =	rddreg [dreg:$0x3];
	[sflag:s0] =	ssyncadd.s32 @!p0 $0xFFFFF800  }
0x23: {  	[tilespmem:s14], [sflag:$0x1] =	stream.indirect.gather [hbm4b:s4+s13], $0x80, s30, s13, $0xb8;
	[tilespmem:$0x1CC00] =	vst v63  }
0x24: {  	s0 =	sadd.s32 s29, s31  }
0x25: {  	[tilespmem:s15], [sflag:$0x3] =	stream.linear.gather [hbm4b:s0+s3], $0x2000, $0x38;
	[tilespmem:$0x1CC00] =	vst v63  }
0x26: {  	s31 =	sor.u32 $0x80, s30  }
0x27: {  	[tilespmem:s16], [sflag:$0x2] =	stream.indirect.gather [hbm4b:s4+s13], $0x80, s31, s13, $0xb8;
	[tilespmem:$0x1CC00] =	vst v63  }
0x28: {  	s0 =	sadd.s32 $0x400, s0  }
0x29: {  	[tilespmem:s17], [sflag:$0x4] =	stream.linear.gather [hbm4b:s0+s3], $0x2000, $0x38;
	[tilespmem:$0x1CC00] =	vst v63  }
0x2a: {  	_ =	swait.ge [sflag:s18], $0x2000  }
0x2b: {  	[sflag:s18] =	ssyncset.done $0x0  }
0x2c: {  	[sflag:s18] =	ssyncadd.s32 $0xFFFFE000  }
0x2d: {  	_ =	swait.ge [sflag:s19], $0x2000  }
0x2e: {  	[sflag:s19] =	ssyncset.done $0x0  }
0x2f: {  	[sflag:s19] =	ssyncadd.s32 $0xFFFFE000  }
0x30: {  	v42 =	vld [tilespmem:$0x1000]  }
0x31: {  	v43 =	vld [tilespmem:$0x1080]  }
0x32: {  	v44 =	vld [tilespmem:$0x1100]  }
0x33: {  	v45 =	vld [tilespmem:$0x1180]  }
0x34: {  	v46 =	vld [tilespmem:$0x1200]  }
0x35: {  	v47 =	vld [tilespmem:$0x1280]  }
0x36: {  	v48 =	vld [tilespmem:$0x1300]  }
0x37: {  	v49 =	vld [tilespmem:$0x1380]  }
0x38: {  	v50 =	vld [tilespmem:$0x1400]  }
0x39: {  	v51 =	vld [tilespmem:$0x1480]  }
0x3a: {  	v52 =	vld [tilespmem:$0x1500]  }
0x3b: {  	v53 =	vld [tilespmem:$0x1580]  }
0x3c: {  	v54 =	vld [tilespmem:$0x1600]  }
0x3d: {  	v55 =	vld [tilespmem:$0x1680]  }
0x3e: {  	v56 =	vld [tilespmem:$0x1700]  }
0x3f: {  	v57 =	vld [tilespmem:$0x1780]  }
0x40: {  	v58 =	vld [tilespmem:$0x1800]  }
0x41: {  	v59 =	vld [tilespmem:$0x1880]  }
0x42: {  	v60 =	vld [tilespmem:$0x1900]  }
0x43: {  	v61 =	vld [tilespmem:$0x1980]  }
0x44: {  	v62 =	vld [tilespmem:$0x1A00]  }
0x45: {  	v63 =	vld [tilespmem:$0x1A80]  }
0x46: {  	v41 =	vld [tilespmem:$0x1B00]  }
0x47: {  	v40 =	vld [tilespmem:$0x1B80]  }
0x48: {  	v39 =	vld [tilespmem:$0x1C00]  }
0x49: {  	v38 =	vld [tilespmem:$0x1C80]  }
0x4a: {  	v37 =	vld [tilespmem:$0x1D00]  }
0x4b: {  	v36 =	vld [tilespmem:$0x1D80]  }
0x4c: {  	v35 =	vld [tilespmem:$0x1E00]  }
0x4d: {  	v34 =	vld [tilespmem:$0x1E80]  }
0x4e: {  	v33 =	vld [tilespmem:$0x1F00]  }
0x4f: {  	v32 =	vld [tilespmem:$0x1F80]  }
0x50: {  	v31 =	vld [tilespmem:$0x2000]  }
0x51: {  	v30 =	vld [tilespmem:$0x2080]  }
0x52: {  	v29 =	vld [tilespmem:$0x2100]  }
0x53: {  	v28 =	vld [tilespmem:$0x2180]  }
0x54: {  	v27 =	vld [tilespmem:$0x2200]  }
0x55: {  	v26 =	vld [tilespmem:$0x2280]  }
0x56: {  	v25 =	vld [tilespmem:$0x2300]  }
0x57: {  	v24 =	vld [tilespmem:$0x2380]  }
0x58: {  	v23 =	vld [tilespmem:$0x2400]  }
0x59: {  	v22 =	vld [tilespmem:$0x2480]  }
0x5a: {  	v21 =	vld [tilespmem:$0x2500]  }
0x5b: {  	v20 =	vld [tilespmem:$0x2580]  }
0x5c: {  	v19 =	vld [tilespmem:$0x2600]  }
0x5d: {  	v18 =	vld [tilespmem:$0x2680]  }
0x5e: {  	v17 =	vld [tilespmem:$0x2700]  }
0x5f: {  	v16 =	vld [tilespmem:$0x2780]  }
0x60: {  	v15 =	vld [tilespmem:$0x2800]  }
0x61: {  	v14 =	vld [tilespmem:$0x2880]  }
0x62: {  	v13 =	vld [tilespmem:$0x2900]  }
0x63: {  	v12 =	vld [tilespmem:$0x2980]  }
0x64: {  	v11 =	vld [tilespmem:$0x2A00]  }
0x65: {  	v10 =	vld [tilespmem:$0x2A80]  }
0x66: {  	v9 =	vld [tilespmem:$0x2B00]  }
0x67: {  	v8 =	vld [tilespmem:$0x2B80]  }
0x68: {  	v7 =	vld [tilespmem:$0x2C00]  }
0x69: {  	v0 =	vld [tilespmem:$0x2D80]  }
0x6a: {  	v4 =	vld [tilespmem:$0x2E00]  }
0x6b: {  	v1 =	vld [tilespmem:$0x5080]  }
0x6c: {  	v2 =	vld [tilespmem:$0x5100]  }
0x6d: {  	v6 =	vld [tilespmem:$0x2C80]  }
0x6e: {  	v3 =	vld [tilespmem:$0x5180]  }
0x6f: {  	[tilespmem:$0x1FF70] =	vst v4;
	v4 =	vld [tilespmem:$0x2E80]  }
0x70: {  	[tilespmem:$0x1FF60] =	vst v0;
	v0 =	vld [tilespmem:$0x5000]  }
0x71: {  	v1 =	vadd.f32 v1, v43;
	v2 =	vadd.f32 v2, v44;
	v44 =	vld [tilespmem:$0x5380]  }
0x72: {  	v5 =	vld [tilespmem:$0x2D00]  }
0x73: {  	v3 =	vadd.f32 v3, v45;
	v45 =	vmax.f32 v1, $0.0e+00;
	v1 =	vld [tilespmem:$0x5400]  }
0x74: {  	[tilespmem:$0x1FF80] =	vst v4;
	v4 =	vld [tilespmem:$0x2F00]  }
0x75: {  	v0 =	vadd.f32 v0, v42;
	v42 =	vld [tilespmem:$0x5280]  }
0x76: {  	v44 =	vadd.f32 v44, v49;
	v49 =	vld [tilespmem:$0x5680]  }
0x77: {  	v43 =	vld [tilespmem:$0x5300]  }
0x78: {  	v1 =	vadd.f32 v1, v50;
	v50 =	vld [tilespmem:$0x5700]  }
0x79: {  	[tilespmem:$0x1FF90] =	vst v4;
	v4 =	vld [tilespmem:$0x2F80]  }
0x7a: {  	v42 =	vadd.f32 v42, v47;
	v47 =	vmax.f32 v3, $0.0e+00;
	v3 =	vld [tilespmem:$0x5500]  }
0x7b: {  	[tilespmem:$0x1080] =	vst v45;
	v45 =	vadd.f32 v49, v55;
	v55 =	vld [tilespmem:$0x5980]  }
0x7c: {  	[tilespmem:$0x1180] =	vst v47;
	v47 =	vld [tilespmem:$0x5F00];
	v42 =	vmax.f32 v42, $0.0e+00  }
0x7d: {  	v45 =	vmax.f32 v45, $0.0e+00;
	[tilespmem:$0x1280] =	vst v42;
	v42 =	vadd.f32 v50, v56;
	v56 =	vld [tilespmem:$0x5A00]  }
0x7e: {  	[tilespmem:$0x1680] =	vst v45;
	v45 =	vld [tilespmem:$0x5E00]  }
0x7f: {  	v50 =	vld [tilespmem:$0x6000];
	v3 =	vadd.f32 v3, v52  }
0x80: {  	v43 =	vadd.f32 v43, v48;
	v0 =	vmax.f32 v0, $0.0e+00;
	[tilespmem:$0x1FFA0] =	vst v4;
	v4 =	vld [tilespmem:$0x5200]  }
0x81: {  	[tilespmem:$0x1000] =	vst v0;
	v52 =	vld [tilespmem:$0x5800];
	v3 =	vmax.f32 v3, $0.0e+00  }
0x82: {  	v43 =	vmax.f32 v43, $0.0e+00;
	[tilespmem:$0x1500] =	vst v3;
	v3 =	vadd.f32 v55, v61;
	v61 =	vld [tilespmem:$0x5C80]  }
0x83: {  	v44 =	vmax.f32 v44, $0.0e+00;
	[tilespmem:$0x1300] =	vst v43;
	v55 =	vld [tilespmem:$0x6200]  }
0x84: {  	[tilespmem:$0x1380] =	vst v44;
	v1 =	vmax.f32 v1, $0.0e+00;
	v31 =	vadd.f32 v50, v31;
	v50 =	vld [tilespmem:$0x6D00]  }
0x85: {  	[tilespmem:$0x1400] =	vst v1;
	v42 =	vmax.f32 v42, $0.0e+00;
	v4 =	vadd.f32 v4, v46;
	v46 =	vmax.f32 v2, $0.0e+00;
	v2 =	vld [tilespmem:$0x5480]  }
0x86: {  	[tilespmem:$0x1700] =	vst v42;
	v44 =	vadd.f32 v52, v58;
	v58 =	vld [tilespmem:$0x5B00]  }
0x87: {  	v3 =	vmax.f32 v3, $0.0e+00;
	v52 =	vld [tilespmem:$0x6080];
	[tilespmem:$0x1100] =	vst v46  }
0x88: {  	[tilespmem:$0x1980] =	vst v3;
	v48 =	vmax.f32 v4, $0.0e+00;
	v4 =	vld [tilespmem:$0x5580]  }
0x89: {  	v31 =	vmax.f32 v31, $0.0e+00;
	v3 =	vadd.f32 v45, v35;
	[tilespmem:$0x1200] =	vst v48;
	v48 =	vld [tilespmem:$0x5600]  }
0x8a: {  	v46 =	vld [tilespmem:$0x5E80];
	[tilespmem:$0x2000] =	vst v31;
	v44 =	vmax.f32 v44, $0.0e+00;
	v5 =	vadd.f32 v50, v5  }
0x8b: {  	[tilespmem:$0x1800] =	vst v44;
	v38 =	vadd.f32 v61, v38;
	v3 =	vmax.f32 v3, $0.0e+00;
	v61 =	vld [tilespmem:$0x6480];
	v2 =	vadd.f32 v2, v51  }
0x8c: {  	[tilespmem:$0x1E00] =	vst v3;
	v51 =	vld [tilespmem:$0x5780];
	v41 =	vadd.f32 v58, v41;
	v5 =	vmax.f32 v5, $0.0e+00  }
0x8d: {  	v35 =	vld [tilespmem:$0x6680];
	[tilespmem:$0x2D00] =	vst v5;
	v4 =	vadd.f32 v4, v53;
	v2 =	vmax.f32 v2, $0.0e+00  }
0x8e: {  	v53 =	vld [tilespmem:$0x5880];
	v41 =	vmax.f32 v41, $0.0e+00;
	v0 =	vadd.f32 v48, v54;
	[tilespmem:$0x1480] =	vst v2  }
0x8f: {  	v54 =	vld [tilespmem:$0x5900];
	[tilespmem:$0x1B00] =	vst v41;
	v4 =	vmax.f32 v4, $0.0e+00  }
0x90: {  	v45 =	vld [tilespmem:$0x6A80];
	v22 =	vadd.f32 v61, v22;
	v0 =	vmax.f32 v0, $0.0e+00;
	[tilespmem:$0x1580] =	vst v4  }
0x91: {  	v48 =	vld [tilespmem:$0x5F80];
	v43 =	vadd.f32 v51, v57;
	v51 =	vmax.f32 v38, $0.0e+00;
	[tilespmem:$0x1600] =	vst v0  }
0x92: {  	v41 =	vld [tilespmem:$0x6900];
	v4 =	vadd.f32 v56, v62;
	v22 =	vmax.f32 v22, $0.0e+00;
	[tilespmem:$0x1C80] =	vst v51  }
0x93: {  	v57 =	vld [tilespmem:$0x5A80];
	[tilespmem:$0x2480] =	vst v22;
	v1 =	vadd.f32 v53, v59;
	v43 =	vmax.f32 v43, $0.0e+00  }
0x94: {  	v62 =	vld [tilespmem:$0x5D00];
	v4 =	vmax.f32 v4, $0.0e+00;
	v2 =	vadd.f32 v54, v60;
	[tilespmem:$0x1780] =	vst v43  }
0x95: {  	v56 =	vld [tilespmem:$0x6280];
	[tilespmem:$0x1A00] =	vst v4;
	v4 =	vadd.f32 v46, v34;
	v1 =	vmax.f32 v1, $0.0e+00  }
0x96: {  	v44 =	vld [tilespmem:$0x6A00];
	v32 =	vadd.f32 v48, v32;
	v2 =	vmax.f32 v2, $0.0e+00;
	[tilespmem:$0x1880] =	vst v1  }
0x97: {  	v59 =	vld [tilespmem:$0x5B80];
	v13 =	vadd.f32 v41, v13;
	v4 =	vmax.f32 v4, $0.0e+00;
	[tilespmem:$0x1900] =	vst v2  }
0x98: {  	v53 =	vld [tilespmem:$0x6100];
	v0 =	vadd.f32 v57, v63;
	v32 =	vmax.f32 v32, $0.0e+00;
	[tilespmem:$0x1E80] =	vst v4  }
0x99: {  	v60 =	vld [tilespmem:$0x5C00];
	v1 =	vadd.f32 v62, v37;
	v13 =	vmax.f32 v13, $0.0e+00;
	[tilespmem:$0x1F80] =	vst v32  }
0x9a: {  	v58 =	vld [tilespmem:$0x6380];
	v3 =	vadd.f32 v56, v26;
	[tilespmem:$0x2900] =	vst v13;
	v0 =	vmax.f32 v0, $0.0e+00  }
0x9b: {  	v30 =	vadd.f32 v52, v30;
	v52 =	vld [tilespmem:$0x6D80];
	v11 =	vadd.f32 v44, v11;
	v1 =	vmax.f32 v1, $0.0e+00;
	[tilespmem:$0x1A80] =	vst v0  }
0x9c: {  	v54 =	vld [tilespmem:$0x6180];
	v3 =	vmax.f32 v3, $0.0e+00;
	[tilespmem:$0x1D00] =	vst v1  }
0x9d: {  	v43 =	vld [tilespmem:$0x6980];
	v40 =	vadd.f32 v59, v40;
	v29 =	vadd.f32 v53, v29;
	v53 =	vmax.f32 v11, $0.0e+00;
	[tilespmem:$0x2280] =	vst v3  }
0x9e: {  	v63 =	vld [tilespmem:$0x5D80];
	v39 =	vadd.f32 v60, v39;
	v60 =	vmax.f32 v30, $0.0e+00;
	[tilespmem:$0x2A00] =	vst v53  }
0x9f: {  	v57 =	vld [tilespmem:$0x6300];
	v40 =	vmax.f32 v40, $0.0e+00;
	[tilespmem:$0x2080] =	vst v60  }
0xa0: {  	v61 =	vld [tilespmem:$0x1FF90];
	v0 =	vadd.f32 v47, v33;
	v62 =	vmax.f32 v29, $0.0e+00;
	[tilespmem:$0x1B80] =	vst v40  }
0xa1: {  	v34 =	vld [tilespmem:$0x6600];
	v1 =	vadd.f32 v54, v28;
	v49 =	vmax.f32 v39, $0.0e+00;
	[tilespmem:$0x2100] =	vst v62  }
0xa2: {  	v59 =	vld [tilespmem:$0x6400];
	v12 =	vadd.f32 v43, v12;
	v0 =	vmax.f32 v0, $0.0e+00;
	[tilespmem:$0x1C00] =	vst v49  }
0xa3: {  	v38 =	vld [tilespmem:$0x6800];
	v2 =	vadd.f32 v63, v36;
	v1 =	vmax.f32 v1, $0.0e+00;
	[tilespmem:$0x1F00] =	vst v0  }
0xa4: {  	v33 =	vld [tilespmem:$0x6580];
	v4 =	vadd.f32 v57, v25;
	v51 =	vmax.f32 v12, $0.0e+00;
	[tilespmem:$0x2180] =	vst v1  }
0xa5: {  	v37 =	vld [tilespmem:$0x6780];
	v0 =	vadd.f32 v58, v24;
	[tilespmem:$0x2980] =	vst v51;
	v2 =	vmax.f32 v2, $0.0e+00  }
0xa6: {  	v46 =	vld [tilespmem:$0x6B00];
	v1 =	vadd.f32 v34, v19;
	v4 =	vmax.f32 v4, $0.0e+00;
	[tilespmem:$0x1D80] =	vst v2  }
0xa7: {  	v48 =	vld [tilespmem:$0x6C00];
	v23 =	vadd.f32 v59, v23;
	v0 =	vmax.f32 v0, $0.0e+00;
	[tilespmem:$0x2300] =	vst v4  }
0xa8: {  	v63 =	vld [tilespmem:$0x6500];
	v2 =	vadd.f32 v55, v27;
	v1 =	vmax.f32 v1, $0.0e+00;
	[tilespmem:$0x2380] =	vst v0  }
0xa9: {  	v36 =	vld [tilespmem:$0x6700];
	v20 =	vadd.f32 v33, v20;
	v23 =	vmax.f32 v23, $0.0e+00;
	[tilespmem:$0x2600] =	vst v1  }
0xaa: {  	v39 =	vld [tilespmem:$0x6880];
	v4 =	vadd.f32 v37, v16;
	v2 =	vmax.f32 v2, $0.0e+00;
	[tilespmem:$0x2400] =	vst v23  }
0xab: {  	v56 =	vld [tilespmem:$0x6F00];
	v0 =	vadd.f32 v38, v15;
	v42 =	vmax.f32 v20, $0.0e+00;
	[tilespmem:$0x2200] =	vst v2  }
0xac: {  	v47 =	vld [tilespmem:$0x6B80];
	v1 =	vadd.f32 v45, v10;
	v4 =	vmax.f32 v4, $0.0e+00;
	[tilespmem:$0x2580] =	vst v42  }
0xad: {  	v49 =	vld [tilespmem:$0x6C80];
	v21 =	vadd.f32 v63, v21;
	v0 =	vmax.f32 v0, $0.0e+00;
	[tilespmem:$0x2780] =	vst v4  }
0xae: {  	v54 =	vld [tilespmem:$0x6E00];
	v3 =	vadd.f32 v36, v17;
	v1 =	vmax.f32 v1, $0.0e+00;
	[tilespmem:$0x2800] =	vst v0  }
0xaf: {  	v60 =	vld [tilespmem:$0x1FF80];
	v14 =	vadd.f32 v39, v14;
	v40 =	vmax.f32 v21, $0.0e+00;
	[tilespmem:$0x2A80] =	vst v1  }
0xb0: {  	v57 =	vld [tilespmem:$0x6F80];
	v2 =	vadd.f32 v35, v18;
	v3 =	vmax.f32 v3, $0.0e+00;
	[tilespmem:$0x2500] =	vst v40  }
0xb1: {  	v59 =	vld [tilespmem:$0x1FF70];
	v4 =	vadd.f32 v48, v7;
	v14 =	vmax.f32 v14, $0.0e+00;
	[tilespmem:$0x2700] =	vst v3  }
0xb2: {  	v55 =	vld [tilespmem:$0x6E80];
	v0 =	vadd.f32 v49, v6;
	v2 =	vmax.f32 v2, $0.0e+00;
	[tilespmem:$0x2880] =	vst v14  }
0xb3: {  	v58 =	vld [tilespmem:$0x1FF60];
	v1 =	vadd.f32 v56, v61;
	v4 =	vmax.f32 v4, $0.0e+00;
	[tilespmem:$0x2680] =	vst v2  }
0xb4: {  	v62 =	vld [tilespmem:$0x1FFA0];
	v3 =	vadd.f32 v47, v8;
	v0 =	vmax.f32 v0, $0.0e+00;
	[tilespmem:$0x2C00] =	vst v4  }
0xb5: {  	v2 =	vadd.f32 v46, v9;
	v1 =	vmax.f32 v1, $0.0e+00;
	[tilespmem:$0x2C80] =	vst v0  }
0xb6: {  	v4 =	vadd.f32 v54, v59;
	v3 =	vmax.f32 v3, $0.0e+00;
	[tilespmem:$0x2F00] =	vst v1  }
0xb7: {  	v0 =	vadd.f32 v55, v60;
	v2 =	vmax.f32 v2, $0.0e+00;
	[tilespmem:$0x2B80] =	vst v3  }
0xb8: {  	v3 =	vadd.f32 v52, v58;
	v4 =	vmax.f32 v4, $0.0e+00;
	[tilespmem:$0x2B00] =	vst v2  }
0xb9: {  	v2 =	vadd.f32 v57, v62;
	v0 =	vmax.f32 v0, $0.0e+00;
	[tilespmem:$0x2E00] =	vst v4  }
0xba: {  	v3 =	vmax.f32 v3, $0.0e+00;
	[tilespmem:$0x2E80] =	vst v0  }
0xbb: {  	[tilespmem:$0x2D80] =	vst v3;
	v63 =	vmax.f32 v2, $0.0e+00  }
0xbc: {  	s1 =	sor.u32 $0x800, s30;
	[tilespmem:$0x2F80] =	vst v63  }
0xbd: {  	[spmem:s2] =	stream.indirect.scatter.add.f32 [tilespmem:s14], [sflag:$0x5], $0x80, s1, s13, $0xb8;
	[tilespmem:$0x1CC00] =	vst v63  }
0xbe: {  	_ =	swait.ge [sflag:s20], $0x2000  }
0xbf: {  	[sflag:s20] =	ssyncset.done $0x0  }
0xc0: {  	[sflag:s20] =	ssyncadd.s32 $0xFFFFE000  }
0xc1: {  	_ =	swait.ge [sflag:s21], $0x2000  }
0xc2: {  	[sflag:s21] =	ssyncset.done $0x0  }
0xc3: {  	[sflag:s21] =	ssyncadd.s32 $0xFFFFE000  }
0xc4: {  	v42 =	vld [tilespmem:$0x3000]  }
0xc5: {  	v43 =	vld [tilespmem:$0x3080]  }
0xc6: {  	v44 =	vld [tilespmem:$0x3100]  }
0xc7: {  	v45 =	vld [tilespmem:$0x3180]  }
0xc8: {  	v46 =	vld [tilespmem:$0x3200]  }
0xc9: {  	v47 =	vld [tilespmem:$0x3280]  }
0xca: {  	v48 =	vld [tilespmem:$0x3300]  }
0xcb: {  	v49 =	vld [tilespmem:$0x3380]  }
0xcc: {  	v50 =	vld [tilespmem:$0x3400]  }
0xcd: {  	v51 =	vld [tilespmem:$0x3480]  }
0xce: {  	v52 =	vld [tilespmem:$0x3500]  }
0xcf: {  	v53 =	vld [tilespmem:$0x3580]  }
0xd0: {  	v54 =	vld [tilespmem:$0x3600]  }
0xd1: {  	v55 =	vld [tilespmem:$0x3680]  }
0xd2: {  	v56 =	vld [tilespmem:$0x3700]  }
0xd3: {  	v57 =	vld [tilespmem:$0x3780]  }
0xd4: {  	v58 =	vld [tilespmem:$0x3800]  }
0xd5: {  	v59 =	vld [tilespmem:$0x3880]  }
0xd6: {  	v60 =	vld [tilespmem:$0x3900]  }
0xd7: {  	v61 =	vld [tilespmem:$0x3980]  }
0xd8: {  	v62 =	vld [tilespmem:$0x3A00]  }
0xd9: {  	v63 =	vld [tilespmem:$0x3A80]  }
0xda: {  	v41 =	vld [tilespmem:$0x3B00]  }
0xdb: {  	v40 =	vld [tilespmem:$0x3B80]  }
0xdc: {  	v39 =	vld [tilespmem:$0x3C00]  }
0xdd: {  	v38 =	vld [tilespmem:$0x3C80]  }
0xde: {  	v37 =	vld [tilespmem:$0x3D00]  }
0xdf: {  	v36 =	vld [tilespmem:$0x3D80]  }
0xe0: {  	v35 =	vld [tilespmem:$0x3E00]  }
0xe1: {  	v34 =	vld [tilespmem:$0x3E80]  }
0xe2: {  	v33 =	vld [tilespmem:$0x3F00]  }
0xe3: {  	v32 =	vld [tilespmem:$0x3F80]  }
0xe4: {  	v31 =	vld [tilespmem:$0x4000]  }
0xe5: {  	v30 =	vld [tilespmem:$0x4080]  }
0xe6: {  	v29 =	vld [tilespmem:$0x4100]  }
0xe7: {  	v28 =	vld [tilespmem:$0x4180]  }
0xe8: {  	v27 =	vld [tilespmem:$0x4200]  }
0xe9: {  	v26 =	vld [tilespmem:$0x4280]  }
0xea: {  	v25 =	vld [tilespmem:$0x4300]  }
0xeb: {  	v24 =	vld [tilespmem:$0x4380]  }
0xec: {  	v23 =	vld [tilespmem:$0x4400]  }
0xed: {  	v22 =	vld [tilespmem:$0x4480]  }
0xee: {  	v21 =	vld [tilespmem:$0x4500]  }
0xef: {  	v20 =	vld [tilespmem:$0x4580]  }
0xf0: {  	v19 =	vld [tilespmem:$0x4600]  }
0xf1: {  	v18 =	vld [tilespmem:$0x4680]  }
0xf2: {  	v17 =	vld [tilespmem:$0x4700]  }
0xf3: {  	v16 =	vld [tilespmem:$0x4780]  }
0xf4: {  	v15 =	vld [tilespmem:$0x4800]  }
0xf5: {  	v14 =	vld [tilespmem:$0x4880]  }
0xf6: {  	v13 =	vld [tilespmem:$0x4900]  }
0xf7: {  	v12 =	vld [tilespmem:$0x4980]  }
0xf8: {  	v11 =	vld [tilespmem:$0x4A00]  }
0xf9: {  	v10 =	vld [tilespmem:$0x4A80]  }
0xfa: {  	v9 =	vld [tilespmem:$0x4B00]  }
0xfb: {  	v8 =	vld [tilespmem:$0x4B80]  }
0xfc: {  	v7 =	vld [tilespmem:$0x4C00]  }
0xfd: {  	v4 =	vld [tilespmem:$0x4D80]  }
0xfe: {  	v0 =	vld [tilespmem:$0x7000]  }
0xff: {  	v1 =	vld [tilespmem:$0x7080]  }
0x100: {  	v6 =	vld [tilespmem:$0x4C80]  }
0x101: {  	v3 =	vld [tilespmem:$0x7180]  }
0x102: {  	v5 =	vld [tilespmem:$0x4D00]  }
0x103: {  	[tilespmem:$0x1FFB0] =	vst v4;
	v4 =	vld [tilespmem:$0x4E00]  }
0x104: {  	v0 =	vadd.f32 v0, v42;
	v42 =	vld [tilespmem:$0x7280];
	v1 =	vadd.f32 v1, v43  }
0x105: {  	v2 =	vld [tilespmem:$0x7100]  }
0x106: {  	v3 =	vadd.f32 v3, v45;
	v45 =	vmax.f32 v1, $0.0e+00;
	v1 =	vld [tilespmem:$0x7400]  }
0x107: {  	v43 =	vld [tilespmem:$0x7300]  }
0x108: {  	[tilespmem:$0x1FFC0] =	vst v4;
	v4 =	vld [tilespmem:$0x4E80]  }
0x109: {  	v42 =	vadd.f32 v42, v47;
	v47 =	vmax.f32 v3, $0.0e+00;
	v3 =	vld [tilespmem:$0x7500]  }
0x10a: {  	v2 =	vadd.f32 v2, v44;
	v44 =	vld [tilespmem:$0x7380]  }
0x10b: {  	v1 =	vadd.f32 v1, v50;
	v50 =	vld [tilespmem:$0x7680]  }
0x10c: {  	[tilespmem:$0x3080] =	vst v45;
	v45 =	vld [tilespmem:$0x8C00]  }
0x10d: {  	[tilespmem:$0x1FFD0] =	vst v4;
	v4 =	vld [tilespmem:$0x4F00]  }
0x10e: {  	v3 =	vadd.f32 v3, v52;
	v52 =	vld [tilespmem:$0x7780]  }
0x10f: {  	v43 =	vadd.f32 v43, v48;
	v48 =	vld [tilespmem:$0x7580];
	v42 =	vmax.f32 v42, $0.0e+00  }
0x110: {  	v44 =	vadd.f32 v44, v49;
	[tilespmem:$0x3280] =	vst v42;
	v42 =	vadd.f32 v50, v55;
	v55 =	vld [tilespmem:$0x7900]  }
0x111: {  	v49 =	vld [tilespmem:$0x7600];
	[tilespmem:$0x3180] =	vst v47  }
0x112: {  	v44 =	vmax.f32 v44, $0.0e+00;
	[tilespmem:$0x1FFE0] =	vst v4;
	v4 =	vld [tilespmem:$0x4F80]  }
0x113: {  	v0 =	vmax.f32 v0, $0.0e+00;
	v47 =	vld [tilespmem:$0x7C00];
	[tilespmem:$0x3380] =	vst v44;
	v44 =	vadd.f32 v52, v57  }
0x114: {  	[tilespmem:$0x3000] =	vst v0;
	v3 =	vmax.f32 v3, $0.0e+00;
	v52 =	vld [tilespmem:$0x7E80]  }
0x115: {  	[tilespmem:$0x3500] =	vst v3;
	v44 =	vmax.f32 v44, $0.0e+00;
	v3 =	vadd.f32 v55, v60;
	v60 =	vld [tilespmem:$0x7B80]  }
0x116: {  	[tilespmem:$0x3780] =	vst v44;
	v44 =	vld [tilespmem:$0x8B80]  }
0x117: {  	v43 =	vmax.f32 v43, $0.0e+00;
	[tilespmem:$0x1FFF0] =	vst v4;
	v4 =	vld [tilespmem:$0x7200]  }
0x118: {  	[tilespmem:$0x3300] =	vst v43;
	v1 =	vmax.f32 v1, $0.0e+00;
	v50 =	vld [tilespmem:$0x7D80]  }
0x119: {  	[tilespmem:$0x3400] =	vst v1;
	v42 =	vmax.f32 v42, $0.0e+00;
	v57 =	vld [tilespmem:$0x7A00];
	v34 =	vadd.f32 v52, v34  }
0x11a: {  	[tilespmem:$0x3680] =	vst v42;
	v3 =	vmax.f32 v3, $0.0e+00;
	v40 =	vadd.f32 v60, v40;
	v60 =	vld [tilespmem:$0x8280]  }
0x11b: {  	v55 =	vld [tilespmem:$0x8000];
	[tilespmem:$0x3900] =	vst v3;
	v34 =	vmax.f32 v34, $0.0e+00  }
0x11c: {  	[tilespmem:$0x3E80] =	vst v34;
	v34 =	vld [tilespmem:$0x8680];
	v8 =	vadd.f32 v44, v8;
	v40 =	vmax.f32 v40, $0.0e+00;
	v4 =	vadd.f32 v4, v46  }
0x11d: {  	v46 =	vmax.f32 v2, $0.0e+00;
	v2 =	vld [tilespmem:$0x7480];
	[tilespmem:$0x3B80] =	vst v40  }
0x11e: {  	v52 =	vld [tilespmem:$0x8F80];
	v8 =	vmax.f32 v8, $0.0e+00;
	[tilespmem:$0x3100] =	vst v46;
	v0 =	vmax.f32 v4, $0.0e+00;
	v4 =	vadd.f32 v48, v53  }
0x11f: {  	[tilespmem:$0x4B80] =	vst v8;
	v53 =	vld [tilespmem:$0x7800];
	v26 =	vadd.f32 v60, v26  }
0x120: {  	[tilespmem:$0x3200] =	vst v0;
	v0 =	vadd.f32 v49, v54;
	v54 =	vld [tilespmem:$0x7880];
	v4 =	vmax.f32 v4, $0.0e+00  }
0x121: {  	v49 =	vld [tilespmem:$0x7D00];
	v18 =	vadd.f32 v34, v18;
	v26 =	vmax.f32 v26, $0.0e+00;
	[tilespmem:$0x3580] =	vst v4  }
0x122: {  	v2 =	vadd.f32 v2, v51;
	v51 =	vld [tilespmem:$0x7700];
	v0 =	vmax.f32 v0, $0.0e+00;
	[tilespmem:$0x4280] =	vst v26  }
0x123: {  	v40 =	vld [tilespmem:$0x8980];
	v18 =	vmax.f32 v18, $0.0e+00;
	[tilespmem:$0x3600] =	vst v0;
	v0 =	vadd.f32 v57, v62  }
0x124: {  	v48 =	vld [tilespmem:$0x7C80];
	[tilespmem:$0x4680] =	vst v18;
	v2 =	vmax.f32 v2, $0.0e+00;
	v1 =	vadd.f32 v53, v58  }
0x125: {  	v57 =	vld [tilespmem:$0x8100];
	[tilespmem:$0x3480] =	vst v2;
	v2 =	vadd.f32 v54, v59;
	v0 =	vmax.f32 v0, $0.0e+00  }
0x126: {  	v62 =	vld [tilespmem:$0x8380];
	v3 =	vadd.f32 v49, v37;
	v1 =	vmax.f32 v1, $0.0e+00;
	[tilespmem:$0x3A00] =	vst v0  }
0x127: {  	v58 =	vld [tilespmem:$0x7A80];
	v43 =	vadd.f32 v51, v56;
	[tilespmem:$0x3800] =	vst v1;
	v2 =	vmax.f32 v2, $0.0e+00  }
0x128: {  	v53 =	vld [tilespmem:$0x7F00];
	v1 =	vadd.f32 v47, v39;
	v3 =	vmax.f32 v3, $0.0e+00;
	[tilespmem:$0x3880] =	vst v2  }
0x129: {  	v59 =	vld [tilespmem:$0x7B00];
	v2 =	vadd.f32 v48, v38;
	[tilespmem:$0x3D00] =	vst v3;
	v43 =	vmax.f32 v43, $0.0e+00  }
0x12a: {  	v54 =	vld [tilespmem:$0x7F80];
	v3 =	vadd.f32 v57, v29;
	v1 =	vmax.f32 v1, $0.0e+00;
	[tilespmem:$0x3700] =	vst v43  }
0x12b: {  	v46 =	vld [tilespmem:$0x8C80];
	v24 =	vadd.f32 v62, v24;
	[tilespmem:$0x3C00] =	vst v1;
	v2 =	vmax.f32 v2, $0.0e+00  }
0x12c: {  	v56 =	vld [tilespmem:$0x7980];
	v42 =	vadd.f32 v58, v63;
	v3 =	vmax.f32 v3, $0.0e+00;
	[tilespmem:$0x3C80] =	vst v2  }
0x12d: {  	v51 =	vld [tilespmem:$0x7E00];
	v33 =	vadd.f32 v53, v33;
	v24 =	vmax.f32 v24, $0.0e+00;
	[tilespmem:$0x4100] =	vst v3  }
0x12e: {  	v63 =	vld [tilespmem:$0x8400];
	v41 =	vadd.f32 v59, v41;
	v42 =	vmax.f32 v42, $0.0e+00;
	[tilespmem:$0x4380] =	vst v24  }
0x12f: {  	v60 =	vld [tilespmem:$0x1FFF0];
	v32 =	vadd.f32 v54, v32;
	v33 =	vmax.f32 v33, $0.0e+00;
	[tilespmem:$0x3A80] =	vst v42  }
0x130: {  	v59 =	vld [tilespmem:$0x8200];
	v1 =	vadd.f32 v55, v31;
	v41 =	vmax.f32 v41, $0.0e+00;
	[tilespmem:$0x3F00] =	vst v33  }
0x131: {  	v31 =	vld [tilespmem:$0x8500];
	v4 =	vadd.f32 v56, v61;
	v32 =	vmax.f32 v32, $0.0e+00;
	[tilespmem:$0x3B00] =	vst v41  }
0x132: {  	v43 =	vld [tilespmem:$0x8B00];
	v0 =	vadd.f32 v51, v35;
	v1 =	vmax.f32 v1, $0.0e+00;
	[tilespmem:$0x3F80] =	vst v32  }
0x133: {  	v56 =	vld [tilespmem:$0x8080];
	[tilespmem:$0x4000] =	vst v1;
	v4 =	vmax.f32 v4, $0.0e+00;
	v1 =	vadd.f32 v63, v23  }
0x134: {  	v61 =	vld [tilespmem:$0x8300];
	v0 =	vmax.f32 v0, $0.0e+00;
	[tilespmem:$0x3980] =	vst v4;
	v4 =	vadd.f32 v50, v36  }
0x135: {  	v35 =	vld [tilespmem:$0x8700];
	[tilespmem:$0x3E00] =	vst v0;
	v0 =	vadd.f32 v59, v27;
	v1 =	vmax.f32 v1, $0.0e+00  }
0x136: {  	v37 =	vld [tilespmem:$0x8800];
	v3 =	vadd.f32 v31, v21;
	v4 =	vmax.f32 v4, $0.0e+00;
	[tilespmem:$0x4400] =	vst v1  }
0x137: {  	v42 =	vld [tilespmem:$0x8A80];
	v9 =	vadd.f32 v43, v9;
	v0 =	vmax.f32 v0, $0.0e+00;
	[tilespmem:$0x3D80] =	vst v4  }
0x138: {  	v58 =	vld [tilespmem:$0x8180];
	v2 =	vadd.f32 v56, v30;
	v3 =	vmax.f32 v3, $0.0e+00;
	[tilespmem:$0x4200] =	vst v0  }
0x139: {  	v33 =	vld [tilespmem:$0x8600];
	v25 =	vadd.f32 v61, v25;
	v9 =	vmax.f32 v9, $0.0e+00;
	[tilespmem:$0x4500] =	vst v3  }
0x13a: {  	v39 =	vld [tilespmem:$0x8900];
	v17 =	vadd.f32 v35, v17;
	[tilespmem:$0x4B00] =	vst v9;
	v2 =	vmax.f32 v2, $0.0e+00  }
0x13b: {  	v36 =	vld [tilespmem:$0x8780];
	v1 =	vadd.f32 v37, v15;
	v25 =	vmax.f32 v25, $0.0e+00;
	[tilespmem:$0x4080] =	vst v2  }
0x13c: {  	v47 =	vld [tilespmem:$0x8D00];
	v10 =	vadd.f32 v42, v10;
	v17 =	vmax.f32 v17, $0.0e+00;
	[tilespmem:$0x4300] =	vst v25  }
0x13d: {  	v32 =	vld [tilespmem:$0x8580];
	v4 =	vadd.f32 v58, v28;
	v1 =	vmax.f32 v1, $0.0e+00;
	[tilespmem:$0x4700] =	vst v17  }
0x13e: {  	v41 =	vld [tilespmem:$0x8A00];
	v0 =	vadd.f32 v33, v19;
	v10 =	vmax.f32 v10, $0.0e+00;
	[tilespmem:$0x4800] =	vst v1  }
0x13f: {  	v51 =	vld [tilespmem:$0x8F00];
	v3 =	vadd.f32 v39, v13;
	v4 =	vmax.f32 v4, $0.0e+00;
	[tilespmem:$0x4A80] =	vst v10  }
0x140: {  	v28 =	vld [tilespmem:$0x8480];
	v0 =	vmax.f32 v0, $0.0e+00;
	v16 =	vadd.f32 v36, v16;
	[tilespmem:$0x4180] =	vst v4  }
0x141: {  	v59 =	vld [tilespmem:$0x1FFE0];
	v3 =	vmax.f32 v3, $0.0e+00;
	v1 =	vadd.f32 v45, v7;
	[tilespmem:$0x4600] =	vst v0  }
0x142: {  	v49 =	vld [tilespmem:$0x8E00];
	v4 =	vadd.f32 v32, v20;
	[tilespmem:$0x4900] =	vst v3;
	v16 =	vmax.f32 v16, $0.0e+00  }
0x143: {  	v38 =	vld [tilespmem:$0x8880];
	v0 =	vadd.f32 v41, v11;
	v1 =	vmax.f32 v1, $0.0e+00;
	[tilespmem:$0x4780] =	vst v16  }
0x144: {  	v48 =	vld [tilespmem:$0x8D80];
	v3 =	vadd.f32 v47, v5;
	v4 =	vmax.f32 v4, $0.0e+00;
	[tilespmem:$0x4C00] =	vst v1  }
0x145: {  	v55 =	vld [tilespmem:$0x1FFC0];
	v2 =	vadd.f32 v28, v22;
	v0 =	vmax.f32 v0, $0.0e+00;
	[tilespmem:$0x4580] =	vst v4  }
0x146: {  	v53 =	vld [tilespmem:$0x1FFB0];
	v56 =	vmax.f32 v3, $0.0e+00;
	v3 =	vadd.f32 v51, v59;
	[tilespmem:$0x4A00] =	vst v0  }
0x147: {  	v57 =	vld [tilespmem:$0x1FFD0];
	v4 =	vadd.f32 v40, v12;
	[tilespmem:$0x4D00] =	vst v56;
	v2 =	vmax.f32 v2, $0.0e+00  }
0x148: {  	v50 =	vld [tilespmem:$0x8E80];
	v62 =	vmax.f32 v3, $0.0e+00;
	[tilespmem:$0x4480] =	vst v2;
	v2 =	vadd.f32 v38, v14  }
0x149: {  	v1 =	vadd.f32 v52, v60;
	v4 =	vmax.f32 v4, $0.0e+00;
	[tilespmem:$0x4F00] =	vst v62  }
0x14a: {  	v0 =	vadd.f32 v49, v55;
	[tilespmem:$0x4980] =	vst v4;
	v2 =	vmax.f32 v2, $0.0e+00  }
0x14b: {  	v63 =	vmax.f32 v1, $0.0e+00;
	v4 =	vadd.f32 v48, v53;
	[tilespmem:$0x4880] =	vst v2;
	v2 =	vadd.f32 v46, v6  }
0x14c: {  	v0 =	vmax.f32 v0, $0.0e+00;
	[tilespmem:$0x4F80] =	vst v63  }
0x14d: {  	[tilespmem:$0x4E00] =	vst v0;
	v58 =	vmax.f32 v4, $0.0e+00;
	v54 =	vmax.f32 v2, $0.0e+00;
	v2 =	vadd.f32 v50, v57  }
0x14e: {  	[tilespmem:$0x4D80] =	vst v58  }
0x14f: {  	[tilespmem:$0x4C80] =	vst v54;
	v61 =	vmax.f32 v2, $0.0e+00  }
0x150: {  	s29 =	sadd.s32 $0x800, s29;
	s31 =	sor.u32 $0x880, s30;
	[tilespmem:$0x4E80] =	vst v61  }
0x151: {  	[spmem:s2] =	stream.indirect.scatter.add.f32 [tilespmem:s16], [sflag:$0x6], $0x80, s31, s13, $0xb8;
	[tilespmem:$0x1CC00] =	vst v63  }
0x152: {  	p0 =	sne.s32 s29, $0x28000;
	_ =	swait.ge [sflag:s22], $0x2000  }
.Ltmp0:
0x153: {  	[sflag:s22] =	ssyncset.done $0x0;
	(pc) =	sbr.rel @p0 .LBB2_2-.Ltmp0, $4  }
0x154: {  	[sflag:s22] =	ssyncadd.s32 $0xFFFFE000  }
0x155: {  	_ =	swait.ge [sflag:s23], $0x2000  }
0x156: {  	s28 =	sadd.s32 $0x2, s28;
	[sflag:s23] =	ssyncset.done $0x0  }
0x157: {  	s26 =	sadd.s32 $0x20, s26;
	s25 =	sadd.s32 $0x20, s25;
	[sflag:s23] =	ssyncadd.s32 $0xFFFFE000  }
0x158: {  	s24 =	sadd.s32 $0x1, s24  }
0x159: {  	p0 =	sne.s32 s24, s8  }
.Ltmp1:
0x15a: {  	[bflag:$0x0] =	sbarrier.arrive $0xFFFF;
	(pc) =	sbr.rel @p0 .LBB2_1-.Ltmp1, $4  }
0x15b: {  	[hbm:s7], [sflag:s6] =	dma.local [spmem:s11], $0x2780  }
0x15c: {  	_ =	swait.ge [sflag:s12], $0x2780  }
0x15d: {  	[sflag:s12] =	ssyncset.done $0x0  }
0x15e: {  	[sflag:s12] =	ssyncadd.s32 $0xFFFFD880  }
0x15f: {  	_ =	sfence.sel $0x180000  }
0x160: {  	[bflag:$0x0] =	sbarrier.arrive $0xFFFF  }
0x161: {  	_ =	strace $0x9000004D  }
0x162: {  	s0 =	stileid.u32;
	[bflag:$0x2] =	sbarrier.arrive $0xFFFF  }
0x163: {  	p0 =	sne.s32 s0, $0x0;
	s0 =	rddreg [dreg:$0x2]  }
0x164: {  	s0 =	sadd.s32 @!p0 $0x100000, s0  }
0x165: {  	[sflag:s0] =	ssyncadd.tile.s32 @!p0 $0x1;
	_ =	shalt  }
.Lfunc_end2:
_tile_overlayer_lowered:
.L_overlay_start_2:
0x166: {  	(tag) =	ssettag $0x2  }
0x167: {  	s0 =	rddreg [dreg:$0x0];
	s2 =	stileid.u32  }
0x168: {  	s1 =	rddreg [dreg:$0x1];
	p0 =	sne.s32 s2, $0x0  }
0x169: {  	s3 =	rddreg [dreg:$0x2];
	[bflag:$0x3] =	sbarrier.arrive $0xFFFF;
	s2 =	simm.s32 @!p0 $0x1C07  }
0x16a: {  	[timem:s3], [sflag:s2] =	dma.local @!p0 [hbm:s0], s1  }
0x16b: {  	s0 =	simm.s32 @!p0 $0x7  }
0x16c: {  	_ =	swait.ge @!p0 [sflag:s0], s1  }
0x16d: {  	s1 =	ssub.s32 @!p0 $0x0, s1;
	[sflag:s0] =	ssyncset.done @!p0 $0x0  }
0x16e: {  	[sflag:s0] =	ssyncadd.s32 @!p0 s1  }
0x16f: {  	[bflag:$0x3] =	sbarrier.arrive $0xFFFF  }
0x170: {  	_ =	shalt  }

</sc_bundles>
